<compile_context>
chip_gen: v7x
topology: tpu7x:2x2x1
jax: 0.10.2.dev20260603
libtpu: 0.0.44.dev20260713+nightly
codegen_flags: <defaults>
</compile_context>

<pallas_src>
import functools

import jax
import jax.numpy as jnp
from jax import lax
from jax.experimental import pallas as pl
from jax.experimental.pallas import tpu as pltpu
from jax.experimental.pallas import tpu_sc as plsc

N = 10000
E = 320000
D_IN = 128
D_HID = 64
D_OUT = 64

NC = 2
NS = 16
NW = NC * NS
EPW = E // NW
CH = 80
NCHUNK = EPW // CH
_RING = 5

_MESH = plsc.VectorSubcoreMesh(
    core_axis_name="c", subcore_axis_name="s", num_cores=NC, num_subcores=NS
)
_SC_PARAMS = pltpu.CompilerParams(use_tc_tiling_on_sc=False)


@functools.partial(
    pl.kernel,
    mesh=_MESH,
    out_type=jax.ShapeDtypeStruct((NC, N), jnp.float32),
    compiler_params=_SC_PARAMS,
    scratch_types=[
        pltpu.VMEM((NCHUNK, CH), jnp.int32),
        pltpu.VMEM((CH,), jnp.float32),
        pltpu.VMEM_SHARED((N,), jnp.float32),
        pltpu.SemaphoreType.DMA,
    ],
)
def _sc_deg(dst_hbm, zeros_hbm, out_hbm, didx, ones, acc, sem):
    cid = lax.axis_index("c")
    sid = lax.axis_index("s")
    wid = cid * NS + sid
    for j in range(CH // 16):
        ones[pl.ds(j * 16, 16)] = jnp.full((16,), 1.0, jnp.float32)

    @pl.when(sid == 0)
    def _():
        pltpu.sync_copy(zeros_hbm, acc)

    pltpu.sync_copy(dst_hbm.at[wid], didx)
    plsc.subcore_barrier()

    def body(i, carry):
        pltpu.async_copy(ones, acc.at[didx.at[i]], sem, add=True)

        @pl.when(i >= 4)
        def _():
            pltpu.make_async_copy(ones, acc.at[didx.at[0]], sem).wait()

        return carry

    lax.fori_loop(0, NCHUNK, body, 0)
    for _ in range(4):
        pltpu.make_async_copy(ones, acc.at[didx.at[0]], sem).wait()
    plsc.subcore_barrier()

    @pl.when(sid == 0)
    def _():
        pltpu.sync_copy(acc, out_hbm.at[cid])


@functools.partial(
    pl.kernel,
    mesh=_MESH,
    out_type=jax.ShapeDtypeStruct((NC, N, D_HID), jnp.float32),
    compiler_params=_SC_PARAMS,
    scratch_types=[
        pltpu.VMEM((NCHUNK, CH), jnp.int32),
        pltpu.VMEM((NCHUNK, CH), jnp.int32),
        pltpu.VMEM((_RING, CH, D_HID), jnp.float32),
        pltpu.VMEM_SHARED((N, D_HID), jnp.float32),
        [pltpu.SemaphoreType.DMA] * _RING,
    ],
)
def _sc_agg(g_hbm, src_hbm, dst_hbm, zeros_hbm, out_hbm,
            sidx, didx, rows, acc, sems):
    cid = lax.axis_index("c")
    sid = lax.axis_index("s")
    wid = cid * NS + sid

    @pl.when(sid == 0)
    def _():
        pltpu.sync_copy(zeros_hbm, acc)

    pltpu.sync_copy(src_hbm.at[wid], sidx)
    pltpu.sync_copy(dst_hbm.at[wid], didx)
    plsc.subcore_barrier()

    for b in range(_RING):
        pltpu.async_copy(g_hbm.at[sidx.at[b]], rows.at[b], sems[b])

    def body(k, carry):
        i = k * _RING
        for b in range(_RING):
            pltpu.make_async_copy(g_hbm.at[sidx.at[i + b]], rows.at[b], sems[b]).wait()
            pltpu.sync_copy(rows.at[b], acc.at[didx.at[i + b]], add=True)
            pltpu.async_copy(g_hbm.at[sidx.at[i + b + _RING]], rows.at[b], sems[b])
        return carry

    lax.fori_loop(0, NCHUNK // _RING - 1, body, 0)
    tail = NCHUNK - _RING
    for b in range(_RING):
        pltpu.make_async_copy(g_hbm.at[sidx.at[tail + b]], rows.at[b], sems[b]).wait()
        pltpu.sync_copy(rows.at[b], acc.at[didx.at[tail + b]], add=True)
    plsc.subcore_barrier()

    @pl.when(sid == 0)
    def _():
        pltpu.sync_copy(acc, out_hbm.at[cid])


def _k1_body(degp_ref, x_ref, w1_ref, g1_ref, dinv_ref):
    deg = degp_ref[0] + degp_ref[1] + 1.0
    dinv = lax.rsqrt(deg)
    h = jnp.dot(x_ref[...], w1_ref[...], preferred_element_type=jnp.float32)
    g1_ref[...] = h * dinv
    dinv_ref[...] = dinv


def _k2_body(p_ref, g1_ref, dinv_ref, b1_ref, w2_ref, g2_ref):
    acc = p_ref[0] + p_ref[1] + g1_ref[...]
    h1 = jnp.maximum(acc * dinv_ref[...] + b1_ref[...], 0.0)
    h = jnp.dot(h1, w2_ref[...], preferred_element_type=jnp.float32)
    g2_ref[...] = h * dinv_ref[...]


def _k3_body(p_ref, g2_ref, dinv_ref, b2_ref, w3_ref, b3_ref, out_ref):
    acc = p_ref[0] + p_ref[1] + g2_ref[...]
    h2 = jnp.maximum(acc * dinv_ref[...] + b2_ref[...], 0.0)
    out_ref[...] = (
        jnp.dot(h2, w3_ref[...], preferred_element_type=jnp.float32) + b3_ref[...]
    )


_k1 = pl.pallas_call(
    _k1_body,
    out_shape=(
        jax.ShapeDtypeStruct((N, D_HID), jnp.float32),
        jax.ShapeDtypeStruct((N, 1), jnp.float32),
    ),
)

_k2 = pl.pallas_call(
    _k2_body,
    out_shape=jax.ShapeDtypeStruct((N, D_HID), jnp.float32),
)

_k3 = pl.pallas_call(
    _k3_body,
    out_shape=jax.ShapeDtypeStruct((N, D_OUT), jnp.float32),
)


def kernel(x, edge_index, W1, b1, W2, b2, W3, b3):
    src = edge_index[0]
    dst = edge_index[1]
    src_r = src.reshape(NW, NCHUNK, CH)
    dst_r = dst.reshape(NW, NCHUNK, CH)
    zeros1 = jnp.zeros((N,), jnp.float32)
    zeros2 = jnp.zeros((N, D_HID), jnp.float32)
    b1r = b1.reshape(1, D_HID)
    b2r = b2.reshape(1, D_HID)
    b3r = b3.reshape(1, D_OUT)

    degp = _sc_deg(dst_r, zeros1)
    g1, dinv = _k1(degp.reshape(NC, N, 1), x, W1)
    p1 = _sc_agg(g1, src_r, dst_r, zeros2)
    g2 = _k2(p1, g1, dinv, b1r, W2)
    p2 = _sc_agg(g2, src_r, dst_r, zeros2)
    return _k3(p2, g2, dinv, b2r, W3, b3r)

# --- scband reference (transcript-rebuilt; emitter-appended) ---
"""Pipeline reference for scband-gcn-8108898255568 (READ-ONLY COPY).

The authoritative reference and input builder live on the scoring server;
editing this copy changes nothing except your own understanding.
"""

import jax, jax.numpy as jnp
import numpy as np

N_NODES = 10000
N_EDGES = 320000
D_IN = 128
D_HID = 64
D_OUT = 64


def setup_inputs(seed: int = 0) -> dict:
    key = jax.random.key(seed)
    ks = jax.random.split(key, 8)
    x = jax.random.normal(ks[0], (N_NODES, D_IN), dtype=jnp.float32)
    edge_index = jax.random.randint(ks[1], (2, N_EDGES), 0, N_NODES, dtype=jnp.int64 if jax.config.jax_enable_x64 else jnp.int32).astype(jnp.int32)
    W1 = jax.random.normal(ks[2], (D_IN, D_HID), dtype=jnp.float32) * (1.0 / np.sqrt(D_IN))
    b1 = jnp.zeros((D_HID,), dtype=jnp.float32)
    W2 = jax.random.normal(ks[3], (D_HID, D_HID), dtype=jnp.float32) * (1.0 / np.sqrt(D_HID))
    b2 = jnp.zeros((D_HID,), dtype=jnp.float32)
    W3 = jax.random.normal(ks[4], (D_HID, D_OUT), dtype=jnp.float32) * (1.0 / np.sqrt(D_HID))
    b3 = jnp.zeros((D_OUT,), dtype=jnp.float32)
    return {"x": x, "edge_index": edge_index, "W1": W1, "b1": b1, "W2": W2, "b2": b2, "W3": W3, "b3": b3}


def gcn_conv(x, edge_index, W, b):
    n = x.shape[0]
    src = edge_index[0]
    dst = edge_index[1]
    loop = jnp.arange(n, dtype=src.dtype)
    src = jnp.concatenate([src, loop])
    dst = jnp.concatenate([dst, loop])
    ones = jnp.ones(src.shape[0], dtype=x.dtype)
    deg = jnp.zeros((n,), dtype=x.dtype).at[dst].add(ones)
    deg_inv_sqrt = jnp.where(deg > 0, deg ** -0.5, 0.0)
    norm = deg_inv_sqrt[src] * deg_inv_sqrt[dst]
    h = x @ W
    msg = jnp.take(h, src, axis=0) * norm[:, None]
    out = jnp.zeros((n, W.shape[1]), dtype=x.dtype).at[dst].add(msg)
    return out + b


def reference(x, edge_index, W1, b1, W2, b2, W3, b3):
    h = jax.nn.relu(gcn_conv(x, edge_index, W1, b1))
    h = jax.nn.relu(gcn_conv(h, edge_index, W2, b2))
    return h @ W3 + b3

if __name__ == "__main__":
    import jax
    _d = setup_inputs()
    print(jax.jit(kernel)(*tuple(_d.values())))

</pallas_src>

<mosaic_0001>
#map = affine_map<(d0, d1) -> (0, 0, 0)>
#map1 = affine_map<(d0, d1) -> (0)>
#map2 = affine_map<(d0, d1) -> (0, 0)>
module attributes {stable_mosaic.version = 14 : i64} {
  func.func @_sc_deg(%arg0: i32, %arg1: i32, %arg2: memref<32x125x80xi32, #tpu.memory_space<hbm>>, %arg3: memref<10000xf32, #tpu.memory_space<hbm>>, %arg4: memref<2x10000xf32, #tpu.memory_space<hbm>>, %arg5: memref<125x80xi32, #tpu.memory_space<vmem>>, %arg6: memref<80xf32, #tpu.memory_space<vmem>>, %arg7: memref<10000xf32, #tpu.memory_space<vmem_shared>>, %arg8: memref<!tpu.dma_semaphore, #tpu.memory_space<semaphore_mem>>) attributes {dimension_semantics = [#tpu.dimension_semantics<core_parallel>, #tpu.dimension_semantics<subcore_parallel>], iteration_bounds = array<i64: 2, 16>, scalar_prefetch = 0 : i64, scratch_operands = 4 : i64, tpu.core_type = #tpu.core_type<sc_vector_subcore>, window_params = [{transform_indices = #map}, {transform_indices = #map1}, {transform_indices = #map2}]} {
    %mul3A = arith.constant 16 : i32
    %mul3A_0 = arith.muli %arg0, %mul3A : i32
    %add3A = arith.addi %mul3A_0, %arg1 : i32
    %broadcast_in_dim3A = arith.constant 1.000000e+00 : f32
    %broadcast_in_dim3A_1 = vector.broadcast %broadcast_in_dim3A : f32 to vector<16xf32>
    %swap3A = arith.constant 0 : index
    %swap3A_2 = tpu.vector_load %arg6[%swap3A] {strides = array<i32>} : memref<80xf32, #tpu.memory_space<vmem>>, vector<16xf32>,
    %swap3A_3 = vector.shape_cast %swap3A_2 : vector<16xf32> to vector<16xf32>
    %swap3A_4 = vector.shape_cast %broadcast_in_dim3A_1 : vector<16xf32> to vector<16xf32>
    tpu.vector_store %arg6[%swap3A], %swap3A_4 {strides = array<i32>} : memref<80xf32, #tpu.memory_space<vmem>>, vector<16xf32>,
    %broadcast_in_dim3A_5 = arith.constant 1.000000e+00 : f32
    %broadcast_in_dim3A_6 = vector.broadcast %broadcast_in_dim3A_5 : f32 to vector<16xf32>
    %swap3A_7 = arith.constant 16 : index
    %swap3A_8 = tpu.vector_load %arg6[%swap3A_7] {strides = array<i32>} : memref<80xf32, #tpu.memory_space<vmem>>, vector<16xf32>,
    %swap3A_9 = vector.shape_cast %swap3A_8 : vector<16xf32> to vector<16xf32>
    %swap3A_10 = vector.shape_cast %broadcast_in_dim3A_6 : vector<16xf32> to vector<16xf32>
    tpu.vector_store %arg6[%swap3A_7], %swap3A_10 {strides = array<i32>} : memref<80xf32, #tpu.memory_space<vmem>>, vector<16xf32>,
    %broadcast_in_dim3A_11 = arith.constant 1.000000e+00 : f32
    %broadcast_in_dim3A_12 = vector.broadcast %broadcast_in_dim3A_11 : f32 to vector<16xf32>
    %swap3A_13 = arith.constant 32 : index
    %swap3A_14 = tpu.vector_load %arg6[%swap3A_13] {strides = array<i32>} : memref<80xf32, #tpu.memory_space<vmem>>, vector<16xf32>,
    %swap3A_15 = vector.shape_cast %swap3A_14 : vector<16xf32> to vector<16xf32>
    %swap3A_16 = vector.shape_cast %broadcast_in_dim3A_12 : vector<16xf32> to vector<16xf32>
    tpu.vector_store %arg6[%swap3A_13], %swap3A_16 {strides = array<i32>} : memref<80xf32, #tpu.memory_space<vmem>>, vector<16xf32>,
    %broadcast_in_dim3A_17 = arith.constant 1.000000e+00 : f32
    %broadcast_in_dim3A_18 = vector.broadcast %broadcast_in_dim3A_17 : f32 to vector<16xf32>
    %swap3A_19 = arith.constant 48 : index
    %swap3A_20 = tpu.vector_load %arg6[%swap3A_19] {strides = array<i32>} : memref<80xf32, #tpu.memory_space<vmem>>, vector<16xf32>,
    %swap3A_21 = vector.shape_cast %swap3A_20 : vector<16xf32> to vector<16xf32>
    %swap3A_22 = vector.shape_cast %broadcast_in_dim3A_18 : vector<16xf32> to vector<16xf32>
    tpu.vector_store %arg6[%swap3A_19], %swap3A_22 {strides = array<i32>} : memref<80xf32, #tpu.memory_space<vmem>>, vector<16xf32>,
    %broadcast_in_dim3A_23 = arith.constant 1.000000e+00 : f32
    %broadcast_in_dim3A_24 = vector.broadcast %broadcast_in_dim3A_23 : f32 to vector<16xf32>
    %swap3A_25 = arith.constant 64 : index
    %swap3A_26 = tpu.vector_load %arg6[%swap3A_25] {strides = array<i32>} : memref<80xf32, #tpu.memory_space<vmem>>, vector<16xf32>,
    %swap3A_27 = vector.shape_cast %swap3A_26 : vector<16xf32> to vector<16xf32>
    %swap3A_28 = vector.shape_cast %broadcast_in_dim3A_24 : vector<16xf32> to vector<16xf32>
    tpu.vector_store %arg6[%swap3A_25], %swap3A_28 {strides = array<i32>} : memref<80xf32, #tpu.memory_space<vmem>>, vector<16xf32>,
    %eq3A = arith.constant 0 : i32
    %eq3A_29 = arith.cmpi eq, %arg1, %eq3A : i32
    %convert_element_type3A = arith.extui %eq3A_29 : i1 to i32
    %cond3A = arith.constant 0 : i32
    %cond3A_30 = arith.cmpi ne, %convert_element_type3A, %cond3A : i32
    scf.if %cond3A_30 {
      "tpu.region"() ({
        %run_scoped3A = tpu.sem_alloc : memref<!tpu.dma_semaphore, #tpu.memory_space<semaphore_mem>>
        tpu.enqueue_dma source(%arg3 : memref<10000xf32, #tpu.memory_space<hbm>>) target(%arg7 : memref<10000xf32, #tpu.memory_space<vmem_shared>>) target_semaphore(%run_scoped3A : memref<!tpu.dma_semaphore, #tpu.memory_space<semaphore_mem>>)
        tpu.wait_dma2 semaphore(%run_scoped3A : memref<!tpu.dma_semaphore, #tpu.memory_space<semaphore_mem>>) src(%arg3 : memref<10000xf32, #tpu.memory_space<hbm>>) dst(%arg7 : memref<10000xf32, #tpu.memory_space<vmem_shared>>)
        tpu.yield
      }) : () -> ()
    } else {
    }
    "tpu.region"() ({
      %run_scoped3A = tpu.sem_alloc : memref<!tpu.dma_semaphore, #tpu.memory_space<semaphore_mem>>
      %dma_start3A = arith.constant 0 : i32
      %dma_start3A_65 = arith.constant 0 : i32
      %dma_start3A_66 = tpu.memref_slice %arg2[%add3A, %dma_start3A, %dma_start3A_65] : memref<32x125x80xi32, #tpu.memory_space<hbm>> -> memref<1x125x80xi32, #tpu.memory_space<hbm>>
      %dma_start3A_67 = tpu.memref_squeeze %dma_start3A_66 : memref<1x125x80xi32, #tpu.memory_space<hbm>> -> memref<125x80xi32, #tpu.memory_space<hbm>>
      %dma_start3A_68 = arith.constant 0 : i32
      %dma_start3A_69 = arith.constant 0 : i32
      %dma_start3A_70 = tpu.memref_slice %arg2[%add3A, %dma_start3A_68, %dma_start3A_69] : memref<32x125x80xi32, #tpu.memory_space<hbm>> -> memref<1x125x80xi32, #tpu.memory_space<hbm>>
      %dma_start3A_71 = tpu.memref_squeeze %dma_start3A_70 : memref<1x125x80xi32, #tpu.memory_space<hbm>> -> memref<125x80xi32, #tpu.memory_space<hbm>>
      tpu.enqueue_dma source(%dma_start3A_71 : memref<125x80xi32, #tpu.memory_space<hbm>>) target(%arg5 : memref<125x80xi32, #tpu.memory_space<vmem>>) target_semaphore(%run_scoped3A : memref<!tpu.dma_semaphore, #tpu.memory_space<semaphore_mem>>)
      %dma_wait3A_72 = arith.constant 0 : i32
      %dma_wait3A_73 = arith.constant 0 : i32
      %dma_wait3A_74 = tpu.memref_slice %arg2[%add3A, %dma_wait3A_72, %dma_wait3A_73] : memref<32x125x80xi32, #tpu.memory_space<hbm>> -> memref<1x125x80xi32, #tpu.memory_space<hbm>>
      %dma_wait3A_75 = tpu.memref_squeeze %dma_wait3A_74 : memref<1x125x80xi32, #tpu.memory_space<hbm>> -> memref<125x80xi32, #tpu.memory_space<hbm>>
      %dma_wait3A_76 = arith.constant 0 : i32
      %dma_wait3A_77 = arith.constant 0 : i32
      %dma_wait3A_78 = tpu.memref_slice %arg2[%add3A, %dma_wait3A_76, %dma_wait3A_77] : memref<32x125x80xi32, #tpu.memory_space<hbm>> -> memref<1x125x80xi32, #tpu.memory_space<hbm>>
      %dma_wait3A_79 = tpu.memref_squeeze %dma_wait3A_78 : memref<1x125x80xi32, #tpu.memory_space<hbm>> -> memref<125x80xi32, #tpu.memory_space<hbm>>
      tpu.wait_dma2 semaphore(%run_scoped3A : memref<!tpu.dma_semaphore, #tpu.memory_space<semaphore_mem>>) src(%dma_wait3A_79 : memref<125x80xi32, #tpu.memory_space<hbm>>) dst(%arg5 : memref<125x80xi32, #tpu.memory_space<vmem>>)
      tpu.yield
    }) : () -> ()
    %barrier3A = arith.constant 0 : index
    tpu.barrier barrier_id(%barrier3A)
    %scan3A = arith.constant 0 : i32
    %scan3A_31 = arith.constant 0 : i32
    %scan3A_32 = arith.constant 125 : i32
    %scan3A_33 = arith.addi %scan3A_31, %scan3A_32 : i32
    %scan3A_34 = arith.constant 1 : i32
    scf.for %scan3A_65 = %scan3A_31 to %scan3A_33 step %scan3A_34  : i32 {
      %dma_start3A = arith.constant 0 : i32
      %dma_start3A_66 = tpu.memref_slice %arg5[%scan3A_65, %dma_start3A] : memref<125x80xi32, #tpu.memory_space<vmem>> -> memref<1x80xi32, #tpu.memory_space<vmem>>
      %dma_start3A_67 = tpu.memref_squeeze %dma_start3A_66 : memref<1x80xi32, #tpu.memory_space<vmem>> -> memref<80xi32, #tpu.memory_space<vmem>>
      %dma_start3A_68 = arith.constant 0 : i32
      %dma_start3A_69 = tpu.memref_slice %arg7[%dma_start3A_68] : memref<10000xf32, #tpu.memory_space<vmem_shared>> -> memref<10000xf32, #tpu.memory_space<vmem_shared>>
      tpu.enqueue_indirect_dma source(%arg6 : memref<80xf32, #tpu.memory_space<vmem>>) target(%dma_start3A_69 : memref<10000xf32, #tpu.memory_space<vmem_shared>>) offsets(%dma_start3A_67 : memref<80xi32, #tpu.memory_space<vmem>>) semaphore(%arg8 : memref<!tpu.dma_semaphore, #tpu.memory_space<semaphore_mem>>) {add = true}
      %ge3A = arith.constant 4 : i32
      %ge3A_70 = arith.cmpi sge, %scan3A_65, %ge3A : i32
      %convert_element_type3A_71 = arith.extui %ge3A_70 : i1 to i32
      %cond3A_72 = arith.constant 0 : i32
      %cond3A_73 = arith.cmpi ne, %convert_element_type3A_71, %cond3A_72 : i32
      scf.if %cond3A_73 {
        %dma_wait3A_74 = arith.constant 0 : i32
        %dma_wait3A_75 = arith.constant 0 : i32
        %dma_wait3A_76 = tpu.memref_slice %arg5[%dma_wait3A_74, %dma_wait3A_75] : memref<125x80xi32, #tpu.memory_space<vmem>> -> memref<1x80xi32, #tpu.memory_space<vmem>>
        %dma_wait3A_77 = tpu.memref_squeeze %dma_wait3A_76 : memref<1x80xi32, #tpu.memory_space<vmem>> -> memref<80xi32, #tpu.memory_space<vmem>>
        %dma_wait3A_78 = arith.constant 0 : i32
        %dma_wait3A_79 = tpu.memref_slice %arg7[%dma_wait3A_78] : memref<10000xf32, #tpu.memory_space<vmem_shared>> -> memref<10000xf32, #tpu.memory_space<vmem_shared>>
        tpu.wait_indirect_dma semaphore(%arg8 : memref<!tpu.dma_semaphore, #tpu.memory_space<semaphore_mem>>) src(%arg6 : memref<80xf32, #tpu.memory_space<vmem>>) dst(%dma_wait3A_79 : memref<10000xf32, #tpu.memory_space<vmem_shared>>)
      } else {
      }
    }
    %scan3A_35 = arith.constant 125 : i32
    %dma_wait3A = arith.constant 0 : i32
    %dma_wait3A_36 = arith.constant 0 : i32
    %dma_wait3A_37 = tpu.memref_slice %arg5[%dma_wait3A, %dma_wait3A_36] : memref<125x80xi32, #tpu.memory_space<vmem>> -> memref<1x80xi32, #tpu.memory_space<vmem>>
    %dma_wait3A_38 = tpu.memref_squeeze %dma_wait3A_37 : memref<1x80xi32, #tpu.memory_space<vmem>> -> memref<80xi32, #tpu.memory_space<vmem>>
    %dma_wait3A_39 = arith.constant 0 : i32
    %dma_wait3A_40 = tpu.memref_slice %arg7[%dma_wait3A_39] : memref<10000xf32, #tpu.memory_space<vmem_shared>> -> memref<10000xf32, #tpu.memory_space<vmem_shared>>
    tpu.wait_indirect_dma semaphore(%arg8 : memref<!tpu.dma_semaphore, #tpu.memory_space<semaphore_mem>>) src(%arg6 : memref<80xf32, #tpu.memory_space<vmem>>) dst(%dma_wait3A_40 : memref<10000xf32, #tpu.memory_space<vmem_shared>>)
    %dma_wait3A_41 = arith.constant 0 : i32
    %dma_wait3A_42 = arith.constant 0 : i32
    %dma_wait3A_43 = tpu.memref_slice %arg5[%dma_wait3A_41, %dma_wait3A_42] : memref<125x80xi32, #tpu.memory_space<vmem>> -> memref<1x80xi32, #tpu.memory_space<vmem>>
    %dma_wait3A_44 = tpu.memref_squeeze %dma_wait3A_43 : memref<1x80xi32, #tpu.memory_space<vmem>> -> memref<80xi32, #tpu.memory_space<vmem>>
    %dma_wait3A_45 = arith.constant 0 : i32
    %dma_wait3A_46 = tpu.memref_slice %arg7[%dma_wait3A_45] : memref<10000xf32, #tpu.memory_space<vmem_shared>> -> memref<10000xf32, #tpu.memory_space<vmem_shared>>
    tpu.wait_indirect_dma semaphore(%arg8 : memref<!tpu.dma_semaphore, #tpu.memory_space<semaphore_mem>>) src(%arg6 : memref<80xf32, #tpu.memory_space<vmem>>) dst(%dma_wait3A_46 : memref<10000xf32, #tpu.memory_space<vmem_shared>>)
    %dma_wait3A_47 = arith.constant 0 : i32
    %dma_wait3A_48 = arith.constant 0 : i32
    %dma_wait3A_49 = tpu.memref_slice %arg5[%dma_wait3A_47, %dma_wait3A_48] : memref<125x80xi32, #tpu.memory_space<vmem>> -> memref<1x80xi32, #tpu.memory_space<vmem>>
    %dma_wait3A_50 = tpu.memref_squeeze %dma_wait3A_49 : memref<1x80xi32, #tpu.memory_space<vmem>> -> memref<80xi32, #tpu.memory_space<vmem>>
    %dma_wait3A_51 = arith.constant 0 : i32
    %dma_wait3A_52 = tpu.memref_slice %arg7[%dma_wait3A_51] : memref<10000xf32, #tpu.memory_space<vmem_shared>> -> memref<10000xf32, #tpu.memory_space<vmem_shared>>
    tpu.wait_indirect_dma semaphore(%arg8 : memref<!tpu.dma_semaphore, #tpu.memory_space<semaphore_mem>>) src(%arg6 : memref<80xf32, #tpu.memory_space<vmem>>) dst(%dma_wait3A_52 : memref<10000xf32, #tpu.memory_space<vmem_shared>>)
    %dma_wait3A_53 = arith.constant 0 : i32
    %dma_wait3A_54 = arith.constant 0 : i32
    %dma_wait3A_55 = tpu.memref_slice %arg5[%dma_wait3A_53, %dma_wait3A_54] : memref<125x80xi32, #tpu.memory_space<vmem>> -> memref<1x80xi32, #tpu.memory_space<vmem>>
    %dma_wait3A_56 = tpu.memref_squeeze %dma_wait3A_55 : memref<1x80xi32, #tpu.memory_space<vmem>> -> memref<80xi32, #tpu.memory_space<vmem>>
    %dma_wait3A_57 = arith.constant 0 : i32
    %dma_wait3A_58 = tpu.memref_slice %arg7[%dma_wait3A_57] : memref<10000xf32, #tpu.memory_space<vmem_shared>> -> memref<10000xf32, #tpu.memory_space<vmem_shared>>
    tpu.wait_indirect_dma semaphore(%arg8 : memref<!tpu.dma_semaphore, #tpu.memory_space<semaphore_mem>>) src(%arg6 : memref<80xf32, #tpu.memory_space<vmem>>) dst(%dma_wait3A_58 : memref<10000xf32, #tpu.memory_space<vmem_shared>>)
    %barrier3A_59 = arith.constant 0 : index
    tpu.barrier barrier_id(%barrier3A_59)
    %eq3A_60 = arith.constant 0 : i32
    %eq3A_61 = arith.cmpi eq, %arg1, %eq3A_60 : i32
    %convert_element_type3A_62 = arith.extui %eq3A_61 : i1 to i32
    %cond3A_63 = arith.constant 0 : i32
    %cond3A_64 = arith.cmpi ne, %convert_element_type3A_62, %cond3A_63 : i32
    scf.if %cond3A_64 {
      "tpu.region"() ({
        %run_scoped3A = tpu.sem_alloc : memref<!tpu.dma_semaphore, #tpu.memory_space<semaphore_mem>>
        %dma_start3A = arith.constant 0 : i32
        %dma_start3A_65 = tpu.memref_slice %arg4[%arg0, %dma_start3A] : memref<2x10000xf32, #tpu.memory_space<hbm>> -> memref<1x10000xf32, #tpu.memory_space<hbm>>
        %dma_start3A_66 = tpu.memref_squeeze %dma_start3A_65 : memref<1x10000xf32, #tpu.memory_space<hbm>> -> memref<10000xf32, #tpu.memory_space<hbm>>
        tpu.enqueue_dma source(%arg7 : memref<10000xf32, #tpu.memory_space<vmem_shared>>) target(%dma_start3A_66 : memref<10000xf32, #tpu.memory_space<hbm>>) target_semaphore(%run_scoped3A : memref<!tpu.dma_semaphore, #tpu.memory_space<semaphore_mem>>)
        %dma_wait3A_67 = arith.constant 0 : i32
        %dma_wait3A_68 = tpu.memref_slice %arg4[%arg0, %dma_wait3A_67] : memref<2x10000xf32, #tpu.memory_space<hbm>> -> memref<1x10000xf32, #tpu.memory_space<hbm>>
        %dma_wait3A_69 = tpu.memref_squeeze %dma_wait3A_68 : memref<1x10000xf32, #tpu.memory_space<hbm>> -> memref<10000xf32, #tpu.memory_space<hbm>>
        tpu.wait_dma2 semaphore(%run_scoped3A : memref<!tpu.dma_semaphore, #tpu.memory_space<semaphore_mem>>) src(%arg7 : memref<10000xf32, #tpu.memory_space<vmem_shared>>) dst(%dma_wait3A_69 : memref<10000xf32, #tpu.memory_space<hbm>>)
        tpu.yield
      }) : () -> ()
    } else {
    }
    return
  }
}

#map = affine_map<(d0, d1) -> (0, 0)>
#map1 = affine_map<(d0, d1) -> (0, 0, 0)>
module attributes {stable_mosaic.version = 14 : i64} {
  func.func @_sc_agg(%arg0: i32, %arg1: i32, %arg2: memref<10000x64xf32, #tpu.memory_space<hbm>>, %arg3: memref<32x125x80xi32, #tpu.memory_space<hbm>>, %arg4: memref<32x125x80xi32, #tpu.memory_space<hbm>>, %arg5: memref<10000x64xf32, #tpu.memory_space<hbm>>, %arg6: memref<2x10000x64xf32, #tpu.memory_space<hbm>>, %arg7: memref<125x80xi32, #tpu.memory_space<vmem>>, %arg8: memref<125x80xi32, #tpu.memory_space<vmem>>, %arg9: memref<5x80x64xf32, #tpu.memory_space<vmem>>, %arg10: memref<10000x64xf32, #tpu.memory_space<vmem_shared>>, %arg11: memref<!tpu.dma_semaphore, #tpu.memory_space<semaphore_mem>>, %arg12: memref<!tpu.dma_semaphore, #tpu.memory_space<semaphore_mem>>, %arg13: memref<!tpu.dma_semaphore, #tpu.memory_space<semaphore_mem>>, %arg14: memref<!tpu.dma_semaphore, #tpu.memory_space<semaphore_mem>>, %arg15: memref<!tpu.dma_semaphore, #tpu.memory_space<semaphore_mem>>) attributes {dimension_semantics = [#tpu.dimension_semantics<core_parallel>, #tpu.dimension_semantics<subcore_parallel>], iteration_bounds = array<i64: 2, 16>, scalar_prefetch = 0 : i64, scratch_operands = 9 : i64, tpu.core_type = #tpu.core_type<sc_vector_subcore>, window_params = [{transform_indices = #map}, {transform_indices = #map1}, {transform_indices = #map1}, {transform_indices = #map}, {transform_indices = #map1}]} {
    %mul3A = arith.constant 16 : i32
    %mul3A_0 = arith.muli %arg0, %mul3A : i32
    %add3A = arith.addi %mul3A_0, %arg1 : i32
    %eq3A = arith.constant 0 : i32
    %eq3A_1 = arith.cmpi eq, %arg1, %eq3A : i32
    %convert_element_type3A = arith.extui %eq3A_1 : i1 to i32
    %cond3A = arith.constant 0 : i32
    %cond3A_2 = arith.cmpi ne, %convert_element_type3A, %cond3A : i32
    scf.if %cond3A_2 {
      "tpu.region"() ({
        %run_scoped3A_141 = tpu.sem_alloc : memref<!tpu.dma_semaphore, #tpu.memory_space<semaphore_mem>>
        tpu.enqueue_dma source(%arg5 : memref<10000x64xf32, #tpu.memory_space<hbm>>) target(%arg10 : memref<10000x64xf32, #tpu.memory_space<vmem_shared>>) target_semaphore(%run_scoped3A_141 : memref<!tpu.dma_semaphore, #tpu.memory_space<semaphore_mem>>)
        tpu.wait_dma2 semaphore(%run_scoped3A_141 : memref<!tpu.dma_semaphore, #tpu.memory_space<semaphore_mem>>) src(%arg5 : memref<10000x64xf32, #tpu.memory_space<hbm>>) dst(%arg10 : memref<10000x64xf32, #tpu.memory_space<vmem_shared>>)
        tpu.yield
      }) : () -> ()
    } else {
    }
    "tpu.region"() ({
      %run_scoped3A_141 = tpu.sem_alloc : memref<!tpu.dma_semaphore, #tpu.memory_space<semaphore_mem>>
      %dma_start3A_142 = arith.constant 0 : i32
      %dma_start3A_143 = arith.constant 0 : i32
      %dma_start3A_144 = tpu.memref_slice %arg3[%add3A, %dma_start3A_142, %dma_start3A_143] : memref<32x125x80xi32, #tpu.memory_space<hbm>> -> memref<1x125x80xi32, #tpu.memory_space<hbm>>
      %dma_start3A_145 = tpu.memref_squeeze %dma_start3A_144 : memref<1x125x80xi32, #tpu.memory_space<hbm>> -> memref<125x80xi32, #tpu.memory_space<hbm>>
      %dma_start3A_146 = arith.constant 0 : i32
      %dma_start3A_147 = arith.constant 0 : i32
      %dma_start3A_148 = tpu.memref_slice %arg3[%add3A, %dma_start3A_146, %dma_start3A_147] : memref<32x125x80xi32, #tpu.memory_space<hbm>> -> memref<1x125x80xi32, #tpu.memory_space<hbm>>
      %dma_start3A_149 = tpu.memref_squeeze %dma_start3A_148 : memref<1x125x80xi32, #tpu.memory_space<hbm>> -> memref<125x80xi32, #tpu.memory_space<hbm>>
      tpu.enqueue_dma source(%dma_start3A_149 : memref<125x80xi32, #tpu.memory_space<hbm>>) target(%arg7 : memref<125x80xi32, #tpu.memory_space<vmem>>) target_semaphore(%run_scoped3A_141 : memref<!tpu.dma_semaphore, #tpu.memory_space<semaphore_mem>>)
      %dma_wait3A_150 = arith.constant 0 : i32
      %dma_wait3A_151 = arith.constant 0 : i32
      %dma_wait3A_152 = tpu.memref_slice %arg3[%add3A, %dma_wait3A_150, %dma_wait3A_151] : memref<32x125x80xi32, #tpu.memory_space<hbm>> -> memref<1x125x80xi32, #tpu.memory_space<hbm>>
      %dma_wait3A_153 = tpu.memref_squeeze %dma_wait3A_152 : memref<1x125x80xi32, #tpu.memory_space<hbm>> -> memref<125x80xi32, #tpu.memory_space<hbm>>
      %dma_wait3A_154 = arith.constant 0 : i32
      %dma_wait3A_155 = arith.constant 0 : i32
      %dma_wait3A_156 = tpu.memref_slice %arg3[%add3A, %dma_wait3A_154, %dma_wait3A_155] : memref<32x125x80xi32, #tpu.memory_space<hbm>> -> memref<1x125x80xi32, #tpu.memory_space<hbm>>
      %dma_wait3A_157 = tpu.memref_squeeze %dma_wait3A_156 : memref<1x125x80xi32, #tpu.memory_space<hbm>> -> memref<125x80xi32, #tpu.memory_space<hbm>>
      tpu.wait_dma2 semaphore(%run_scoped3A_141 : memref<!tpu.dma_semaphore, #tpu.memory_space<semaphore_mem>>) src(%dma_wait3A_157 : memref<125x80xi32, #tpu.memory_space<hbm>>) dst(%arg7 : memref<125x80xi32, #tpu.memory_space<vmem>>)
      tpu.yield
    }) : () -> ()
    "tpu.region"() ({
      %run_scoped3A_141 = tpu.sem_alloc : memref<!tpu.dma_semaphore, #tpu.memory_space<semaphore_mem>>
      %dma_start3A_142 = arith.constant 0 : i32
      %dma_start3A_143 = arith.constant 0 : i32
      %dma_start3A_144 = tpu.memref_slice %arg4[%add3A, %dma_start3A_142, %dma_start3A_143] : memref<32x125x80xi32, #tpu.memory_space<hbm>> -> memref<1x125x80xi32, #tpu.memory_space<hbm>>
      %dma_start3A_145 = tpu.memref_squeeze %dma_start3A_144 : memref<1x125x80xi32, #tpu.memory_space<hbm>> -> memref<125x80xi32, #tpu.memory_space<hbm>>
      %dma_start3A_146 = arith.constant 0 : i32
      %dma_start3A_147 = arith.constant 0 : i32
      %dma_start3A_148 = tpu.memref_slice %arg4[%add3A, %dma_start3A_146, %dma_start3A_147] : memref<32x125x80xi32, #tpu.memory_space<hbm>> -> memref<1x125x80xi32, #tpu.memory_space<hbm>>
      %dma_start3A_149 = tpu.memref_squeeze %dma_start3A_148 : memref<1x125x80xi32, #tpu.memory_space<hbm>> -> memref<125x80xi32, #tpu.memory_space<hbm>>
      tpu.enqueue_dma source(%dma_start3A_149 : memref<125x80xi32, #tpu.memory_space<hbm>>) target(%arg8 : memref<125x80xi32, #tpu.memory_space<vmem>>) target_semaphore(%run_scoped3A_141 : memref<!tpu.dma_semaphore, #tpu.memory_space<semaphore_mem>>)
      %dma_wait3A_150 = arith.constant 0 : i32
      %dma_wait3A_151 = arith.constant 0 : i32
      %dma_wait3A_152 = tpu.memref_slice %arg4[%add3A, %dma_wait3A_150, %dma_wait3A_151] : memref<32x125x80xi32, #tpu.memory_space<hbm>> -> memref<1x125x80xi32, #tpu.memory_space<hbm>>
      %dma_wait3A_153 = tpu.memref_squeeze %dma_wait3A_152 : memref<1x125x80xi32, #tpu.memory_space<hbm>> -> memref<125x80xi32, #tpu.memory_space<hbm>>
      %dma_wait3A_154 = arith.constant 0 : i32
      %dma_wait3A_155 = arith.constant 0 : i32
      %dma_wait3A_156 = tpu.memref_slice %arg4[%add3A, %dma_wait3A_154, %dma_wait3A_155] : memref<32x125x80xi32, #tpu.memory_space<hbm>> -> memref<1x125x80xi32, #tpu.memory_space<hbm>>
      %dma_wait3A_157 = tpu.memref_squeeze %dma_wait3A_156 : memref<1x125x80xi32, #tpu.memory_space<hbm>> -> memref<125x80xi32, #tpu.memory_space<hbm>>
      tpu.wait_dma2 semaphore(%run_scoped3A_141 : memref<!tpu.dma_semaphore, #tpu.memory_space<semaphore_mem>>) src(%dma_wait3A_157 : memref<125x80xi32, #tpu.memory_space<hbm>>) dst(%arg8 : memref<125x80xi32, #tpu.memory_space<vmem>>)
      tpu.yield
    }) : () -> ()
    %barrier3A = arith.constant 0 : index
    tpu.barrier barrier_id(%barrier3A)
    %dma_start3A = arith.constant 0 : i32
    %dma_start3A_3 = arith.constant 0 : i32
    %dma_start3A_4 = arith.constant 0 : i32
    %dma_start3A_5 = arith.constant 0 : i32
    %dma_start3A_6 = tpu.memref_slice %arg9[%dma_start3A_3, %dma_start3A_4, %dma_start3A_5] : memref<5x80x64xf32, #tpu.memory_space<vmem>> -> memref<1x80x64xf32, #tpu.memory_space<vmem>>
    %dma_start3A_7 = tpu.memref_squeeze %dma_start3A_6 : memref<1x80x64xf32, #tpu.memory_space<vmem>> -> memref<80x64xf32, #tpu.memory_space<vmem>>
    %dma_start3A_8 = arith.constant 0 : i32
    %dma_start3A_9 = tpu.memref_slice %arg7[%dma_start3A, %dma_start3A_8] : memref<125x80xi32, #tpu.memory_space<vmem>> -> memref<1x80xi32, #tpu.memory_space<vmem>>
    %dma_start3A_10 = tpu.memref_squeeze %dma_start3A_9 : memref<1x80xi32, #tpu.memory_space<vmem>> -> memref<80xi32, #tpu.memory_space<vmem>>
    %dma_start3A_11 = arith.constant 0 : i32
    %dma_start3A_12 = arith.constant 0 : i32
    %dma_start3A_13 = tpu.memref_slice %arg2[%dma_start3A_11, %dma_start3A_12] : memref<10000x64xf32, #tpu.memory_space<hbm>> -> memref<10000x64xf32, #tpu.memory_space<hbm>>
    tpu.enqueue_indirect_dma source(%dma_start3A_13 : memref<10000x64xf32, #tpu.memory_space<hbm>>) target(%dma_start3A_7 : memref<80x64xf32, #tpu.memory_space<vmem>>) offsets(%dma_start3A_10 : memref<80xi32, #tpu.memory_space<vmem>>) semaphore(%arg11 : memref<!tpu.dma_semaphore, #tpu.memory_space<semaphore_mem>>)
    %dma_start3A_14 = arith.constant 1 : i32
    %dma_start3A_15 = arith.constant 1 : i32
    %dma_start3A_16 = arith.constant 0 : i32
    %dma_start3A_17 = arith.constant 0 : i32
    %dma_start3A_18 = tpu.memref_slice %arg9[%dma_start3A_15, %dma_start3A_16, %dma_start3A_17] : memref<5x80x64xf32, #tpu.memory_space<vmem>> -> memref<1x80x64xf32, #tpu.memory_space<vmem>>
    %dma_start3A_19 = tpu.memref_squeeze %dma_start3A_18 : memref<1x80x64xf32, #tpu.memory_space<vmem>> -> memref<80x64xf32, #tpu.memory_space<vmem>>
    %dma_start3A_20 = arith.constant 0 : i32
    %dma_start3A_21 = tpu.memref_slice %arg7[%dma_start3A_14, %dma_start3A_20] : memref<125x80xi32, #tpu.memory_space<vmem>> -> memref<1x80xi32, #tpu.memory_space<vmem>>
    %dma_start3A_22 = tpu.memref_squeeze %dma_start3A_21 : memref<1x80xi32, #tpu.memory_space<vmem>> -> memref<80xi32, #tpu.memory_space<vmem>>
    %dma_start3A_23 = arith.constant 0 : i32
    %dma_start3A_24 = arith.constant 0 : i32
    %dma_start3A_25 = tpu.memref_slice %arg2[%dma_start3A_23, %dma_start3A_24] : memref<10000x64xf32, #tpu.memory_space<hbm>> -> memref<10000x64xf32, #tpu.memory_space<hbm>>
    tpu.enqueue_indirect_dma source(%dma_start3A_25 : memref<10000x64xf32, #tpu.memory_space<hbm>>) target(%dma_start3A_19 : memref<80x64xf32, #tpu.memory_space<vmem>>) offsets(%dma_start3A_22 : memref<80xi32, #tpu.memory_space<vmem>>) semaphore(%arg12 : memref<!tpu.dma_semaphore, #tpu.memory_space<semaphore_mem>>)
    %dma_start3A_26 = arith.constant 2 : i32
    %dma_start3A_27 = arith.constant 2 : i32
    %dma_start3A_28 = arith.constant 0 : i32
    %dma_start3A_29 = arith.constant 0 : i32
    %dma_start3A_30 = tpu.memref_slice %arg9[%dma_start3A_27, %dma_start3A_28, %dma_start3A_29] : memref<5x80x64xf32, #tpu.memory_space<vmem>> -> memref<1x80x64xf32, #tpu.memory_space<vmem>>
    %dma_start3A_31 = tpu.memref_squeeze %dma_start3A_30 : memref<1x80x64xf32, #tpu.memory_space<vmem>> -> memref<80x64xf32, #tpu.memory_space<vmem>>
    %dma_start3A_32 = arith.constant 0 : i32
    %dma_start3A_33 = tpu.memref_slice %arg7[%dma_start3A_26, %dma_start3A_32] : memref<125x80xi32, #tpu.memory_space<vmem>> -> memref<1x80xi32, #tpu.memory_space<vmem>>
    %dma_start3A_34 = tpu.memref_squeeze %dma_start3A_33 : memref<1x80xi32, #tpu.memory_space<vmem>> -> memref<80xi32, #tpu.memory_space<vmem>>
    %dma_start3A_35 = arith.constant 0 : i32
    %dma_start3A_36 = arith.constant 0 : i32
    %dma_start3A_37 = tpu.memref_slice %arg2[%dma_start3A_35, %dma_start3A_36] : memref<10000x64xf32, #tpu.memory_space<hbm>> -> memref<10000x64xf32, #tpu.memory_space<hbm>>
    tpu.enqueue_indirect_dma source(%dma_start3A_37 : memref<10000x64xf32, #tpu.memory_space<hbm>>) target(%dma_start3A_31 : memref<80x64xf32, #tpu.memory_space<vmem>>) offsets(%dma_start3A_34 : memref<80xi32, #tpu.memory_space<vmem>>) semaphore(%arg13 : memref<!tpu.dma_semaphore, #tpu.memory_space<semaphore_mem>>)
    %dma_start3A_38 = arith.constant 3 : i32
    %dma_start3A_39 = arith.constant 3 : i32
    %dma_start3A_40 = arith.constant 0 : i32
    %dma_start3A_41 = arith.constant 0 : i32
    %dma_start3A_42 = tpu.memref_slice %arg9[%dma_start3A_39, %dma_start3A_40, %dma_start3A_41] : memref<5x80x64xf32, #tpu.memory_space<vmem>> -> memref<1x80x64xf32, #tpu.memory_space<vmem>>
    %dma_start3A_43 = tpu.memref_squeeze %dma_start3A_42 : memref<1x80x64xf32, #tpu.memory_space<vmem>> -> memref<80x64xf32, #tpu.memory_space<vmem>>
    %dma_start3A_44 = arith.constant 0 : i32
    %dma_start3A_45 = tpu.memref_slice %arg7[%dma_start3A_38, %dma_start3A_44] : memref<125x80xi32, #tpu.memory_space<vmem>> -> memref<1x80xi32, #tpu.memory_space<vmem>>
    %dma_start3A_46 = tpu.memref_squeeze %dma_start3A_45 : memref<1x80xi32, #tpu.memory_space<vmem>> -> memref<80xi32, #tpu.memory_space<vmem>>
    %dma_start3A_47 = arith.constant 0 : i32
    %dma_start3A_48 = arith.constant 0 : i32
    %dma_start3A_49 = tpu.memref_slice %arg2[%dma_start3A_47, %dma_start3A_48] : memref<10000x64xf32, #tpu.memory_space<hbm>> -> memref<10000x64xf32, #tpu.memory_space<hbm>>
    tpu.enqueue_indirect_dma source(%dma_start3A_49 : memref<10000x64xf32, #tpu.memory_space<hbm>>) target(%dma_start3A_43 : memref<80x64xf32, #tpu.memory_space<vmem>>) offsets(%dma_start3A_46 : memref<80xi32, #tpu.memory_space<vmem>>) semaphore(%arg14 : memref<!tpu.dma_semaphore, #tpu.memory_space<semaphore_mem>>)
    %dma_start3A_50 = arith.constant 4 : i32
    %dma_start3A_51 = arith.constant 4 : i32
    %dma_start3A_52 = arith.constant 0 : i32
    %dma_start3A_53 = arith.constant 0 : i32
    %dma_start3A_54 = tpu.memref_slice %arg9[%dma_start3A_51, %dma_start3A_52, %dma_start3A_53] : memref<5x80x64xf32, #tpu.memory_space<vmem>> -> memref<1x80x64xf32, #tpu.memory_space<vmem>>
    %dma_start3A_55 = tpu.memref_squeeze %dma_start3A_54 : memref<1x80x64xf32, #tpu.memory_space<vmem>> -> memref<80x64xf32, #tpu.memory_space<vmem>>
    %dma_start3A_56 = arith.constant 0 : i32
    %dma_start3A_57 = tpu.memref_slice %arg7[%dma_start3A_50, %dma_start3A_56] : memref<125x80xi32, #tpu.memory_space<vmem>> -> memref<1x80xi32, #tpu.memory_space<vmem>>
    %dma_start3A_58 = tpu.memref_squeeze %dma_start3A_57 : memref<1x80xi32, #tpu.memory_space<vmem>> -> memref<80xi32, #tpu.memory_space<vmem>>
    %dma_start3A_59 = arith.constant 0 : i32
    %dma_start3A_60 = arith.constant 0 : i32
    %dma_start3A_61 = tpu.memref_slice %arg2[%dma_start3A_59, %dma_start3A_60] : memref<10000x64xf32, #tpu.memory_space<hbm>> -> memref<10000x64xf32, #tpu.memory_space<hbm>>
    tpu.enqueue_indirect_dma source(%dma_start3A_61 : memref<10000x64xf32, #tpu.memory_space<hbm>>) target(%dma_start3A_55 : memref<80x64xf32, #tpu.memory_space<vmem>>) offsets(%dma_start3A_58 : memref<80xi32, #tpu.memory_space<vmem>>) semaphore(%arg15 : memref<!tpu.dma_semaphore, #tpu.memory_space<semaphore_mem>>)
    %scan3A = arith.constant 0 : i32
    %scan3A_62 = arith.constant 0 : i32
    %scan3A_63 = arith.constant 24 : i32
    %scan3A_64 = arith.addi %scan3A_62, %scan3A_63 : i32
    %scan3A_65 = arith.constant 1 : i32
    scf.for %scan3A_141 = %scan3A_62 to %scan3A_64 step %scan3A_65  : i32 {
      %mul3A_142 = arith.constant 5 : i32
      %mul3A_143 = arith.muli %scan3A_141, %mul3A_142 : i32
      %add3A_144 = arith.constant 0 : i32
      %add3A_145 = arith.addi %mul3A_143, %add3A_144 : i32
      %dma_wait3A_146 = arith.constant 0 : i32
      %dma_wait3A_147 = arith.constant 0 : i32
      %dma_wait3A_148 = arith.constant 0 : i32
      %dma_wait3A_149 = tpu.memref_slice %arg9[%dma_wait3A_146, %dma_wait3A_147, %dma_wait3A_148] : memref<5x80x64xf32, #tpu.memory_space<vmem>> -> memref<1x80x64xf32, #tpu.memory_space<vmem>>
      %dma_wait3A_150 = tpu.memref_squeeze %dma_wait3A_149 : memref<1x80x64xf32, #tpu.memory_space<vmem>> -> memref<80x64xf32, #tpu.memory_space<vmem>>
      %dma_wait3A_151 = arith.constant 0 : i32
      %dma_wait3A_152 = tpu.memref_slice %arg7[%add3A_145, %dma_wait3A_151] : memref<125x80xi32, #tpu.memory_space<vmem>> -> memref<1x80xi32, #tpu.memory_space<vmem>>
      %dma_wait3A_153 = tpu.memref_squeeze %dma_wait3A_152 : memref<1x80xi32, #tpu.memory_space<vmem>> -> memref<80xi32, #tpu.memory_space<vmem>>
      %dma_wait3A_154 = arith.constant 0 : i32
      %dma_wait3A_155 = arith.constant 0 : i32
      %dma_wait3A_156 = tpu.memref_slice %arg2[%dma_wait3A_154, %dma_wait3A_155] : memref<10000x64xf32, #tpu.memory_space<hbm>> -> memref<10000x64xf32, #tpu.memory_space<hbm>>
      tpu.wait_indirect_dma semaphore(%arg11 : memref<!tpu.dma_semaphore, #tpu.memory_space<semaphore_mem>>) src(%dma_wait3A_156 : memref<10000x64xf32, #tpu.memory_space<hbm>>) dst(%dma_wait3A_150 : memref<80x64xf32, #tpu.memory_space<vmem>>)
      %add3A_157 = arith.constant 0 : i32
      %add3A_158 = arith.addi %mul3A_143, %add3A_157 : i32
      %run_scoped3A_159 = arith.constant 0 : i32
      "tpu.region"() ({
        %run_scoped3A_299 = tpu.sem_alloc : memref<!tpu.dma_semaphore, #tpu.memory_space<semaphore_mem>>
        %dma_start3A_300 = arith.constant 0 : i32
        %dma_start3A_301 = arith.constant 0 : i32
        %dma_start3A_302 = tpu.memref_slice %arg9[%run_scoped3A_159, %dma_start3A_300, %dma_start3A_301] : memref<5x80x64xf32, #tpu.memory_space<vmem>> -> memref<1x80x64xf32, #tpu.memory_space<vmem>>
        %dma_start3A_303 = tpu.memref_squeeze %dma_start3A_302 : memref<1x80x64xf32, #tpu.memory_space<vmem>> -> memref<80x64xf32, #tpu.memory_space<vmem>>
        %dma_start3A_304 = arith.constant 0 : i32
        %dma_start3A_305 = tpu.memref_slice %arg8[%add3A_158, %dma_start3A_304] : memref<125x80xi32, #tpu.memory_space<vmem>> -> memref<1x80xi32, #tpu.memory_space<vmem>>
        %dma_start3A_306 = tpu.memref_squeeze %dma_start3A_305 : memref<1x80xi32, #tpu.memory_space<vmem>> -> memref<80xi32, #tpu.memory_space<vmem>>
        %dma_start3A_307 = arith.constant 0 : i32
        %dma_start3A_308 = arith.constant 0 : i32
        %dma_start3A_309 = tpu.memref_slice %arg10[%dma_start3A_307, %dma_start3A_308] : memref<10000x64xf32, #tpu.memory_space<vmem_shared>> -> memref<10000x64xf32, #tpu.memory_space<vmem_shared>>
        tpu.enqueue_indirect_dma source(%dma_start3A_303 : memref<80x64xf32, #tpu.memory_space<vmem>>) target(%dma_start3A_309 : memref<10000x64xf32, #tpu.memory_space<vmem_shared>>) offsets(%dma_start3A_306 : memref<80xi32, #tpu.memory_space<vmem>>) semaphore(%run_scoped3A_299 : memref<!tpu.dma_semaphore, #tpu.memory_space<semaphore_mem>>) {add = true}
        %dma_wait3A_310 = arith.constant 0 : i32
        %dma_wait3A_311 = arith.constant 0 : i32
        %dma_wait3A_312 = tpu.memref_slice %arg9[%run_scoped3A_159, %dma_wait3A_310, %dma_wait3A_311] : memref<5x80x64xf32, #tpu.memory_space<vmem>> -> memref<1x80x64xf32, #tpu.memory_space<vmem>>
        %dma_wait3A_313 = tpu.memref_squeeze %dma_wait3A_312 : memref<1x80x64xf32, #tpu.memory_space<vmem>> -> memref<80x64xf32, #tpu.memory_space<vmem>>
        %dma_wait3A_314 = arith.constant 0 : i32
        %dma_wait3A_315 = tpu.memref_slice %arg8[%add3A_158, %dma_wait3A_314] : memref<125x80xi32, #tpu.memory_space<vmem>> -> memref<1x80xi32, #tpu.memory_space<vmem>>
        %dma_wait3A_316 = tpu.memref_squeeze %dma_wait3A_315 : memref<1x80xi32, #tpu.memory_space<vmem>> -> memref<80xi32, #tpu.memory_space<vmem>>
        %dma_wait3A_317 = arith.constant 0 : i32
        %dma_wait3A_318 = arith.constant 0 : i32
        %dma_wait3A_319 = tpu.memref_slice %arg10[%dma_wait3A_317, %dma_wait3A_318] : memref<10000x64xf32, #tpu.memory_space<vmem_shared>> -> memref<10000x64xf32, #tpu.memory_space<vmem_shared>>
        tpu.wait_indirect_dma semaphore(%run_scoped3A_299 : memref<!tpu.dma_semaphore, #tpu.memory_space<semaphore_mem>>) src(%dma_wait3A_313 : memref<80x64xf32, #tpu.memory_space<vmem>>) dst(%dma_wait3A_319 : memref<10000x64xf32, #tpu.memory_space<vmem_shared>>)
        tpu.yield
      }) : () -> ()
      %add3A_160 = arith.constant 0 : i32
      %add3A_161 = arith.addi %mul3A_143, %add3A_160 : i32
      %add3A_162 = arith.constant 5 : i32
      %add3A_163 = arith.addi %add3A_161, %add3A_162 : i32
      %dma_start3A_164 = arith.constant 0 : i32
      %dma_start3A_165 = arith.constant 0 : i32
      %dma_start3A_166 = arith.constant 0 : i32
      %dma_start3A_167 = tpu.memref_slice %arg9[%dma_start3A_164, %dma_start3A_165, %dma_start3A_166] : memref<5x80x64xf32, #tpu.memory_space<vmem>> -> memref<1x80x64xf32, #tpu.memory_space<vmem>>
      %dma_start3A_168 = tpu.memref_squeeze %dma_start3A_167 : memref<1x80x64xf32, #tpu.memory_space<vmem>> -> memref<80x64xf32, #tpu.memory_space<vmem>>
      %dma_start3A_169 = arith.constant 0 : i32
      %dma_start3A_170 = tpu.memref_slice %arg7[%add3A_163, %dma_start3A_169] : memref<125x80xi32, #tpu.memory_space<vmem>> -> memref<1x80xi32, #tpu.memory_space<vmem>>
      %dma_start3A_171 = tpu.memref_squeeze %dma_start3A_170 : memref<1x80xi32, #tpu.memory_space<vmem>> -> memref<80xi32, #tpu.memory_space<vmem>>
      %dma_start3A_172 = arith.constant 0 : i32
      %dma_start3A_173 = arith.constant 0 : i32
      %dma_start3A_174 = tpu.memref_slice %arg2[%dma_start3A_172, %dma_start3A_173] : memref<10000x64xf32, #tpu.memory_space<hbm>> -> memref<10000x64xf32, #tpu.memory_space<hbm>>
      tpu.enqueue_indirect_dma source(%dma_start3A_174 : memref<10000x64xf32, #tpu.memory_space<hbm>>) target(%dma_start3A_168 : memref<80x64xf32, #tpu.memory_space<vmem>>) offsets(%dma_start3A_171 : memref<80xi32, #tpu.memory_space<vmem>>) semaphore(%arg11 : memref<!tpu.dma_semaphore, #tpu.memory_space<semaphore_mem>>)
      %add3A_175 = arith.constant 1 : i32
      %add3A_176 = arith.addi %mul3A_143, %add3A_175 : i32
      %dma_wait3A_177 = arith.constant 1 : i32
      %dma_wait3A_178 = arith.constant 0 : i32
      %dma_wait3A_179 = arith.constant 0 : i32
      %dma_wait3A_180 = tpu.memref_slice %arg9[%dma_wait3A_177, %dma_wait3A_178, %dma_wait3A_179] : memref<5x80x64xf32, #tpu.memory_space<vmem>> -> memref<1x80x64xf32, #tpu.memory_space<vmem>>
      %dma_wait3A_181 = tpu.memref_squeeze %dma_wait3A_180 : memref<1x80x64xf32, #tpu.memory_space<vmem>> -> memref<80x64xf32, #tpu.memory_space<vmem>>
      %dma_wait3A_182 = arith.constant 0 : i32
      %dma_wait3A_183 = tpu.memref_slice %arg7[%add3A_176, %dma_wait3A_182] : memref<125x80xi32, #tpu.memory_space<vmem>> -> memref<1x80xi32, #tpu.memory_space<vmem>>
      %dma_wait3A_184 = tpu.memref_squeeze %dma_wait3A_183 : memref<1x80xi32, #tpu.memory_space<vmem>> -> memref<80xi32, #tpu.memory_space<vmem>>
      %dma_wait3A_185 = arith.constant 0 : i32
      %dma_wait3A_186 = arith.constant 0 : i32
      %dma_wait3A_187 = tpu.memref_slice %arg2[%dma_wait3A_185, %dma_wait3A_186] : memref<10000x64xf32, #tpu.memory_space<hbm>> -> memref<10000x64xf32, #tpu.memory_space<hbm>>
      tpu.wait_indirect_dma semaphore(%arg12 : memref<!tpu.dma_semaphore, #tpu.memory_space<semaphore_mem>>) src(%dma_wait3A_187 : memref<10000x64xf32, #tpu.memory_space<hbm>>) dst(%dma_wait3A_181 : memref<80x64xf32, #tpu.memory_space<vmem>>)
      %add3A_188 = arith.constant 1 : i32
      %add3A_189 = arith.addi %mul3A_143, %add3A_188 : i32
      %run_scoped3A_190 = arith.constant 1 : i32
      "tpu.region"() ({
        %run_scoped3A_299 = tpu.sem_alloc : memref<!tpu.dma_semaphore, #tpu.memory_space<semaphore_mem>>
        %dma_start3A_300 = arith.constant 0 : i32
        %dma_start3A_301 = arith.constant 0 : i32
        %dma_start3A_302 = tpu.memref_slice %arg9[%run_scoped3A_190, %dma_start3A_300, %dma_start3A_301] : memref<5x80x64xf32, #tpu.memory_space<vmem>> -> memref<1x80x64xf32, #tpu.memory_space<vmem>>
        %dma_start3A_303 = tpu.memref_squeeze %dma_start3A_302 : memref<1x80x64xf32, #tpu.memory_space<vmem>> -> memref<80x64xf32, #tpu.memory_space<vmem>>
        %dma_start3A_304 = arith.constant 0 : i32
        %dma_start3A_305 = tpu.memref_slice %arg8[%add3A_189, %dma_start3A_304] : memref<125x80xi32, #tpu.memory_space<vmem>> -> memref<1x80xi32, #tpu.memory_space<vmem>>
        %dma_start3A_306 = tpu.memref_squeeze %dma_start3A_305 : memref<1x80xi32, #tpu.memory_space<vmem>> -> memref<80xi32, #tpu.memory_space<vmem>>
        %dma_start3A_307 = arith.constant 0 : i32
        %dma_start3A_308 = arith.constant 0 : i32
        %dma_start3A_309 = tpu.memref_slice %arg10[%dma_start3A_307, %dma_start3A_308] : memref<10000x64xf32, #tpu.memory_space<vmem_shared>> -> memref<10000x64xf32, #tpu.memory_space<vmem_shared>>
        tpu.enqueue_indirect_dma source(%dma_start3A_303 : memref<80x64xf32, #tpu.memory_space<vmem>>) target(%dma_start3A_309 : memref<10000x64xf32, #tpu.memory_space<vmem_shared>>) offsets(%dma_start3A_306 : memref<80xi32, #tpu.memory_space<vmem>>) semaphore(%run_scoped3A_299 : memref<!tpu.dma_semaphore, #tpu.memory_space<semaphore_mem>>) {add = true}
        %dma_wait3A_310 = arith.constant 0 : i32
        %dma_wait3A_311 = arith.constant 0 : i32
        %dma_wait3A_312 = tpu.memref_slice %arg9[%run_scoped3A_190, %dma_wait3A_310, %dma_wait3A_311] : memref<5x80x64xf32, #tpu.memory_space<vmem>> -> memref<1x80x64xf32, #tpu.memory_space<vmem>>
        %dma_wait3A_313 = tpu.memref_squeeze %dma_wait3A_312 : memref<1x80x64xf32, #tpu.memory_space<vmem>> -> memref<80x64xf32, #tpu.memory_space<vmem>>
        %dma_wait3A_314 = arith.constant 0 : i32
        %dma_wait3A_315 = tpu.memref_slice %arg8[%add3A_189, %dma_wait3A_314] : memref<125x80xi32, #tpu.memory_space<vmem>> -> memref<1x80xi32, #tpu.memory_space<vmem>>
        %dma_wait3A_316 = tpu.memref_squeeze %dma_wait3A_315 : memref<1x80xi32, #tpu.memory_space<vmem>> -> memref<80xi32, #tpu.memory_space<vmem>>
        %dma_wait3A_317 = arith.constant 0 : i32
        %dma_wait3A_318 = arith.constant 0 : i32
        %dma_wait3A_319 = tpu.memref_slice %arg10[%dma_wait3A_317, %dma_wait3A_318] : memref<10000x64xf32, #tpu.memory_space<vmem_shared>> -> memref<10000x64xf32, #tpu.memory_space<vmem_shared>>
        tpu.wait_indirect_dma semaphore(%run_scoped3A_299 : memref<!tpu.dma_semaphore, #tpu.memory_space<semaphore_mem>>) src(%dma_wait3A_313 : memref<80x64xf32, #tpu.memory_space<vmem>>) dst(%dma_wait3A_319 : memref<10000x64xf32, #tpu.memory_space<vmem_shared>>)
        tpu.yield
      }) : () -> ()
      %add3A_191 = arith.constant 1 : i32
      %add3A_192 = arith.addi %mul3A_143, %add3A_191 : i32
      %add3A_193 = arith.constant 5 : i32
      %add3A_194 = arith.addi %add3A_192, %add3A_193 : i32
      %dma_start3A_195 = arith.constant 1 : i32
      %dma_start3A_196 = arith.constant 0 : i32
      %dma_start3A_197 = arith.constant 0 : i32
      %dma_start3A_198 = tpu.memref_slice %arg9[%dma_start3A_195, %dma_start3A_196, %dma_start3A_197] : memref<5x80x64xf32, #tpu.memory_space<vmem>> -> memref<1x80x64xf32, #tpu.memory_space<vmem>>
      %dma_start3A_199 = tpu.memref_squeeze %dma_start3A_198 : memref<1x80x64xf32, #tpu.memory_space<vmem>> -> memref<80x64xf32, #tpu.memory_space<vmem>>
      %dma_start3A_200 = arith.constant 0 : i32
      %dma_start3A_201 = tpu.memref_slice %arg7[%add3A_194, %dma_start3A_200] : memref<125x80xi32, #tpu.memory_space<vmem>> -> memref<1x80xi32, #tpu.memory_space<vmem>>
      %dma_start3A_202 = tpu.memref_squeeze %dma_start3A_201 : memref<1x80xi32, #tpu.memory_space<vmem>> -> memref<80xi32, #tpu.memory_space<vmem>>
      %dma_start3A_203 = arith.constant 0 : i32
      %dma_start3A_204 = arith.constant 0 : i32
      %dma_start3A_205 = tpu.memref_slice %arg2[%dma_start3A_203, %dma_start3A_204] : memref<10000x64xf32, #tpu.memory_space<hbm>> -> memref<10000x64xf32, #tpu.memory_space<hbm>>
      tpu.enqueue_indirect_dma source(%dma_start3A_205 : memref<10000x64xf32, #tpu.memory_space<hbm>>) target(%dma_start3A_199 : memref<80x64xf32, #tpu.memory_space<vmem>>) offsets(%dma_start3A_202 : memref<80xi32, #tpu.memory_space<vmem>>) semaphore(%arg12 : memref<!tpu.dma_semaphore, #tpu.memory_space<semaphore_mem>>)
      %add3A_206 = arith.constant 2 : i32
      %add3A_207 = arith.addi %mul3A_143, %add3A_206 : i32
      %dma_wait3A_208 = arith.constant 2 : i32
      %dma_wait3A_209 = arith.constant 0 : i32
      %dma_wait3A_210 = arith.constant 0 : i32
      %dma_wait3A_211 = tpu.memref_slice %arg9[%dma_wait3A_208, %dma_wait3A_209, %dma_wait3A_210] : memref<5x80x64xf32, #tpu.memory_space<vmem>> -> memref<1x80x64xf32, #tpu.memory_space<vmem>>
      %dma_wait3A_212 = tpu.memref_squeeze %dma_wait3A_211 : memref<1x80x64xf32, #tpu.memory_space<vmem>> -> memref<80x64xf32, #tpu.memory_space<vmem>>
      %dma_wait3A_213 = arith.constant 0 : i32
      %dma_wait3A_214 = tpu.memref_slice %arg7[%add3A_207, %dma_wait3A_213] : memref<125x80xi32, #tpu.memory_space<vmem>> -> memref<1x80xi32, #tpu.memory_space<vmem>>
      %dma_wait3A_215 = tpu.memref_squeeze %dma_wait3A_214 : memref<1x80xi32, #tpu.memory_space<vmem>> -> memref<80xi32, #tpu.memory_space<vmem>>
      %dma_wait3A_216 = arith.constant 0 : i32
      %dma_wait3A_217 = arith.constant 0 : i32
      %dma_wait3A_218 = tpu.memref_slice %arg2[%dma_wait3A_216, %dma_wait3A_217] : memref<10000x64xf32, #tpu.memory_space<hbm>> -> memref<10000x64xf32, #tpu.memory_space<hbm>>
      tpu.wait_indirect_dma semaphore(%arg13 : memref<!tpu.dma_semaphore, #tpu.memory_space<semaphore_mem>>) src(%dma_wait3A_218 : memref<10000x64xf32, #tpu.memory_space<hbm>>) dst(%dma_wait3A_212 : memref<80x64xf32, #tpu.memory_space<vmem>>)
      %add3A_219 = arith.constant 2 : i32
      %add3A_220 = arith.addi %mul3A_143, %add3A_219 : i32
      %run_scoped3A_221 = arith.constant 2 : i32
      "tpu.region"() ({
        %run_scoped3A_299 = tpu.sem_alloc : memref<!tpu.dma_semaphore, #tpu.memory_space<semaphore_mem>>
        %dma_start3A_300 = arith.constant 0 : i32
        %dma_start3A_301 = arith.constant 0 : i32
        %dma_start3A_302 = tpu.memref_slice %arg9[%run_scoped3A_221, %dma_start3A_300, %dma_start3A_301] : memref<5x80x64xf32, #tpu.memory_space<vmem>> -> memref<1x80x64xf32, #tpu.memory_space<vmem>>
        %dma_start3A_303 = tpu.memref_squeeze %dma_start3A_302 : memref<1x80x64xf32, #tpu.memory_space<vmem>> -> memref<80x64xf32, #tpu.memory_space<vmem>>
        %dma_start3A_304 = arith.constant 0 : i32
        %dma_start3A_305 = tpu.memref_slice %arg8[%add3A_220, %dma_start3A_304] : memref<125x80xi32, #tpu.memory_space<vmem>> -> memref<1x80xi32, #tpu.memory_space<vmem>>
        %dma_start3A_306 = tpu.memref_squeeze %dma_start3A_305 : memref<1x80xi32, #tpu.memory_space<vmem>> -> memref<80xi32, #tpu.memory_space<vmem>>
        %dma_start3A_307 = arith.constant 0 : i32
        %dma_start3A_308 = arith.constant 0 : i32
        %dma_start3A_309 = tpu.memref_slice %arg10[%dma_start3A_307, %dma_start3A_308] : memref<10000x64xf32, #tpu.memory_space<vmem_shared>> -> memref<10000x64xf32, #tpu.memory_space<vmem_shared>>
        tpu.enqueue_indirect_dma source(%dma_start3A_303 : memref<80x64xf32, #tpu.memory_space<vmem>>) target(%dma_start3A_309 : memref<10000x64xf32, #tpu.memory_space<vmem_shared>>) offsets(%dma_start3A_306 : memref<80xi32, #tpu.memory_space<vmem>>) semaphore(%run_scoped3A_299 : memref<!tpu.dma_semaphore, #tpu.memory_space<semaphore_mem>>) {add = true}
        %dma_wait3A_310 = arith.constant 0 : i32
        %dma_wait3A_311 = arith.constant 0 : i32
        %dma_wait3A_312 = tpu.memref_slice %arg9[%run_scoped3A_221, %dma_wait3A_310, %dma_wait3A_311] : memref<5x80x64xf32, #tpu.memory_space<vmem>> -> memref<1x80x64xf32, #tpu.memory_space<vmem>>
        %dma_wait3A_313 = tpu.memref_squeeze %dma_wait3A_312 : memref<1x80x64xf32, #tpu.memory_space<vmem>> -> memref<80x64xf32, #tpu.memory_space<vmem>>
        %dma_wait3A_314 = arith.constant 0 : i32
        %dma_wait3A_315 = tpu.memref_slice %arg8[%add3A_220, %dma_wait3A_314] : memref<125x80xi32, #tpu.memory_space<vmem>> -> memref<1x80xi32, #tpu.memory_space<vmem>>
        %dma_wait3A_316 = tpu.memref_squeeze %dma_wait3A_315 : memref<1x80xi32, #tpu.memory_space<vmem>> -> memref<80xi32, #tpu.memory_space<vmem>>
        %dma_wait3A_317 = arith.constant 0 : i32
        %dma_wait3A_318 = arith.constant 0 : i32
        %dma_wait3A_319 = tpu.memref_slice %arg10[%dma_wait3A_317, %dma_wait3A_318] : memref<10000x64xf32, #tpu.memory_space<vmem_shared>> -> memref<10000x64xf32, #tpu.memory_space<vmem_shared>>
        tpu.wait_indirect_dma semaphore(%run_scoped3A_299 : memref<!tpu.dma_semaphore, #tpu.memory_space<semaphore_mem>>) src(%dma_wait3A_313 : memref<80x64xf32, #tpu.memory_space<vmem>>) dst(%dma_wait3A_319 : memref<10000x64xf32, #tpu.memory_space<vmem_shared>>)
        tpu.yield
      }) : () -> ()
      %add3A_222 = arith.constant 2 : i32
      %add3A_223 = arith.addi %mul3A_143, %add3A_222 : i32
      %add3A_224 = arith.constant 5 : i32
      %add3A_225 = arith.addi %add3A_223, %add3A_224 : i32
      %dma_start3A_226 = arith.constant 2 : i32
      %dma_start3A_227 = arith.constant 0 : i32
      %dma_start3A_228 = arith.constant 0 : i32
      %dma_start3A_229 = tpu.memref_slice %arg9[%dma_start3A_226, %dma_start3A_227, %dma_start3A_228] : memref<5x80x64xf32, #tpu.memory_space<vmem>> -> memref<1x80x64xf32, #tpu.memory_space<vmem>>
      %dma_start3A_230 = tpu.memref_squeeze %dma_start3A_229 : memref<1x80x64xf32, #tpu.memory_space<vmem>> -> memref<80x64xf32, #tpu.memory_space<vmem>>
      %dma_start3A_231 = arith.constant 0 : i32
      %dma_start3A_232 = tpu.memref_slice %arg7[%add3A_225, %dma_start3A_231] : memref<125x80xi32, #tpu.memory_space<vmem>> -> memref<1x80xi32, #tpu.memory_space<vmem>>
      %dma_start3A_233 = tpu.memref_squeeze %dma_start3A_232 : memref<1x80xi32, #tpu.memory_space<vmem>> -> memref<80xi32, #tpu.memory_space<vmem>>
      %dma_start3A_234 = arith.constant 0 : i32
      %dma_start3A_235 = arith.constant 0 : i32
      %dma_start3A_236 = tpu.memref_slice %arg2[%dma_start3A_234, %dma_start3A_235] : memref<10000x64xf32, #tpu.memory_space<hbm>> -> memref<10000x64xf32, #tpu.memory_space<hbm>>
      tpu.enqueue_indirect_dma source(%dma_start3A_236 : memref<10000x64xf32, #tpu.memory_space<hbm>>) target(%dma_start3A_230 : memref<80x64xf32, #tpu.memory_space<vmem>>) offsets(%dma_start3A_233 : memref<80xi32, #tpu.memory_space<vmem>>) semaphore(%arg13 : memref<!tpu.dma_semaphore, #tpu.memory_space<semaphore_mem>>)
      %add3A_237 = arith.constant 3 : i32
      %add3A_238 = arith.addi %mul3A_143, %add3A_237 : i32
      %dma_wait3A_239 = arith.constant 3 : i32
      %dma_wait3A_240 = arith.constant 0 : i32
      %dma_wait3A_241 = arith.constant 0 : i32
      %dma_wait3A_242 = tpu.memref_slice %arg9[%dma_wait3A_239, %dma_wait3A_240, %dma_wait3A_241] : memref<5x80x64xf32, #tpu.memory_space<vmem>> -> memref<1x80x64xf32, #tpu.memory_space<vmem>>
      %dma_wait3A_243 = tpu.memref_squeeze %dma_wait3A_242 : memref<1x80x64xf32, #tpu.memory_space<vmem>> -> memref<80x64xf32, #tpu.memory_space<vmem>>
      %dma_wait3A_244 = arith.constant 0 : i32
      %dma_wait3A_245 = tpu.memref_slice %arg7[%add3A_238, %dma_wait3A_244] : memref<125x80xi32, #tpu.memory_space<vmem>> -> memref<1x80xi32, #tpu.memory_space<vmem>>
      %dma_wait3A_246 = tpu.memref_squeeze %dma_wait3A_245 : memref<1x80xi32, #tpu.memory_space<vmem>> -> memref<80xi32, #tpu.memory_space<vmem>>
      %dma_wait3A_247 = arith.constant 0 : i32
      %dma_wait3A_248 = arith.constant 0 : i32
      %dma_wait3A_249 = tpu.memref_slice %arg2[%dma_wait3A_247, %dma_wait3A_248] : memref<10000x64xf32, #tpu.memory_space<hbm>> -> memref<10000x64xf32, #tpu.memory_space<hbm>>
      tpu.wait_indirect_dma semaphore(%arg14 : memref<!tpu.dma_semaphore, #tpu.memory_space<semaphore_mem>>) src(%dma_wait3A_249 : memref<10000x64xf32, #tpu.memory_space<hbm>>) dst(%dma_wait3A_243 : memref<80x64xf32, #tpu.memory_space<vmem>>)
      %add3A_250 = arith.constant 3 : i32
      %add3A_251 = arith.addi %mul3A_143, %add3A_250 : i32
      %run_scoped3A_252 = arith.constant 3 : i32
      "tpu.region"() ({
        %run_scoped3A_299 = tpu.sem_alloc : memref<!tpu.dma_semaphore, #tpu.memory_space<semaphore_mem>>
        %dma_start3A_300 = arith.constant 0 : i32
        %dma_start3A_301 = arith.constant 0 : i32
        %dma_start3A_302 = tpu.memref_slice %arg9[%run_scoped3A_252, %dma_start3A_300, %dma_start3A_301] : memref<5x80x64xf32, #tpu.memory_space<vmem>> -> memref<1x80x64xf32, #tpu.memory_space<vmem>>
        %dma_start3A_303 = tpu.memref_squeeze %dma_start3A_302 : memref<1x80x64xf32, #tpu.memory_space<vmem>> -> memref<80x64xf32, #tpu.memory_space<vmem>>
        %dma_start3A_304 = arith.constant 0 : i32
        %dma_start3A_305 = tpu.memref_slice %arg8[%add3A_251, %dma_start3A_304] : memref<125x80xi32, #tpu.memory_space<vmem>> -> memref<1x80xi32, #tpu.memory_space<vmem>>
        %dma_start3A_306 = tpu.memref_squeeze %dma_start3A_305 : memref<1x80xi32, #tpu.memory_space<vmem>> -> memref<80xi32, #tpu.memory_space<vmem>>
        %dma_start3A_307 = arith.constant 0 : i32
        %dma_start3A_308 = arith.constant 0 : i32
        %dma_start3A_309 = tpu.memref_slice %arg10[%dma_start3A_307, %dma_start3A_308] : memref<10000x64xf32, #tpu.memory_space<vmem_shared>> -> memref<10000x64xf32, #tpu.memory_space<vmem_shared>>
        tpu.enqueue_indirect_dma source(%dma_start3A_303 : memref<80x64xf32, #tpu.memory_space<vmem>>) target(%dma_start3A_309 : memref<10000x64xf32, #tpu.memory_space<vmem_shared>>) offsets(%dma_start3A_306 : memref<80xi32, #tpu.memory_space<vmem>>) semaphore(%run_scoped3A_299 : memref<!tpu.dma_semaphore, #tpu.memory_space<semaphore_mem>>) {add = true}
        %dma_wait3A_310 = arith.constant 0 : i32
        %dma_wait3A_311 = arith.constant 0 : i32
        %dma_wait3A_312 = tpu.memref_slice %arg9[%run_scoped3A_252, %dma_wait3A_310, %dma_wait3A_311] : memref<5x80x64xf32, #tpu.memory_space<vmem>> -> memref<1x80x64xf32, #tpu.memory_space<vmem>>
        %dma_wait3A_313 = tpu.memref_squeeze %dma_wait3A_312 : memref<1x80x64xf32, #tpu.memory_space<vmem>> -> memref<80x64xf32, #tpu.memory_space<vmem>>
        %dma_wait3A_314 = arith.constant 0 : i32
        %dma_wait3A_315 = tpu.memref_slice %arg8[%add3A_251, %dma_wait3A_314] : memref<125x80xi32, #tpu.memory_space<vmem>> -> memref<1x80xi32, #tpu.memory_space<vmem>>
        %dma_wait3A_316 = tpu.memref_squeeze %dma_wait3A_315 : memref<1x80xi32, #tpu.memory_space<vmem>> -> memref<80xi32, #tpu.memory_space<vmem>>
        %dma_wait3A_317 = arith.constant 0 : i32
        %dma_wait3A_318 = arith.constant 0 : i32
        %dma_wait3A_319 = tpu.memref_slice %arg10[%dma_wait3A_317, %dma_wait3A_318] : memref<10000x64xf32, #tpu.memory_space<vmem_shared>> -> memref<10000x64xf32, #tpu.memory_space<vmem_shared>>
        tpu.wait_indirect_dma semaphore(%run_scoped3A_299 : memref<!tpu.dma_semaphore, #tpu.memory_space<semaphore_mem>>) src(%dma_wait3A_313 : memref<80x64xf32, #tpu.memory_space<vmem>>) dst(%dma_wait3A_319 : memref<10000x64xf32, #tpu.memory_space<vmem_shared>>)
        tpu.yield
      }) : () -> ()
      %add3A_253 = arith.constant 3 : i32
      %add3A_254 = arith.addi %mul3A_143, %add3A_253 : i32
      %add3A_255 = arith.constant 5 : i32
      %add3A_256 = arith.addi %add3A_254, %add3A_255 : i32
      %dma_start3A_257 = arith.constant 3 : i32
      %dma_start3A_258 = arith.constant 0 : i32
      %dma_start3A_259 = arith.constant 0 : i32
      %dma_start3A_260 = tpu.memref_slice %arg9[%dma_start3A_257, %dma_start3A_258, %dma_start3A_259] : memref<5x80x64xf32, #tpu.memory_space<vmem>> -> memref<1x80x64xf32, #tpu.memory_space<vmem>>
      %dma_start3A_261 = tpu.memref_squeeze %dma_start3A_260 : memref<1x80x64xf32, #tpu.memory_space<vmem>> -> memref<80x64xf32, #tpu.memory_space<vmem>>
      %dma_start3A_262 = arith.constant 0 : i32
      %dma_start3A_263 = tpu.memref_slice %arg7[%add3A_256, %dma_start3A_262] : memref<125x80xi32, #tpu.memory_space<vmem>> -> memref<1x80xi32, #tpu.memory_space<vmem>>
      %dma_start3A_264 = tpu.memref_squeeze %dma_start3A_263 : memref<1x80xi32, #tpu.memory_space<vmem>> -> memref<80xi32, #tpu.memory_space<vmem>>
      %dma_start3A_265 = arith.constant 0 : i32
      %dma_start3A_266 = arith.constant 0 : i32
      %dma_start3A_267 = tpu.memref_slice %arg2[%dma_start3A_265, %dma_start3A_266] : memref<10000x64xf32, #tpu.memory_space<hbm>> -> memref<10000x64xf32, #tpu.memory_space<hbm>>
      tpu.enqueue_indirect_dma source(%dma_start3A_267 : memref<10000x64xf32, #tpu.memory_space<hbm>>) target(%dma_start3A_261 : memref<80x64xf32, #tpu.memory_space<vmem>>) offsets(%dma_start3A_264 : memref<80xi32, #tpu.memory_space<vmem>>) semaphore(%arg14 : memref<!tpu.dma_semaphore, #tpu.memory_space<semaphore_mem>>)
      %add3A_268 = arith.constant 4 : i32
      %add3A_269 = arith.addi %mul3A_143, %add3A_268 : i32
      %dma_wait3A_270 = arith.constant 4 : i32
      %dma_wait3A_271 = arith.constant 0 : i32
      %dma_wait3A_272 = arith.constant 0 : i32
      %dma_wait3A_273 = tpu.memref_slice %arg9[%dma_wait3A_270, %dma_wait3A_271, %dma_wait3A_272] : memref<5x80x64xf32, #tpu.memory_space<vmem>> -> memref<1x80x64xf32, #tpu.memory_space<vmem>>
      %dma_wait3A_274 = tpu.memref_squeeze %dma_wait3A_273 : memref<1x80x64xf32, #tpu.memory_space<vmem>> -> memref<80x64xf32, #tpu.memory_space<vmem>>
      %dma_wait3A_275 = arith.constant 0 : i32
      %dma_wait3A_276 = tpu.memref_slice %arg7[%add3A_269, %dma_wait3A_275] : memref<125x80xi32, #tpu.memory_space<vmem>> -> memref<1x80xi32, #tpu.memory_space<vmem>>
      %dma_wait3A_277 = tpu.memref_squeeze %dma_wait3A_276 : memref<1x80xi32, #tpu.memory_space<vmem>> -> memref<80xi32, #tpu.memory_space<vmem>>
      %dma_wait3A_278 = arith.constant 0 : i32
      %dma_wait3A_279 = arith.constant 0 : i32
      %dma_wait3A_280 = tpu.memref_slice %arg2[%dma_wait3A_278, %dma_wait3A_279] : memref<10000x64xf32, #tpu.memory_space<hbm>> -> memref<10000x64xf32, #tpu.memory_space<hbm>>
      tpu.wait_indirect_dma semaphore(%arg15 : memref<!tpu.dma_semaphore, #tpu.memory_space<semaphore_mem>>) src(%dma_wait3A_280 : memref<10000x64xf32, #tpu.memory_space<hbm>>) dst(%dma_wait3A_274 : memref<80x64xf32, #tpu.memory_space<vmem>>)
      %add3A_281 = arith.constant 4 : i32
      %add3A_282 = arith.addi %mul3A_143, %add3A_281 : i32
      %run_scoped3A_283 = arith.constant 4 : i32
      "tpu.region"() ({
        %run_scoped3A_299 = tpu.sem_alloc : memref<!tpu.dma_semaphore, #tpu.memory_space<semaphore_mem>>
        %dma_start3A_300 = arith.constant 0 : i32
        %dma_start3A_301 = arith.constant 0 : i32
        %dma_start3A_302 = tpu.memref_slice %arg9[%run_scoped3A_283, %dma_start3A_300, %dma_start3A_301] : memref<5x80x64xf32, #tpu.memory_space<vmem>> -> memref<1x80x64xf32, #tpu.memory_space<vmem>>
        %dma_start3A_303 = tpu.memref_squeeze %dma_start3A_302 : memref<1x80x64xf32, #tpu.memory_space<vmem>> -> memref<80x64xf32, #tpu.memory_space<vmem>>
        %dma_start3A_304 = arith.constant 0 : i32
        %dma_start3A_305 = tpu.memref_slice %arg8[%add3A_282, %dma_start3A_304] : memref<125x80xi32, #tpu.memory_space<vmem>> -> memref<1x80xi32, #tpu.memory_space<vmem>>
        %dma_start3A_306 = tpu.memref_squeeze %dma_start3A_305 : memref<1x80xi32, #tpu.memory_space<vmem>> -> memref<80xi32, #tpu.memory_space<vmem>>
        %dma_start3A_307 = arith.constant 0 : i32
        %dma_start3A_308 = arith.constant 0 : i32
        %dma_start3A_309 = tpu.memref_slice %arg10[%dma_start3A_307, %dma_start3A_308] : memref<10000x64xf32, #tpu.memory_space<vmem_shared>> -> memref<10000x64xf32, #tpu.memory_space<vmem_shared>>
        tpu.enqueue_indirect_dma source(%dma_start3A_303 : memref<80x64xf32, #tpu.memory_space<vmem>>) target(%dma_start3A_309 : memref<10000x64xf32, #tpu.memory_space<vmem_shared>>) offsets(%dma_start3A_306 : memref<80xi32, #tpu.memory_space<vmem>>) semaphore(%run_scoped3A_299 : memref<!tpu.dma_semaphore, #tpu.memory_space<semaphore_mem>>) {add = true}
        %dma_wait3A_310 = arith.constant 0 : i32
        %dma_wait3A_311 = arith.constant 0 : i32
        %dma_wait3A_312 = tpu.memref_slice %arg9[%run_scoped3A_283, %dma_wait3A_310, %dma_wait3A_311] : memref<5x80x64xf32, #tpu.memory_space<vmem>> -> memref<1x80x64xf32, #tpu.memory_space<vmem>>
        %dma_wait3A_313 = tpu.memref_squeeze %dma_wait3A_312 : memref<1x80x64xf32, #tpu.memory_space<vmem>> -> memref<80x64xf32, #tpu.memory_space<vmem>>
        %dma_wait3A_314 = arith.constant 0 : i32
        %dma_wait3A_315 = tpu.memref_slice %arg8[%add3A_282, %dma_wait3A_314] : memref<125x80xi32, #tpu.memory_space<vmem>> -> memref<1x80xi32, #tpu.memory_space<vmem>>
        %dma_wait3A_316 = tpu.memref_squeeze %dma_wait3A_315 : memref<1x80xi32, #tpu.memory_space<vmem>> -> memref<80xi32, #tpu.memory_space<vmem>>
        %dma_wait3A_317 = arith.constant 0 : i32
        %dma_wait3A_318 = arith.constant 0 : i32
        %dma_wait3A_319 = tpu.memref_slice %arg10[%dma_wait3A_317, %dma_wait3A_318] : memref<10000x64xf32, #tpu.memory_space<vmem_shared>> -> memref<10000x64xf32, #tpu.memory_space<vmem_shared>>
        tpu.wait_indirect_dma semaphore(%run_scoped3A_299 : memref<!tpu.dma_semaphore, #tpu.memory_space<semaphore_mem>>) src(%dma_wait3A_313 : memref<80x64xf32, #tpu.memory_space<vmem>>) dst(%dma_wait3A_319 : memref<10000x64xf32, #tpu.memory_space<vmem_shared>>)
        tpu.yield
      }) : () -> ()
      %add3A_284 = arith.constant 4 : i32
      %add3A_285 = arith.addi %mul3A_143, %add3A_284 : i32
      %add3A_286 = arith.constant 5 : i32
      %add3A_287 = arith.addi %add3A_285, %add3A_286 : i32
      %dma_start3A_288 = arith.constant 4 : i32
      %dma_start3A_289 = arith.constant 0 : i32
      %dma_start3A_290 = arith.constant 0 : i32
      %dma_start3A_291 = tpu.memref_slice %arg9[%dma_start3A_288, %dma_start3A_289, %dma_start3A_290] : memref<5x80x64xf32, #tpu.memory_space<vmem>> -> memref<1x80x64xf32, #tpu.memory_space<vmem>>
      %dma_start3A_292 = tpu.memref_squeeze %dma_start3A_291 : memref<1x80x64xf32, #tpu.memory_space<vmem>> -> memref<80x64xf32, #tpu.memory_space<vmem>>
      %dma_start3A_293 = arith.constant 0 : i32
      %dma_start3A_294 = tpu.memref_slice %arg7[%add3A_287, %dma_start3A_293] : memref<125x80xi32, #tpu.memory_space<vmem>> -> memref<1x80xi32, #tpu.memory_space<vmem>>
      %dma_start3A_295 = tpu.memref_squeeze %dma_start3A_294 : memref<1x80xi32, #tpu.memory_space<vmem>> -> memref<80xi32, #tpu.memory_space<vmem>>
      %dma_start3A_296 = arith.constant 0 : i32
      %dma_start3A_297 = arith.constant 0 : i32
      %dma_start3A_298 = tpu.memref_slice %arg2[%dma_start3A_296, %dma_start3A_297] : memref<10000x64xf32, #tpu.memory_space<hbm>> -> memref<10000x64xf32, #tpu.memory_space<hbm>>
      tpu.enqueue_indirect_dma source(%dma_start3A_298 : memref<10000x64xf32, #tpu.memory_space<hbm>>) target(%dma_start3A_292 : memref<80x64xf32, #tpu.memory_space<vmem>>) offsets(%dma_start3A_295 : memref<80xi32, #tpu.memory_space<vmem>>) semaphore(%arg15 : memref<!tpu.dma_semaphore, #tpu.memory_space<semaphore_mem>>)
    }
    %scan3A_66 = arith.constant 24 : i32
    %dma_wait3A = arith.constant 120 : i32
    %dma_wait3A_67 = arith.constant 0 : i32
    %dma_wait3A_68 = arith.constant 0 : i32
    %dma_wait3A_69 = arith.constant 0 : i32
    %dma_wait3A_70 = tpu.memref_slice %arg9[%dma_wait3A_67, %dma_wait3A_68, %dma_wait3A_69] : memref<5x80x64xf32, #tpu.memory_space<vmem>> -> memref<1x80x64xf32, #tpu.memory_space<vmem>>
    %dma_wait3A_71 = tpu.memref_squeeze %dma_wait3A_70 : memref<1x80x64xf32, #tpu.memory_space<vmem>> -> memref<80x64xf32, #tpu.memory_space<vmem>>
    %dma_wait3A_72 = arith.constant 0 : i32
    %dma_wait3A_73 = tpu.memref_slice %arg7[%dma_wait3A, %dma_wait3A_72] : memref<125x80xi32, #tpu.memory_space<vmem>> -> memref<1x80xi32, #tpu.memory_space<vmem>>
    %dma_wait3A_74 = tpu.memref_squeeze %dma_wait3A_73 : memref<1x80xi32, #tpu.memory_space<vmem>> -> memref<80xi32, #tpu.memory_space<vmem>>
    %dma_wait3A_75 = arith.constant 0 : i32
    %dma_wait3A_76 = arith.constant 0 : i32
    %dma_wait3A_77 = tpu.memref_slice %arg2[%dma_wait3A_75, %dma_wait3A_76] : memref<10000x64xf32, #tpu.memory_space<hbm>> -> memref<10000x64xf32, #tpu.memory_space<hbm>>
    tpu.wait_indirect_dma semaphore(%arg11 : memref<!tpu.dma_semaphore, #tpu.memory_space<semaphore_mem>>) src(%dma_wait3A_77 : memref<10000x64xf32, #tpu.memory_space<hbm>>) dst(%dma_wait3A_71 : memref<80x64xf32, #tpu.memory_space<vmem>>)
    %run_scoped3A = arith.constant 0 : i32
    %run_scoped3A_78 = arith.constant 120 : i32
    "tpu.region"() ({
      %run_scoped3A_141 = tpu.sem_alloc : memref<!tpu.dma_semaphore, #tpu.memory_space<semaphore_mem>>
      %dma_start3A_142 = arith.constant 0 : i32
      %dma_start3A_143 = arith.constant 0 : i32
      %dma_start3A_144 = tpu.memref_slice %arg9[%run_scoped3A, %dma_start3A_142, %dma_start3A_143] : memref<5x80x64xf32, #tpu.memory_space<vmem>> -> memref<1x80x64xf32, #tpu.memory_space<vmem>>
      %dma_start3A_145 = tpu.memref_squeeze %dma_start3A_144 : memref<1x80x64xf32, #tpu.memory_space<vmem>> -> memref<80x64xf32, #tpu.memory_space<vmem>>
      %dma_start3A_146 = arith.constant 0 : i32
      %dma_start3A_147 = tpu.memref_slice %arg8[%run_scoped3A_78, %dma_start3A_146] : memref<125x80xi32, #tpu.memory_space<vmem>> -> memref<1x80xi32, #tpu.memory_space<vmem>>
      %dma_start3A_148 = tpu.memref_squeeze %dma_start3A_147 : memref<1x80xi32, #tpu.memory_space<vmem>> -> memref<80xi32, #tpu.memory_space<vmem>>
      %dma_start3A_149 = arith.constant 0 : i32
      %dma_start3A_150 = arith.constant 0 : i32
      %dma_start3A_151 = tpu.memref_slice %arg10[%dma_start3A_149, %dma_start3A_150] : memref<10000x64xf32, #tpu.memory_space<vmem_shared>> -> memref<10000x64xf32, #tpu.memory_space<vmem_shared>>
      tpu.enqueue_indirect_dma source(%dma_start3A_145 : memref<80x64xf32, #tpu.memory_space<vmem>>) target(%dma_start3A_151 : memref<10000x64xf32, #tpu.memory_space<vmem_shared>>) offsets(%dma_start3A_148 : memref<80xi32, #tpu.memory_space<vmem>>) semaphore(%run_scoped3A_141 : memref<!tpu.dma_semaphore, #tpu.memory_space<semaphore_mem>>) {add = true}
      %dma_wait3A_152 = arith.constant 0 : i32
      %dma_wait3A_153 = arith.constant 0 : i32
      %dma_wait3A_154 = tpu.memref_slice %arg9[%run_scoped3A, %dma_wait3A_152, %dma_wait3A_153] : memref<5x80x64xf32, #tpu.memory_space<vmem>> -> memref<1x80x64xf32, #tpu.memory_space<vmem>>
      %dma_wait3A_155 = tpu.memref_squeeze %dma_wait3A_154 : memref<1x80x64xf32, #tpu.memory_space<vmem>> -> memref<80x64xf32, #tpu.memory_space<vmem>>
      %dma_wait3A_156 = arith.constant 0 : i32
      %dma_wait3A_157 = tpu.memref_slice %arg8[%run_scoped3A_78, %dma_wait3A_156] : memref<125x80xi32, #tpu.memory_space<vmem>> -> memref<1x80xi32, #tpu.memory_space<vmem>>
      %dma_wait3A_158 = tpu.memref_squeeze %dma_wait3A_157 : memref<1x80xi32, #tpu.memory_space<vmem>> -> memref<80xi32, #tpu.memory_space<vmem>>
      %dma_wait3A_159 = arith.constant 0 : i32
      %dma_wait3A_160 = arith.constant 0 : i32
      %dma_wait3A_161 = tpu.memref_slice %arg10[%dma_wait3A_159, %dma_wait3A_160] : memref<10000x64xf32, #tpu.memory_space<vmem_shared>> -> memref<10000x64xf32, #tpu.memory_space<vmem_shared>>
      tpu.wait_indirect_dma semaphore(%run_scoped3A_141 : memref<!tpu.dma_semaphore, #tpu.memory_space<semaphore_mem>>) src(%dma_wait3A_155 : memref<80x64xf32, #tpu.memory_space<vmem>>) dst(%dma_wait3A_161 : memref<10000x64xf32, #tpu.memory_space<vmem_shared>>)
      tpu.yield
    }) : () -> ()
    %dma_wait3A_79 = arith.constant 121 : i32
    %dma_wait3A_80 = arith.constant 1 : i32
    %dma_wait3A_81 = arith.constant 0 : i32
    %dma_wait3A_82 = arith.constant 0 : i32
    %dma_wait3A_83 = tpu.memref_slice %arg9[%dma_wait3A_80, %dma_wait3A_81, %dma_wait3A_82] : memref<5x80x64xf32, #tpu.memory_space<vmem>> -> memref<1x80x64xf32, #tpu.memory_space<vmem>>
    %dma_wait3A_84 = tpu.memref_squeeze %dma_wait3A_83 : memref<1x80x64xf32, #tpu.memory_space<vmem>> -> memref<80x64xf32, #tpu.memory_space<vmem>>
    %dma_wait3A_85 = arith.constant 0 : i32
    %dma_wait3A_86 = tpu.memref_slice %arg7[%dma_wait3A_79, %dma_wait3A_85] : memref<125x80xi32, #tpu.memory_space<vmem>> -> memref<1x80xi32, #tpu.memory_space<vmem>>
    %dma_wait3A_87 = tpu.memref_squeeze %dma_wait3A_86 : memref<1x80xi32, #tpu.memory_space<vmem>> -> memref<80xi32, #tpu.memory_space<vmem>>
    %dma_wait3A_88 = arith.constant 0 : i32
    %dma_wait3A_89 = arith.constant 0 : i32
    %dma_wait3A_90 = tpu.memref_slice %arg2[%dma_wait3A_88, %dma_wait3A_89] : memref<10000x64xf32, #tpu.memory_space<hbm>> -> memref<10000x64xf32, #tpu.memory_space<hbm>>
    tpu.wait_indirect_dma semaphore(%arg12 : memref<!tpu.dma_semaphore, #tpu.memory_space<semaphore_mem>>) src(%dma_wait3A_90 : memref<10000x64xf32, #tpu.memory_space<hbm>>) dst(%dma_wait3A_84 : memref<80x64xf32, #tpu.memory_space<vmem>>)
    %run_scoped3A_91 = arith.constant 1 : i32
    %run_scoped3A_92 = arith.constant 121 : i32
    "tpu.region"() ({
      %run_scoped3A_141 = tpu.sem_alloc : memref<!tpu.dma_semaphore, #tpu.memory_space<semaphore_mem>>
      %dma_start3A_142 = arith.constant 0 : i32
      %dma_start3A_143 = arith.constant 0 : i32
      %dma_start3A_144 = tpu.memref_slice %arg9[%run_scoped3A_91, %dma_start3A_142, %dma_start3A_143] : memref<5x80x64xf32, #tpu.memory_space<vmem>> -> memref<1x80x64xf32, #tpu.memory_space<vmem>>
      %dma_start3A_145 = tpu.memref_squeeze %dma_start3A_144 : memref<1x80x64xf32, #tpu.memory_space<vmem>> -> memref<80x64xf32, #tpu.memory_space<vmem>>
      %dma_start3A_146 = arith.constant 0 : i32
      %dma_start3A_147 = tpu.memref_slice %arg8[%run_scoped3A_92, %dma_start3A_146] : memref<125x80xi32, #tpu.memory_space<vmem>> -> memref<1x80xi32, #tpu.memory_space<vmem>>
      %dma_start3A_148 = tpu.memref_squeeze %dma_start3A_147 : memref<1x80xi32, #tpu.memory_space<vmem>> -> memref<80xi32, #tpu.memory_space<vmem>>
      %dma_start3A_149 = arith.constant 0 : i32
      %dma_start3A_150 = arith.constant 0 : i32
      %dma_start3A_151 = tpu.memref_slice %arg10[%dma_start3A_149, %dma_start3A_150] : memref<10000x64xf32, #tpu.memory_space<vmem_shared>> -> memref<10000x64xf32, #tpu.memory_space<vmem_shared>>
      tpu.enqueue_indirect_dma source(%dma_start3A_145 : memref<80x64xf32, #tpu.memory_space<vmem>>) target(%dma_start3A_151 : memref<10000x64xf32, #tpu.memory_space<vmem_shared>>) offsets(%dma_start3A_148 : memref<80xi32, #tpu.memory_space<vmem>>) semaphore(%run_scoped3A_141 : memref<!tpu.dma_semaphore, #tpu.memory_space<semaphore_mem>>) {add = true}
      %dma_wait3A_152 = arith.constant 0 : i32
      %dma_wait3A_153 = arith.constant 0 : i32
      %dma_wait3A_154 = tpu.memref_slice %arg9[%run_scoped3A_91, %dma_wait3A_152, %dma_wait3A_153] : memref<5x80x64xf32, #tpu.memory_space<vmem>> -> memref<1x80x64xf32, #tpu.memory_space<vmem>>
      %dma_wait3A_155 = tpu.memref_squeeze %dma_wait3A_154 : memref<1x80x64xf32, #tpu.memory_space<vmem>> -> memref<80x64xf32, #tpu.memory_space<vmem>>
      %dma_wait3A_156 = arith.constant 0 : i32
      %dma_wait3A_157 = tpu.memref_slice %arg8[%run_scoped3A_92, %dma_wait3A_156] : memref<125x80xi32, #tpu.memory_space<vmem>> -> memref<1x80xi32, #tpu.memory_space<vmem>>
      %dma_wait3A_158 = tpu.memref_squeeze %dma_wait3A_157 : memref<1x80xi32, #tpu.memory_space<vmem>> -> memref<80xi32, #tpu.memory_space<vmem>>
      %dma_wait3A_159 = arith.constant 0 : i32
      %dma_wait3A_160 = arith.constant 0 : i32
      %dma_wait3A_161 = tpu.memref_slice %arg10[%dma_wait3A_159, %dma_wait3A_160] : memref<10000x64xf32, #tpu.memory_space<vmem_shared>> -> memref<10000x64xf32, #tpu.memory_space<vmem_shared>>
      tpu.wait_indirect_dma semaphore(%run_scoped3A_141 : memref<!tpu.dma_semaphore, #tpu.memory_space<semaphore_mem>>) src(%dma_wait3A_155 : memref<80x64xf32, #tpu.memory_space<vmem>>) dst(%dma_wait3A_161 : memref<10000x64xf32, #tpu.memory_space<vmem_shared>>)
      tpu.yield
    }) : () -> ()
    %dma_wait3A_93 = arith.constant 122 : i32
    %dma_wait3A_94 = arith.constant 2 : i32
    %dma_wait3A_95 = arith.constant 0 : i32
    %dma_wait3A_96 = arith.constant 0 : i32
    %dma_wait3A_97 = tpu.memref_slice %arg9[%dma_wait3A_94, %dma_wait3A_95, %dma_wait3A_96] : memref<5x80x64xf32, #tpu.memory_space<vmem>> -> memref<1x80x64xf32, #tpu.memory_space<vmem>>
    %dma_wait3A_98 = tpu.memref_squeeze %dma_wait3A_97 : memref<1x80x64xf32, #tpu.memory_space<vmem>> -> memref<80x64xf32, #tpu.memory_space<vmem>>
    %dma_wait3A_99 = arith.constant 0 : i32
    %dma_wait3A_100 = tpu.memref_slice %arg7[%dma_wait3A_93, %dma_wait3A_99] : memref<125x80xi32, #tpu.memory_space<vmem>> -> memref<1x80xi32, #tpu.memory_space<vmem>>
    %dma_wait3A_101 = tpu.memref_squeeze %dma_wait3A_100 : memref<1x80xi32, #tpu.memory_space<vmem>> -> memref<80xi32, #tpu.memory_space<vmem>>
    %dma_wait3A_102 = arith.constant 0 : i32
    %dma_wait3A_103 = arith.constant 0 : i32
    %dma_wait3A_104 = tpu.memref_slice %arg2[%dma_wait3A_102, %dma_wait3A_103] : memref<10000x64xf32, #tpu.memory_space<hbm>> -> memref<10000x64xf32, #tpu.memory_space<hbm>>
    tpu.wait_indirect_dma semaphore(%arg13 : memref<!tpu.dma_semaphore, #tpu.memory_space<semaphore_mem>>) src(%dma_wait3A_104 : memref<10000x64xf32, #tpu.memory_space<hbm>>) dst(%dma_wait3A_98 : memref<80x64xf32, #tpu.memory_space<vmem>>)
    %run_scoped3A_105 = arith.constant 2 : i32
    %run_scoped3A_106 = arith.constant 122 : i32
    "tpu.region"() ({
      %run_scoped3A_141 = tpu.sem_alloc : memref<!tpu.dma_semaphore, #tpu.memory_space<semaphore_mem>>
      %dma_start3A_142 = arith.constant 0 : i32
      %dma_start3A_143 = arith.constant 0 : i32
      %dma_start3A_144 = tpu.memref_slice %arg9[%run_scoped3A_105, %dma_start3A_142, %dma_start3A_143] : memref<5x80x64xf32, #tpu.memory_space<vmem>> -> memref<1x80x64xf32, #tpu.memory_space<vmem>>
      %dma_start3A_145 = tpu.memref_squeeze %dma_start3A_144 : memref<1x80x64xf32, #tpu.memory_space<vmem>> -> memref<80x64xf32, #tpu.memory_space<vmem>>
      %dma_start3A_146 = arith.constant 0 : i32
      %dma_start3A_147 = tpu.memref_slice %arg8[%run_scoped3A_106, %dma_start3A_146] : memref<125x80xi32, #tpu.memory_space<vmem>> -> memref<1x80xi32, #tpu.memory_space<vmem>>
      %dma_start3A_148 = tpu.memref_squeeze %dma_start3A_147 : memref<1x80xi32, #tpu.memory_space<vmem>> -> memref<80xi32, #tpu.memory_space<vmem>>
      %dma_start3A_149 = arith.constant 0 : i32
      %dma_start3A_150 = arith.constant 0 : i32
      %dma_start3A_151 = tpu.memref_slice %arg10[%dma_start3A_149, %dma_start3A_150] : memref<10000x64xf32, #tpu.memory_space<vmem_shared>> -> memref<10000x64xf32, #tpu.memory_space<vmem_shared>>
      tpu.enqueue_indirect_dma source(%dma_start3A_145 : memref<80x64xf32, #tpu.memory_space<vmem>>) target(%dma_start3A_151 : memref<10000x64xf32, #tpu.memory_space<vmem_shared>>) offsets(%dma_start3A_148 : memref<80xi32, #tpu.memory_space<vmem>>) semaphore(%run_scoped3A_141 : memref<!tpu.dma_semaphore, #tpu.memory_space<semaphore_mem>>) {add = true}
      %dma_wait3A_152 = arith.constant 0 : i32
      %dma_wait3A_153 = arith.constant 0 : i32
      %dma_wait3A_154 = tpu.memref_slice %arg9[%run_scoped3A_105, %dma_wait3A_152, %dma_wait3A_153] : memref<5x80x64xf32, #tpu.memory_space<vmem>> -> memref<1x80x64xf32, #tpu.memory_space<vmem>>
      %dma_wait3A_155 = tpu.memref_squeeze %dma_wait3A_154 : memref<1x80x64xf32, #tpu.memory_space<vmem>> -> memref<80x64xf32, #tpu.memory_space<vmem>>
      %dma_wait3A_156 = arith.constant 0 : i32
      %dma_wait3A_157 = tpu.memref_slice %arg8[%run_scoped3A_106, %dma_wait3A_156] : memref<125x80xi32, #tpu.memory_space<vmem>> -> memref<1x80xi32, #tpu.memory_space<vmem>>
      %dma_wait3A_158 = tpu.memref_squeeze %dma_wait3A_157 : memref<1x80xi32, #tpu.memory_space<vmem>> -> memref<80xi32, #tpu.memory_space<vmem>>
      %dma_wait3A_159 = arith.constant 0 : i32
      %dma_wait3A_160 = arith.constant 0 : i32
      %dma_wait3A_161 = tpu.memref_slice %arg10[%dma_wait3A_159, %dma_wait3A_160] : memref<10000x64xf32, #tpu.memory_space<vmem_shared>> -> memref<10000x64xf32, #tpu.memory_space<vmem_shared>>
      tpu.wait_indirect_dma semaphore(%run_scoped3A_141 : memref<!tpu.dma_semaphore, #tpu.memory_space<semaphore_mem>>) src(%dma_wait3A_155 : memref<80x64xf32, #tpu.memory_space<vmem>>) dst(%dma_wait3A_161 : memref<10000x64xf32, #tpu.memory_space<vmem_shared>>)
      tpu.yield
    }) : () -> ()
    %dma_wait3A_107 = arith.constant 123 : i32
    %dma_wait3A_108 = arith.constant 3 : i32
    %dma_wait3A_109 = arith.constant 0 : i32
    %dma_wait3A_110 = arith.constant 0 : i32
    %dma_wait3A_111 = tpu.memref_slice %arg9[%dma_wait3A_108, %dma_wait3A_109, %dma_wait3A_110] : memref<5x80x64xf32, #tpu.memory_space<vmem>> -> memref<1x80x64xf32, #tpu.memory_space<vmem>>
    %dma_wait3A_112 = tpu.memref_squeeze %dma_wait3A_111 : memref<1x80x64xf32, #tpu.memory_space<vmem>> -> memref<80x64xf32, #tpu.memory_space<vmem>>
    %dma_wait3A_113 = arith.constant 0 : i32
    %dma_wait3A_114 = tpu.memref_slice %arg7[%dma_wait3A_107, %dma_wait3A_113] : memref<125x80xi32, #tpu.memory_space<vmem>> -> memref<1x80xi32, #tpu.memory_space<vmem>>
    %dma_wait3A_115 = tpu.memref_squeeze %dma_wait3A_114 : memref<1x80xi32, #tpu.memory_space<vmem>> -> memref<80xi32, #tpu.memory_space<vmem>>
    %dma_wait3A_116 = arith.constant 0 : i32
    %dma_wait3A_117 = arith.constant 0 : i32
    %dma_wait3A_118 = tpu.memref_slice %arg2[%dma_wait3A_116, %dma_wait3A_117] : memref<10000x64xf32, #tpu.memory_space<hbm>> -> memref<10000x64xf32, #tpu.memory_space<hbm>>
    tpu.wait_indirect_dma semaphore(%arg14 : memref<!tpu.dma_semaphore, #tpu.memory_space<semaphore_mem>>) src(%dma_wait3A_118 : memref<10000x64xf32, #tpu.memory_space<hbm>>) dst(%dma_wait3A_112 : memref<80x64xf32, #tpu.memory_space<vmem>>)
    %run_scoped3A_119 = arith.constant 3 : i32
    %run_scoped3A_120 = arith.constant 123 : i32
    "tpu.region"() ({
      %run_scoped3A_141 = tpu.sem_alloc : memref<!tpu.dma_semaphore, #tpu.memory_space<semaphore_mem>>
      %dma_start3A_142 = arith.constant 0 : i32
      %dma_start3A_143 = arith.constant 0 : i32
      %dma_start3A_144 = tpu.memref_slice %arg9[%run_scoped3A_119, %dma_start3A_142, %dma_start3A_143] : memref<5x80x64xf32, #tpu.memory_space<vmem>> -> memref<1x80x64xf32, #tpu.memory_space<vmem>>
      %dma_start3A_145 = tpu.memref_squeeze %dma_start3A_144 : memref<1x80x64xf32, #tpu.memory_space<vmem>> -> memref<80x64xf32, #tpu.memory_space<vmem>>
      %dma_start3A_146 = arith.constant 0 : i32
      %dma_start3A_147 = tpu.memref_slice %arg8[%run_scoped3A_120, %dma_start3A_146] : memref<125x80xi32, #tpu.memory_space<vmem>> -> memref<1x80xi32, #tpu.memory_space<vmem>>
      %dma_start3A_148 = tpu.memref_squeeze %dma_start3A_147 : memref<1x80xi32, #tpu.memory_space<vmem>> -> memref<80xi32, #tpu.memory_space<vmem>>
      %dma_start3A_149 = arith.constant 0 : i32
      %dma_start3A_150 = arith.constant 0 : i32
      %dma_start3A_151 = tpu.memref_slice %arg10[%dma_start3A_149, %dma_start3A_150] : memref<10000x64xf32, #tpu.memory_space<vmem_shared>> -> memref<10000x64xf32, #tpu.memory_space<vmem_shared>>
      tpu.enqueue_indirect_dma source(%dma_start3A_145 : memref<80x64xf32, #tpu.memory_space<vmem>>) target(%dma_start3A_151 : memref<10000x64xf32, #tpu.memory_space<vmem_shared>>) offsets(%dma_start3A_148 : memref<80xi32, #tpu.memory_space<vmem>>) semaphore(%run_scoped3A_141 : memref<!tpu.dma_semaphore, #tpu.memory_space<semaphore_mem>>) {add = true}
      %dma_wait3A_152 = arith.constant 0 : i32
      %dma_wait3A_153 = arith.constant 0 : i32
      %dma_wait3A_154 = tpu.memref_slice %arg9[%run_scoped3A_119, %dma_wait3A_152, %dma_wait3A_153] : memref<5x80x64xf32, #tpu.memory_space<vmem>> -> memref<1x80x64xf32, #tpu.memory_space<vmem>>
      %dma_wait3A_155 = tpu.memref_squeeze %dma_wait3A_154 : memref<1x80x64xf32, #tpu.memory_space<vmem>> -> memref<80x64xf32, #tpu.memory_space<vmem>>
      %dma_wait3A_156 = arith.constant 0 : i32
      %dma_wait3A_157 = tpu.memref_slice %arg8[%run_scoped3A_120, %dma_wait3A_156] : memref<125x80xi32, #tpu.memory_space<vmem>> -> memref<1x80xi32, #tpu.memory_space<vmem>>
      %dma_wait3A_158 = tpu.memref_squeeze %dma_wait3A_157 : memref<1x80xi32, #tpu.memory_space<vmem>> -> memref<80xi32, #tpu.memory_space<vmem>>
      %dma_wait3A_159 = arith.constant 0 : i32
      %dma_wait3A_160 = arith.constant 0 : i32
      %dma_wait3A_161 = tpu.memref_slice %arg10[%dma_wait3A_159, %dma_wait3A_160] : memref<10000x64xf32, #tpu.memory_space<vmem_shared>> -> memref<10000x64xf32, #tpu.memory_space<vmem_shared>>
      tpu.wait_indirect_dma semaphore(%run_scoped3A_141 : memref<!tpu.dma_semaphore, #tpu.memory_space<semaphore_mem>>) src(%dma_wait3A_155 : memref<80x64xf32, #tpu.memory_space<vmem>>) dst(%dma_wait3A_161 : memref<10000x64xf32, #tpu.memory_space<vmem_shared>>)
      tpu.yield
    }) : () -> ()
    %dma_wait3A_121 = arith.constant 124 : i32
    %dma_wait3A_122 = arith.constant 4 : i32
    %dma_wait3A_123 = arith.constant 0 : i32
    %dma_wait3A_124 = arith.constant 0 : i32
    %dma_wait3A_125 = tpu.memref_slice %arg9[%dma_wait3A_122, %dma_wait3A_123, %dma_wait3A_124] : memref<5x80x64xf32, #tpu.memory_space<vmem>> -> memref<1x80x64xf32, #tpu.memory_space<vmem>>
    %dma_wait3A_126 = tpu.memref_squeeze %dma_wait3A_125 : memref<1x80x64xf32, #tpu.memory_space<vmem>> -> memref<80x64xf32, #tpu.memory_space<vmem>>
    %dma_wait3A_127 = arith.constant 0 : i32
    %dma_wait3A_128 = tpu.memref_slice %arg7[%dma_wait3A_121, %dma_wait3A_127] : memref<125x80xi32, #tpu.memory_space<vmem>> -> memref<1x80xi32, #tpu.memory_space<vmem>>
    %dma_wait3A_129 = tpu.memref_squeeze %dma_wait3A_128 : memref<1x80xi32, #tpu.memory_space<vmem>> -> memref<80xi32, #tpu.memory_space<vmem>>
    %dma_wait3A_130 = arith.constant 0 : i32
    %dma_wait3A_131 = arith.constant 0 : i32
    %dma_wait3A_132 = tpu.memref_slice %arg2[%dma_wait3A_130, %dma_wait3A_131] : memref<10000x64xf32, #tpu.memory_space<hbm>> -> memref<10000x64xf32, #tpu.memory_space<hbm>>
    tpu.wait_indirect_dma semaphore(%arg15 : memref<!tpu.dma_semaphore, #tpu.memory_space<semaphore_mem>>) src(%dma_wait3A_132 : memref<10000x64xf32, #tpu.memory_space<hbm>>) dst(%dma_wait3A_126 : memref<80x64xf32, #tpu.memory_space<vmem>>)
    %run_scoped3A_133 = arith.constant 4 : i32
    %run_scoped3A_134 = arith.constant 124 : i32
    "tpu.region"() ({
      %run_scoped3A_141 = tpu.sem_alloc : memref<!tpu.dma_semaphore, #tpu.memory_space<semaphore_mem>>
      %dma_start3A_142 = arith.constant 0 : i32
      %dma_start3A_143 = arith.constant 0 : i32
      %dma_start3A_144 = tpu.memref_slice %arg9[%run_scoped3A_133, %dma_start3A_142, %dma_start3A_143] : memref<5x80x64xf32, #tpu.memory_space<vmem>> -> memref<1x80x64xf32, #tpu.memory_space<vmem>>
      %dma_start3A_145 = tpu.memref_squeeze %dma_start3A_144 : memref<1x80x64xf32, #tpu.memory_space<vmem>> -> memref<80x64xf32, #tpu.memory_space<vmem>>
      %dma_start3A_146 = arith.constant 0 : i32
      %dma_start3A_147 = tpu.memref_slice %arg8[%run_scoped3A_134, %dma_start3A_146] : memref<125x80xi32, #tpu.memory_space<vmem>> -> memref<1x80xi32, #tpu.memory_space<vmem>>
      %dma_start3A_148 = tpu.memref_squeeze %dma_start3A_147 : memref<1x80xi32, #tpu.memory_space<vmem>> -> memref<80xi32, #tpu.memory_space<vmem>>
      %dma_start3A_149 = arith.constant 0 : i32
      %dma_start3A_150 = arith.constant 0 : i32
      %dma_start3A_151 = tpu.memref_slice %arg10[%dma_start3A_149, %dma_start3A_150] : memref<10000x64xf32, #tpu.memory_space<vmem_shared>> -> memref<10000x64xf32, #tpu.memory_space<vmem_shared>>
      tpu.enqueue_indirect_dma source(%dma_start3A_145 : memref<80x64xf32, #tpu.memory_space<vmem>>) target(%dma_start3A_151 : memref<10000x64xf32, #tpu.memory_space<vmem_shared>>) offsets(%dma_start3A_148 : memref<80xi32, #tpu.memory_space<vmem>>) semaphore(%run_scoped3A_141 : memref<!tpu.dma_semaphore, #tpu.memory_space<semaphore_mem>>) {add = true}
      %dma_wait3A_152 = arith.constant 0 : i32
      %dma_wait3A_153 = arith.constant 0 : i32
      %dma_wait3A_154 = tpu.memref_slice %arg9[%run_scoped3A_133, %dma_wait3A_152, %dma_wait3A_153] : memref<5x80x64xf32, #tpu.memory_space<vmem>> -> memref<1x80x64xf32, #tpu.memory_space<vmem>>
      %dma_wait3A_155 = tpu.memref_squeeze %dma_wait3A_154 : memref<1x80x64xf32, #tpu.memory_space<vmem>> -> memref<80x64xf32, #tpu.memory_space<vmem>>
      %dma_wait3A_156 = arith.constant 0 : i32
      %dma_wait3A_157 = tpu.memref_slice %arg8[%run_scoped3A_134, %dma_wait3A_156] : memref<125x80xi32, #tpu.memory_space<vmem>> -> memref<1x80xi32, #tpu.memory_space<vmem>>
      %dma_wait3A_158 = tpu.memref_squeeze %dma_wait3A_157 : memref<1x80xi32, #tpu.memory_space<vmem>> -> memref<80xi32, #tpu.memory_space<vmem>>
      %dma_wait3A_159 = arith.constant 0 : i32
      %dma_wait3A_160 = arith.constant 0 : i32
      %dma_wait3A_161 = tpu.memref_slice %arg10[%dma_wait3A_159, %dma_wait3A_160] : memref<10000x64xf32, #tpu.memory_space<vmem_shared>> -> memref<10000x64xf32, #tpu.memory_space<vmem_shared>>
      tpu.wait_indirect_dma semaphore(%run_scoped3A_141 : memref<!tpu.dma_semaphore, #tpu.memory_space<semaphore_mem>>) src(%dma_wait3A_155 : memref<80x64xf32, #tpu.memory_space<vmem>>) dst(%dma_wait3A_161 : memref<10000x64xf32, #tpu.memory_space<vmem_shared>>)
      tpu.yield
    }) : () -> ()
    %barrier3A_135 = arith.constant 0 : index
    tpu.barrier barrier_id(%barrier3A_135)
    %eq3A_136 = arith.constant 0 : i32
    %eq3A_137 = arith.cmpi eq, %arg1, %eq3A_136 : i32
    %convert_element_type3A_138 = arith.extui %eq3A_137 : i1 to i32
    %cond3A_139 = arith.constant 0 : i32
    %cond3A_140 = arith.cmpi ne, %convert_element_type3A_138, %cond3A_139 : i32
    scf.if %cond3A_140 {
      "tpu.region"() ({
        %run_scoped3A_141 = tpu.sem_alloc : memref<!tpu.dma_semaphore, #tpu.memory_space<semaphore_mem>>
        %dma_start3A_142 = arith.constant 0 : i32
        %dma_start3A_143 = arith.constant 0 : i32
        %dma_start3A_144 = tpu.memref_slice %arg6[%arg0, %dma_start3A_142, %dma_start3A_143] : memref<2x10000x64xf32, #tpu.memory_space<hbm>> -> memref<1x10000x64xf32, #tpu.memory_space<hbm>>
        %dma_start3A_145 = tpu.memref_squeeze %dma_start3A_144 : memref<1x10000x64xf32, #tpu.memory_space<hbm>> -> memref<10000x64xf32, #tpu.memory_space<hbm>>
        tpu.enqueue_dma source(%arg10 : memref<10000x64xf32, #tpu.memory_space<vmem_shared>>) target(%dma_start3A_145 : memref<10000x64xf32, #tpu.memory_space<hbm>>) target_semaphore(%run_scoped3A_141 : memref<!tpu.dma_semaphore, #tpu.memory_space<semaphore_mem>>)
        %dma_wait3A_146 = arith.constant 0 : i32
        %dma_wait3A_147 = arith.constant 0 : i32
        %dma_wait3A_148 = tpu.memref_slice %arg6[%arg0, %dma_wait3A_146, %dma_wait3A_147] : memref<2x10000x64xf32, #tpu.memory_space<hbm>> -> memref<1x10000x64xf32, #tpu.memory_space<hbm>>
        %dma_wait3A_149 = tpu.memref_squeeze %dma_wait3A_148 : memref<1x10000x64xf32, #tpu.memory_space<hbm>> -> memref<10000x64xf32, #tpu.memory_space<hbm>>
        tpu.wait_dma2 semaphore(%run_scoped3A_141 : memref<!tpu.dma_semaphore, #tpu.memory_space<semaphore_mem>>) src(%arg10 : memref<10000x64xf32, #tpu.memory_space<vmem_shared>>) dst(%dma_wait3A_149 : memref<10000x64xf32, #tpu.memory_space<hbm>>)
        tpu.yield
      }) : () -> ()
    } else {
    }
    return
  }
}

#map = affine_map<(d0, d1) -> (0, 0)>
#map1 = affine_map<(d0, d1) -> (0, 0, 0)>
module attributes {stable_mosaic.version = 14 : i64} {
  func.func @_sc_agg(%arg0: i32, %arg1: i32, %arg2: memref<10000x64xf32, #tpu.memory_space<hbm>>, %arg3: memref<32x125x80xi32, #tpu.memory_space<hbm>>, %arg4: memref<32x125x80xi32, #tpu.memory_space<hbm>>, %arg5: memref<10000x64xf32, #tpu.memory_space<hbm>>, %arg6: memref<2x10000x64xf32, #tpu.memory_space<hbm>>, %arg7: memref<125x80xi32, #tpu.memory_space<vmem>>, %arg8: memref<125x80xi32, #tpu.memory_space<vmem>>, %arg9: memref<5x80x64xf32, #tpu.memory_space<vmem>>, %arg10: memref<10000x64xf32, #tpu.memory_space<vmem_shared>>, %arg11: memref<!tpu.dma_semaphore, #tpu.memory_space<semaphore_mem>>, %arg12: memref<!tpu.dma_semaphore, #tpu.memory_space<semaphore_mem>>, %arg13: memref<!tpu.dma_semaphore, #tpu.memory_space<semaphore_mem>>, %arg14: memref<!tpu.dma_semaphore, #tpu.memory_space<semaphore_mem>>, %arg15: memref<!tpu.dma_semaphore, #tpu.memory_space<semaphore_mem>>) attributes {dimension_semantics = [#tpu.dimension_semantics<core_parallel>, #tpu.dimension_semantics<subcore_parallel>], iteration_bounds = array<i64: 2, 16>, scalar_prefetch = 0 : i64, scratch_operands = 9 : i64, tpu.core_type = #tpu.core_type<sc_vector_subcore>, window_params = [{transform_indices = #map}, {transform_indices = #map1}, {transform_indices = #map1}, {transform_indices = #map}, {transform_indices = #map1}]} {
    %mul3A = arith.constant 16 : i32
    %mul3A_0 = arith.muli %arg0, %mul3A : i32
    %add3A = arith.addi %mul3A_0, %arg1 : i32
    %eq3A = arith.constant 0 : i32
    %eq3A_1 = arith.cmpi eq, %arg1, %eq3A : i32
    %convert_element_type3A = arith.extui %eq3A_1 : i1 to i32
    %cond3A = arith.constant 0 : i32
    %cond3A_2 = arith.cmpi ne, %convert_element_type3A, %cond3A : i32
    scf.if %cond3A_2 {
      "tpu.region"() ({
        %run_scoped3A_141 = tpu.sem_alloc : memref<!tpu.dma_semaphore, #tpu.memory_space<semaphore_mem>>
        tpu.enqueue_dma source(%arg5 : memref<10000x64xf32, #tpu.memory_space<hbm>>) target(%arg10 : memref<10000x64xf32, #tpu.memory_space<vmem_shared>>) target_semaphore(%run_scoped3A_141 : memref<!tpu.dma_semaphore, #tpu.memory_space<semaphore_mem>>)
        tpu.wait_dma2 semaphore(%run_scoped3A_141 : memref<!tpu.dma_semaphore, #tpu.memory_space<semaphore_mem>>) src(%arg5 : memref<10000x64xf32, #tpu.memory_space<hbm>>) dst(%arg10 : memref<10000x64xf32, #tpu.memory_space<vmem_shared>>)
        tpu.yield
      }) : () -> ()
    } else {
    }
    "tpu.region"() ({
      %run_scoped3A_141 = tpu.sem_alloc : memref<!tpu.dma_semaphore, #tpu.memory_space<semaphore_mem>>
      %dma_start3A_142 = arith.constant 0 : i32
      %dma_start3A_143 = arith.constant 0 : i32
      %dma_start3A_144 = tpu.memref_slice %arg3[%add3A, %dma_start3A_142, %dma_start3A_143] : memref<32x125x80xi32, #tpu.memory_space<hbm>> -> memref<1x125x80xi32, #tpu.memory_space<hbm>>
      %dma_start3A_145 = tpu.memref_squeeze %dma_start3A_144 : memref<1x125x80xi32, #tpu.memory_space<hbm>> -> memref<125x80xi32, #tpu.memory_space<hbm>>
      %dma_start3A_146 = arith.constant 0 : i32
      %dma_start3A_147 = arith.constant 0 : i32
      %dma_start3A_148 = tpu.memref_slice %arg3[%add3A, %dma_start3A_146, %dma_start3A_147] : memref<32x125x80xi32, #tpu.memory_space<hbm>> -> memref<1x125x80xi32, #tpu.memory_space<hbm>>
      %dma_start3A_149 = tpu.memref_squeeze %dma_start3A_148 : memref<1x125x80xi32, #tpu.memory_space<hbm>> -> memref<125x80xi32, #tpu.memory_space<hbm>>
      tpu.enqueue_dma source(%dma_start3A_149 : memref<125x80xi32, #tpu.memory_space<hbm>>) target(%arg7 : memref<125x80xi32, #tpu.memory_space<vmem>>) target_semaphore(%run_scoped3A_141 : memref<!tpu.dma_semaphore, #tpu.memory_space<semaphore_mem>>)
      %dma_wait3A_150 = arith.constant 0 : i32
      %dma_wait3A_151 = arith.constant 0 : i32
      %dma_wait3A_152 = tpu.memref_slice %arg3[%add3A, %dma_wait3A_150, %dma_wait3A_151] : memref<32x125x80xi32, #tpu.memory_space<hbm>> -> memref<1x125x80xi32, #tpu.memory_space<hbm>>
      %dma_wait3A_153 = tpu.memref_squeeze %dma_wait3A_152 : memref<1x125x80xi32, #tpu.memory_space<hbm>> -> memref<125x80xi32, #tpu.memory_space<hbm>>
      %dma_wait3A_154 = arith.constant 0 : i32
      %dma_wait3A_155 = arith.constant 0 : i32
      %dma_wait3A_156 = tpu.memref_slice %arg3[%add3A, %dma_wait3A_154, %dma_wait3A_155] : memref<32x125x80xi32, #tpu.memory_space<hbm>> -> memref<1x125x80xi32, #tpu.memory_space<hbm>>
      %dma_wait3A_157 = tpu.memref_squeeze %dma_wait3A_156 : memref<1x125x80xi32, #tpu.memory_space<hbm>> -> memref<125x80xi32, #tpu.memory_space<hbm>>
      tpu.wait_dma2 semaphore(%run_scoped3A_141 : memref<!tpu.dma_semaphore, #tpu.memory_space<semaphore_mem>>) src(%dma_wait3A_157 : memref<125x80xi32, #tpu.memory_space<hbm>>) dst(%arg7 : memref<125x80xi32, #tpu.memory_space<vmem>>)
      tpu.yield
    }) : () -> ()
    "tpu.region"() ({
      %run_scoped3A_141 = tpu.sem_alloc : memref<!tpu.dma_semaphore, #tpu.memory_space<semaphore_mem>>
      %dma_start3A_142 = arith.constant 0 : i32
      %dma_start3A_143 = arith.constant 0 : i32
      %dma_start3A_144 = tpu.memref_slice %arg4[%add3A, %dma_start3A_142, %dma_start3A_143] : memref<32x125x80xi32, #tpu.memory_space<hbm>> -> memref<1x125x80xi32, #tpu.memory_space<hbm>>
      %dma_start3A_145 = tpu.memref_squeeze %dma_start3A_144 : memref<1x125x80xi32, #tpu.memory_space<hbm>> -> memref<125x80xi32, #tpu.memory_space<hbm>>
      %dma_start3A_146 = arith.constant 0 : i32
      %dma_start3A_147 = arith.constant 0 : i32
      %dma_start3A_148 = tpu.memref_slice %arg4[%add3A, %dma_start3A_146, %dma_start3A_147] : memref<32x125x80xi32, #tpu.memory_space<hbm>> -> memref<1x125x80xi32, #tpu.memory_space<hbm>>
      %dma_start3A_149 = tpu.memref_squeeze %dma_start3A_148 : memref<1x125x80xi32, #tpu.memory_space<hbm>> -> memref<125x80xi32, #tpu.memory_space<hbm>>
      tpu.enqueue_dma source(%dma_start3A_149 : memref<125x80xi32, #tpu.memory_space<hbm>>) target(%arg8 : memref<125x80xi32, #tpu.memory_space<vmem>>) target_semaphore(%run_scoped3A_141 : memref<!tpu.dma_semaphore, #tpu.memory_space<semaphore_mem>>)
      %dma_wait3A_150 = arith.constant 0 : i32
      %dma_wait3A_151 = arith.constant 0 : i32
      %dma_wait3A_152 = tpu.memref_slice %arg4[%add3A, %dma_wait3A_150, %dma_wait3A_151] : memref<32x125x80xi32, #tpu.memory_space<hbm>> -> memref<1x125x80xi32, #tpu.memory_space<hbm>>
      %dma_wait3A_153 = tpu.memref_squeeze %dma_wait3A_152 : memref<1x125x80xi32, #tpu.memory_space<hbm>> -> memref<125x80xi32, #tpu.memory_space<hbm>>
      %dma_wait3A_154 = arith.constant 0 : i32
      %dma_wait3A_155 = arith.constant 0 : i32
      %dma_wait3A_156 = tpu.memref_slice %arg4[%add3A, %dma_wait3A_154, %dma_wait3A_155] : memref<32x125x80xi32, #tpu.memory_space<hbm>> -> memref<1x125x80xi32, #tpu.memory_space<hbm>>
      %dma_wait3A_157 = tpu.memref_squeeze %dma_wait3A_156 : memref<1x125x80xi32, #tpu.memory_space<hbm>> -> memref<125x80xi32, #tpu.memory_space<hbm>>
      tpu.wait_dma2 semaphore(%run_scoped3A_141 : memref<!tpu.dma_semaphore, #tpu.memory_space<semaphore_mem>>) src(%dma_wait3A_157 : memref<125x80xi32, #tpu.memory_space<hbm>>) dst(%arg8 : memref<125x80xi32, #tpu.memory_space<vmem>>)
      tpu.yield
    }) : () -> ()
    %barrier3A = arith.constant 0 : index
    tpu.barrier barrier_id(%barrier3A)
    %dma_start3A = arith.constant 0 : i32
    %dma_start3A_3 = arith.constant 0 : i32
    %dma_start3A_4 = arith.constant 0 : i32
    %dma_start3A_5 = arith.constant 0 : i32
    %dma_start3A_6 = tpu.memref_slice %arg9[%dma_start3A_3, %dma_start3A_4, %dma_start3A_5] : memref<5x80x64xf32, #tpu.memory_space<vmem>> -> memref<1x80x64xf32, #tpu.memory_space<vmem>>
    %dma_start3A_7 = tpu.memref_squeeze %dma_start3A_6 : memref<1x80x64xf32, #tpu.memory_space<vmem>> -> memref<80x64xf32, #tpu.memory_space<vmem>>
    %dma_start3A_8 = arith.constant 0 : i32
    %dma_start3A_9 = tpu.memref_slice %arg7[%dma_start3A, %dma_start3A_8] : memref<125x80xi32, #tpu.memory_space<vmem>> -> memref<1x80xi32, #tpu.memory_space<vmem>>
    %dma_start3A_10 = tpu.memref_squeeze %dma_start3A_9 : memref<1x80xi32, #tpu.memory_space<vmem>> -> memref<80xi32, #tpu.memory_space<vmem>>
    %dma_start3A_11 = arith.constant 0 : i32
    %dma_start3A_12 = arith.constant 0 : i32
    %dma_start3A_13 = tpu.memref_slice %arg2[%dma_start3A_11, %dma_start3A_12] : memref<10000x64xf32, #tpu.memory_space<hbm>> -> memref<10000x64xf32, #tpu.memory_space<hbm>>
    tpu.enqueue_indirect_dma source(%dma_start3A_13 : memref<10000x64xf32, #tpu.memory_space<hbm>>) target(%dma_start3A_7 : memref<80x64xf32, #tpu.memory_space<vmem>>) offsets(%dma_start3A_10 : memref<80xi32, #tpu.memory_space<vmem>>) semaphore(%arg11 : memref<!tpu.dma_semaphore, #tpu.memory_space<semaphore_mem>>)
    %dma_start3A_14 = arith.constant 1 : i32
    %dma_start3A_15 = arith.constant 1 : i32
    %dma_start3A_16 = arith.constant 0 : i32
    %dma_start3A_17 = arith.constant 0 : i32
    %dma_start3A_18 = tpu.memref_slice %arg9[%dma_start3A_15, %dma_start3A_16, %dma_start3A_17] : memref<5x80x64xf32, #tpu.memory_space<vmem>> -> memref<1x80x64xf32, #tpu.memory_space<vmem>>
    %dma_start3A_19 = tpu.memref_squeeze %dma_start3A_18 : memref<1x80x64xf32, #tpu.memory_space<vmem>> -> memref<80x64xf32, #tpu.memory_space<vmem>>
    %dma_start3A_20 = arith.constant 0 : i32
    %dma_start3A_21 = tpu.memref_slice %arg7[%dma_start3A_14, %dma_start3A_20] : memref<125x80xi32, #tpu.memory_space<vmem>> -> memref<1x80xi32, #tpu.memory_space<vmem>>
    %dma_start3A_22 = tpu.memref_squeeze %dma_start3A_21 : memref<1x80xi32, #tpu.memory_space<vmem>> -> memref<80xi32, #tpu.memory_space<vmem>>
    %dma_start3A_23 = arith.constant 0 : i32
    %dma_start3A_24 = arith.constant 0 : i32
    %dma_start3A_25 = tpu.memref_slice %arg2[%dma_start3A_23, %dma_start3A_24] : memref<10000x64xf32, #tpu.memory_space<hbm>> -> memref<10000x64xf32, #tpu.memory_space<hbm>>
    tpu.enqueue_indirect_dma source(%dma_start3A_25 : memref<10000x64xf32, #tpu.memory_space<hbm>>) target(%dma_start3A_19 : memref<80x64xf32, #tpu.memory_space<vmem>>) offsets(%dma_start3A_22 : memref<80xi32, #tpu.memory_space<vmem>>) semaphore(%arg12 : memref<!tpu.dma_semaphore, #tpu.memory_space<semaphore_mem>>)
    %dma_start3A_26 = arith.constant 2 : i32
    %dma_start3A_27 = arith.constant 2 : i32
    %dma_start3A_28 = arith.constant 0 : i32
    %dma_start3A_29 = arith.constant 0 : i32
    %dma_start3A_30 = tpu.memref_slice %arg9[%dma_start3A_27, %dma_start3A_28, %dma_start3A_29] : memref<5x80x64xf32, #tpu.memory_space<vmem>> -> memref<1x80x64xf32, #tpu.memory_space<vmem>>
    %dma_start3A_31 = tpu.memref_squeeze %dma_start3A_30 : memref<1x80x64xf32, #tpu.memory_space<vmem>> -> memref<80x64xf32, #tpu.memory_space<vmem>>
    %dma_start3A_32 = arith.constant 0 : i32
    %dma_start3A_33 = tpu.memref_slice %arg7[%dma_start3A_26, %dma_start3A_32] : memref<125x80xi32, #tpu.memory_space<vmem>> -> memref<1x80xi32, #tpu.memory_space<vmem>>
    %dma_start3A_34 = tpu.memref_squeeze %dma_start3A_33 : memref<1x80xi32, #tpu.memory_space<vmem>> -> memref<80xi32, #tpu.memory_space<vmem>>
    %dma_start3A_35 = arith.constant 0 : i32
    %dma_start3A_36 = arith.constant 0 : i32
    %dma_start3A_37 = tpu.memref_slice %arg2[%dma_start3A_35, %dma_start3A_36] : memref<10000x64xf32, #tpu.memory_space<hbm>> -> memref<10000x64xf32, #tpu.memory_space<hbm>>
    tpu.enqueue_indirect_dma source(%dma_start3A_37 : memref<10000x64xf32, #tpu.memory_space<hbm>>) target(%dma_start3A_31 : memref<80x64xf32, #tpu.memory_space<vmem>>) offsets(%dma_start3A_34 : memref<80xi32, #tpu.memory_space<vmem>>) semaphore(%arg13 : memref<!tpu.dma_semaphore, #tpu.memory_space<semaphore_mem>>)
    %dma_start3A_38 = arith.constant 3 : i32
    %dma_start3A_39 = arith.constant 3 : i32
    %dma_start3A_40 = arith.constant 0 : i32
    %dma_start3A_41 = arith.constant 0 : i32
    %dma_start3A_42 = tpu.memref_slice %arg9[%dma_start3A_39, %dma_start3A_40, %dma_start3A_41] : memref<5x80x64xf32, #tpu.memory_space<vmem>> -> memref<1x80x64xf32, #tpu.memory_space<vmem>>
    %dma_start3A_43 = tpu.memref_squeeze %dma_start3A_42 : memref<1x80x64xf32, #tpu.memory_space<vmem>> -> memref<80x64xf32, #tpu.memory_space<vmem>>
    %dma_start3A_44 = arith.constant 0 : i32
    %dma_start3A_45 = tpu.memref_slice %arg7[%dma_start3A_38, %dma_start3A_44] : memref<125x80xi32, #tpu.memory_space<vmem>> -> memref<1x80xi32, #tpu.memory_space<vmem>>
    %dma_start3A_46 = tpu.memref_squeeze %dma_start3A_45 : memref<1x80xi32, #tpu.memory_space<vmem>> -> memref<80xi32, #tpu.memory_space<vmem>>
    %dma_start3A_47 = arith.constant 0 : i32
    %dma_start3A_48 = arith.constant 0 : i32
    %dma_start3A_49 = tpu.memref_slice %arg2[%dma_start3A_47, %dma_start3A_48] : memref<10000x64xf32, #tpu.memory_space<hbm>> -> memref<10000x64xf32, #tpu.memory_space<hbm>>
    tpu.enqueue_indirect_dma source(%dma_start3A_49 : memref<10000x64xf32, #tpu.memory_space<hbm>>) target(%dma_start3A_43 : memref<80x64xf32, #tpu.memory_space<vmem>>) offsets(%dma_start3A_46 : memref<80xi32, #tpu.memory_space<vmem>>) semaphore(%arg14 : memref<!tpu.dma_semaphore, #tpu.memory_space<semaphore_mem>>)
    %dma_start3A_50 = arith.constant 4 : i32
    %dma_start3A_51 = arith.constant 4 : i32
    %dma_start3A_52 = arith.constant 0 : i32
    %dma_start3A_53 = arith.constant 0 : i32
    %dma_start3A_54 = tpu.memref_slice %arg9[%dma_start3A_51, %dma_start3A_52, %dma_start3A_53] : memref<5x80x64xf32, #tpu.memory_space<vmem>> -> memref<1x80x64xf32, #tpu.memory_space<vmem>>
    %dma_start3A_55 = tpu.memref_squeeze %dma_start3A_54 : memref<1x80x64xf32, #tpu.memory_space<vmem>> -> memref<80x64xf32, #tpu.memory_space<vmem>>
    %dma_start3A_56 = arith.constant 0 : i32
    %dma_start3A_57 = tpu.memref_slice %arg7[%dma_start3A_50, %dma_start3A_56] : memref<125x80xi32, #tpu.memory_space<vmem>> -> memref<1x80xi32, #tpu.memory_space<vmem>>
    %dma_start3A_58 = tpu.memref_squeeze %dma_start3A_57 : memref<1x80xi32, #tpu.memory_space<vmem>> -> memref<80xi32, #tpu.memory_space<vmem>>
    %dma_start3A_59 = arith.constant 0 : i32
    %dma_start3A_60 = arith.constant 0 : i32
    %dma_start3A_61 = tpu.memref_slice %arg2[%dma_start3A_59, %dma_start3A_60] : memref<10000x64xf32, #tpu.memory_space<hbm>> -> memref<10000x64xf32, #tpu.memory_space<hbm>>
    tpu.enqueue_indirect_dma source(%dma_start3A_61 : memref<10000x64xf32, #tpu.memory_space<hbm>>) target(%dma_start3A_55 : memref<80x64xf32, #tpu.memory_space<vmem>>) offsets(%dma_start3A_58 : memref<80xi32, #tpu.memory_space<vmem>>) semaphore(%arg15 : memref<!tpu.dma_semaphore, #tpu.memory_space<semaphore_mem>>)
    %scan3A = arith.constant 0 : i32
    %scan3A_62 = arith.constant 0 : i32
    %scan3A_63 = arith.constant 24 : i32
    %scan3A_64 = arith.addi %scan3A_62, %scan3A_63 : i32
    %scan3A_65 = arith.constant 1 : i32
    scf.for %scan3A_141 = %scan3A_62 to %scan3A_64 step %scan3A_65  : i32 {
      %mul3A_142 = arith.constant 5 : i32
      %mul3A_143 = arith.muli %scan3A_141, %mul3A_142 : i32
      %add3A_144 = arith.constant 0 : i32
      %add3A_145 = arith.addi %mul3A_143, %add3A_144 : i32
      %dma_wait3A_146 = arith.constant 0 : i32
      %dma_wait3A_147 = arith.constant 0 : i32
      %dma_wait3A_148 = arith.constant 0 : i32
      %dma_wait3A_149 = tpu.memref_slice %arg9[%dma_wait3A_146, %dma_wait3A_147, %dma_wait3A_148] : memref<5x80x64xf32, #tpu.memory_space<vmem>> -> memref<1x80x64xf32, #tpu.memory_space<vmem>>
      %dma_wait3A_150 = tpu.memref_squeeze %dma_wait3A_149 : memref<1x80x64xf32, #tpu.memory_space<vmem>> -> memref<80x64xf32, #tpu.memory_space<vmem>>
      %dma_wait3A_151 = arith.constant 0 : i32
      %dma_wait3A_152 = tpu.memref_slice %arg7[%add3A_145, %dma_wait3A_151] : memref<125x80xi32, #tpu.memory_space<vmem>> -> memref<1x80xi32, #tpu.memory_space<vmem>>
      %dma_wait3A_153 = tpu.memref_squeeze %dma_wait3A_152 : memref<1x80xi32, #tpu.memory_space<vmem>> -> memref<80xi32, #tpu.memory_space<vmem>>
      %dma_wait3A_154 = arith.constant 0 : i32
      %dma_wait3A_155 = arith.constant 0 : i32
      %dma_wait3A_156 = tpu.memref_slice %arg2[%dma_wait3A_154, %dma_wait3A_155] : memref<10000x64xf32, #tpu.memory_space<hbm>> -> memref<10000x64xf32, #tpu.memory_space<hbm>>
      tpu.wait_indirect_dma semaphore(%arg11 : memref<!tpu.dma_semaphore, #tpu.memory_space<semaphore_mem>>) src(%dma_wait3A_156 : memref<10000x64xf32, #tpu.memory_space<hbm>>) dst(%dma_wait3A_150 : memref<80x64xf32, #tpu.memory_space<vmem>>)
      %add3A_157 = arith.constant 0 : i32
      %add3A_158 = arith.addi %mul3A_143, %add3A_157 : i32
      %run_scoped3A_159 = arith.constant 0 : i32
      "tpu.region"() ({
        %run_scoped3A_299 = tpu.sem_alloc : memref<!tpu.dma_semaphore, #tpu.memory_space<semaphore_mem>>
        %dma_start3A_300 = arith.constant 0 : i32
        %dma_start3A_301 = arith.constant 0 : i32
        %dma_start3A_302 = tpu.memref_slice %arg9[%run_scoped3A_159, %dma_start3A_300, %dma_start3A_301] : memref<5x80x64xf32, #tpu.memory_space<vmem>> -> memref<1x80x64xf32, #tpu.memory_space<vmem>>
        %dma_start3A_303 = tpu.memref_squeeze %dma_start3A_302 : memref<1x80x64xf32, #tpu.memory_space<vmem>> -> memref<80x64xf32, #tpu.memory_space<vmem>>
        %dma_start3A_304 = arith.constant 0 : i32
        %dma_start3A_305 = tpu.memref_slice %arg8[%add3A_158, %dma_start3A_304] : memref<125x80xi32, #tpu.memory_space<vmem>> -> memref<1x80xi32, #tpu.memory_space<vmem>>
        %dma_start3A_306 = tpu.memref_squeeze %dma_start3A_305 : memref<1x80xi32, #tpu.memory_space<vmem>> -> memref<80xi32, #tpu.memory_space<vmem>>
        %dma_start3A_307 = arith.constant 0 : i32
        %dma_start3A_308 = arith.constant 0 : i32
        %dma_start3A_309 = tpu.memref_slice %arg10[%dma_start3A_307, %dma_start3A_308] : memref<10000x64xf32, #tpu.memory_space<vmem_shared>> -> memref<10000x64xf32, #tpu.memory_space<vmem_shared>>
        tpu.enqueue_indirect_dma source(%dma_start3A_303 : memref<80x64xf32, #tpu.memory_space<vmem>>) target(%dma_start3A_309 : memref<10000x64xf32, #tpu.memory_space<vmem_shared>>) offsets(%dma_start3A_306 : memref<80xi32, #tpu.memory_space<vmem>>) semaphore(%run_scoped3A_299 : memref<!tpu.dma_semaphore, #tpu.memory_space<semaphore_mem>>) {add = true}
        %dma_wait3A_310 = arith.constant 0 : i32
        %dma_wait3A_311 = arith.constant 0 : i32
        %dma_wait3A_312 = tpu.memref_slice %arg9[%run_scoped3A_159, %dma_wait3A_310, %dma_wait3A_311] : memref<5x80x64xf32, #tpu.memory_space<vmem>> -> memref<1x80x64xf32, #tpu.memory_space<vmem>>
        %dma_wait3A_313 = tpu.memref_squeeze %dma_wait3A_312 : memref<1x80x64xf32, #tpu.memory_space<vmem>> -> memref<80x64xf32, #tpu.memory_space<vmem>>
        %dma_wait3A_314 = arith.constant 0 : i32
        %dma_wait3A_315 = tpu.memref_slice %arg8[%add3A_158, %dma_wait3A_314] : memref<125x80xi32, #tpu.memory_space<vmem>> -> memref<1x80xi32, #tpu.memory_space<vmem>>
        %dma_wait3A_316 = tpu.memref_squeeze %dma_wait3A_315 : memref<1x80xi32, #tpu.memory_space<vmem>> -> memref<80xi32, #tpu.memory_space<vmem>>
        %dma_wait3A_317 = arith.constant 0 : i32
        %dma_wait3A_318 = arith.constant 0 : i32
        %dma_wait3A_319 = tpu.memref_slice %arg10[%dma_wait3A_317, %dma_wait3A_318] : memref<10000x64xf32, #tpu.memory_space<vmem_shared>> -> memref<10000x64xf32, #tpu.memory_space<vmem_shared>>
        tpu.wait_indirect_dma semaphore(%run_scoped3A_299 : memref<!tpu.dma_semaphore, #tpu.memory_space<semaphore_mem>>) src(%dma_wait3A_313 : memref<80x64xf32, #tpu.memory_space<vmem>>) dst(%dma_wait3A_319 : memref<10000x64xf32, #tpu.memory_space<vmem_shared>>)
        tpu.yield
      }) : () -> ()
      %add3A_160 = arith.constant 0 : i32
      %add3A_161 = arith.addi %mul3A_143, %add3A_160 : i32
      %add3A_162 = arith.constant 5 : i32
      %add3A_163 = arith.addi %add3A_161, %add3A_162 : i32
      %dma_start3A_164 = arith.constant 0 : i32
      %dma_start3A_165 = arith.constant 0 : i32
      %dma_start3A_166 = arith.constant 0 : i32
      %dma_start3A_167 = tpu.memref_slice %arg9[%dma_start3A_164, %dma_start3A_165, %dma_start3A_166] : memref<5x80x64xf32, #tpu.memory_space<vmem>> -> memref<1x80x64xf32, #tpu.memory_space<vmem>>
      %dma_start3A_168 = tpu.memref_squeeze %dma_start3A_167 : memref<1x80x64xf32, #tpu.memory_space<vmem>> -> memref<80x64xf32, #tpu.memory_space<vmem>>
      %dma_start3A_169 = arith.constant 0 : i32
      %dma_start3A_170 = tpu.memref_slice %arg7[%add3A_163, %dma_start3A_169] : memref<125x80xi32, #tpu.memory_space<vmem>> -> memref<1x80xi32, #tpu.memory_space<vmem>>
      %dma_start3A_171 = tpu.memref_squeeze %dma_start3A_170 : memref<1x80xi32, #tpu.memory_space<vmem>> -> memref<80xi32, #tpu.memory_space<vmem>>
      %dma_start3A_172 = arith.constant 0 : i32
      %dma_start3A_173 = arith.constant 0 : i32
      %dma_start3A_174 = tpu.memref_slice %arg2[%dma_start3A_172, %dma_start3A_173] : memref<10000x64xf32, #tpu.memory_space<hbm>> -> memref<10000x64xf32, #tpu.memory_space<hbm>>
      tpu.enqueue_indirect_dma source(%dma_start3A_174 : memref<10000x64xf32, #tpu.memory_space<hbm>>) target(%dma_start3A_168 : memref<80x64xf32, #tpu.memory_space<vmem>>) offsets(%dma_start3A_171 : memref<80xi32, #tpu.memory_space<vmem>>) semaphore(%arg11 : memref<!tpu.dma_semaphore, #tpu.memory_space<semaphore_mem>>)
      %add3A_175 = arith.constant 1 : i32
      %add3A_176 = arith.addi %mul3A_143, %add3A_175 : i32
      %dma_wait3A_177 = arith.constant 1 : i32
      %dma_wait3A_178 = arith.constant 0 : i32
      %dma_wait3A_179 = arith.constant 0 : i32
      %dma_wait3A_180 = tpu.memref_slice %arg9[%dma_wait3A_177, %dma_wait3A_178, %dma_wait3A_179] : memref<5x80x64xf32, #tpu.memory_space<vmem>> -> memref<1x80x64xf32, #tpu.memory_space<vmem>>
      %dma_wait3A_181 = tpu.memref_squeeze %dma_wait3A_180 : memref<1x80x64xf32, #tpu.memory_space<vmem>> -> memref<80x64xf32, #tpu.memory_space<vmem>>
      %dma_wait3A_182 = arith.constant 0 : i32
      %dma_wait3A_183 = tpu.memref_slice %arg7[%add3A_176, %dma_wait3A_182] : memref<125x80xi32, #tpu.memory_space<vmem>> -> memref<1x80xi32, #tpu.memory_space<vmem>>
      %dma_wait3A_184 = tpu.memref_squeeze %dma_wait3A_183 : memref<1x80xi32, #tpu.memory_space<vmem>> -> memref<80xi32, #tpu.memory_space<vmem>>
      %dma_wait3A_185 = arith.constant 0 : i32
      %dma_wait3A_186 = arith.constant 0 : i32
      %dma_wait3A_187 = tpu.memref_slice %arg2[%dma_wait3A_185, %dma_wait3A_186] : memref<10000x64xf32, #tpu.memory_space<hbm>> -> memref<10000x64xf32, #tpu.memory_space<hbm>>
      tpu.wait_indirect_dma semaphore(%arg12 : memref<!tpu.dma_semaphore, #tpu.memory_space<semaphore_mem>>) src(%dma_wait3A_187 : memref<10000x64xf32, #tpu.memory_space<hbm>>) dst(%dma_wait3A_181 : memref<80x64xf32, #tpu.memory_space<vmem>>)
      %add3A_188 = arith.constant 1 : i32
      %add3A_189 = arith.addi %mul3A_143, %add3A_188 : i32
      %run_scoped3A_190 = arith.constant 1 : i32
      "tpu.region"() ({
        %run_scoped3A_299 = tpu.sem_alloc : memref<!tpu.dma_semaphore, #tpu.memory_space<semaphore_mem>>
        %dma_start3A_300 = arith.constant 0 : i32
        %dma_start3A_301 = arith.constant 0 : i32
        %dma_start3A_302 = tpu.memref_slice %arg9[%run_scoped3A_190, %dma_start3A_300, %dma_start3A_301] : memref<5x80x64xf32, #tpu.memory_space<vmem>> -> memref<1x80x64xf32, #tpu.memory_space<vmem>>
        %dma_start3A_303 = tpu.memref_squeeze %dma_start3A_302 : memref<1x80x64xf32, #tpu.memory_space<vmem>> -> memref<80x64xf32, #tpu.memory_space<vmem>>
        %dma_start3A_304 = arith.constant 0 : i32
        %dma_start3A_305 = tpu.memref_slice %arg8[%add3A_189, %dma_start3A_304] : memref<125x80xi32, #tpu.memory_space<vmem>> -> memref<1x80xi32, #tpu.memory_space<vmem>>
        %dma_start3A_306 = tpu.memref_squeeze %dma_start3A_305 : memref<1x80xi32, #tpu.memory_space<vmem>> -> memref<80xi32, #tpu.memory_space<vmem>>
        %dma_start3A_307 = arith.constant 0 : i32
        %dma_start3A_308 = arith.constant 0 : i32
        %dma_start3A_309 = tpu.memref_slice %arg10[%dma_start3A_307, %dma_start3A_308] : memref<10000x64xf32, #tpu.memory_space<vmem_shared>> -> memref<10000x64xf32, #tpu.memory_space<vmem_shared>>
        tpu.enqueue_indirect_dma source(%dma_start3A_303 : memref<80x64xf32, #tpu.memory_space<vmem>>) target(%dma_start3A_309 : memref<10000x64xf32, #tpu.memory_space<vmem_shared>>) offsets(%dma_start3A_306 : memref<80xi32, #tpu.memory_space<vmem>>) semaphore(%run_scoped3A_299 : memref<!tpu.dma_semaphore, #tpu.memory_space<semaphore_mem>>) {add = true}
        %dma_wait3A_310 = arith.constant 0 : i32
        %dma_wait3A_311 = arith.constant 0 : i32
        %dma_wait3A_312 = tpu.memref_slice %arg9[%run_scoped3A_190, %dma_wait3A_310, %dma_wait3A_311] : memref<5x80x64xf32, #tpu.memory_space<vmem>> -> memref<1x80x64xf32, #tpu.memory_space<vmem>>
        %dma_wait3A_313 = tpu.memref_squeeze %dma_wait3A_312 : memref<1x80x64xf32, #tpu.memory_space<vmem>> -> memref<80x64xf32, #tpu.memory_space<vmem>>
        %dma_wait3A_314 = arith.constant 0 : i32
        %dma_wait3A_315 = tpu.memref_slice %arg8[%add3A_189, %dma_wait3A_314] : memref<125x80xi32, #tpu.memory_space<vmem>> -> memref<1x80xi32, #tpu.memory_space<vmem>>
        %dma_wait3A_316 = tpu.memref_squeeze %dma_wait3A_315 : memref<1x80xi32, #tpu.memory_space<vmem>> -> memref<80xi32, #tpu.memory_space<vmem>>
        %dma_wait3A_317 = arith.constant 0 : i32
        %dma_wait3A_318 = arith.constant 0 : i32
        %dma_wait3A_319 = tpu.memref_slice %arg10[%dma_wait3A_317, %dma_wait3A_318] : memref<10000x64xf32, #tpu.memory_space<vmem_shared>> -> memref<10000x64xf32, #tpu.memory_space<vmem_shared>>
        tpu.wait_indirect_dma semaphore(%run_scoped3A_299 : memref<!tpu.dma_semaphore, #tpu.memory_space<semaphore_mem>>) src(%dma_wait3A_313 : memref<80x64xf32, #tpu.memory_space<vmem>>) dst(%dma_wait3A_319 : memref<10000x64xf32, #tpu.memory_space<vmem_shared>>)
        tpu.yield
      }) : () -> ()
      %add3A_191 = arith.constant 1 : i32
      %add3A_192 = arith.addi %mul3A_143, %add3A_191 : i32
      %add3A_193 = arith.constant 5 : i32
      %add3A_194 = arith.addi %add3A_192, %add3A_193 : i32
      %dma_start3A_195 = arith.constant 1 : i32
      %dma_start3A_196 = arith.constant 0 : i32
      %dma_start3A_197 = arith.constant 0 : i32
      %dma_start3A_198 = tpu.memref_slice %arg9[%dma_start3A_195, %dma_start3A_196, %dma_start3A_197] : memref<5x80x64xf32, #tpu.memory_space<vmem>> -> memref<1x80x64xf32, #tpu.memory_space<vmem>>
      %dma_start3A_199 = tpu.memref_squeeze %dma_start3A_198 : memref<1x80x64xf32, #tpu.memory_space<vmem>> -> memref<80x64xf32, #tpu.memory_space<vmem>>
      %dma_start3A_200 = arith.constant 0 : i32
      %dma_start3A_201 = tpu.memref_slice %arg7[%add3A_194, %dma_start3A_200] : memref<125x80xi32, #tpu.memory_space<vmem>> -> memref<1x80xi32, #tpu.memory_space<vmem>>
      %dma_start3A_202 = tpu.memref_squeeze %dma_start3A_201 : memref<1x80xi32, #tpu.memory_space<vmem>> -> memref<80xi32, #tpu.memory_space<vmem>>
      %dma_start3A_203 = arith.constant 0 : i32
      %dma_start3A_204 = arith.constant 0 : i32
      %dma_start3A_205 = tpu.memref_slice %arg2[%dma_start3A_203, %dma_start3A_204] : memref<10000x64xf32, #tpu.memory_space<hbm>> -> memref<10000x64xf32, #tpu.memory_space<hbm>>
      tpu.enqueue_indirect_dma source(%dma_start3A_205 : memref<10000x64xf32, #tpu.memory_space<hbm>>) target(%dma_start3A_199 : memref<80x64xf32, #tpu.memory_space<vmem>>) offsets(%dma_start3A_202 : memref<80xi32, #tpu.memory_space<vmem>>) semaphore(%arg12 : memref<!tpu.dma_semaphore, #tpu.memory_space<semaphore_mem>>)
      %add3A_206 = arith.constant 2 : i32
      %add3A_207 = arith.addi %mul3A_143, %add3A_206 : i32
      %dma_wait3A_208 = arith.constant 2 : i32
      %dma_wait3A_209 = arith.constant 0 : i32
      %dma_wait3A_210 = arith.constant 0 : i32
      %dma_wait3A_211 = tpu.memref_slice %arg9[%dma_wait3A_208, %dma_wait3A_209, %dma_wait3A_210] : memref<5x80x64xf32, #tpu.memory_space<vmem>> -> memref<1x80x64xf32, #tpu.memory_space<vmem>>
      %dma_wait3A_212 = tpu.memref_squeeze %dma_wait3A_211 : memref<1x80x64xf32, #tpu.memory_space<vmem>> -> memref<80x64xf32, #tpu.memory_space<vmem>>
      %dma_wait3A_213 = arith.constant 0 : i32
      %dma_wait3A_214 = tpu.memref_slice %arg7[%add3A_207, %dma_wait3A_213] : memref<125x80xi32, #tpu.memory_space<vmem>> -> memref<1x80xi32, #tpu.memory_space<vmem>>
      %dma_wait3A_215 = tpu.memref_squeeze %dma_wait3A_214 : memref<1x80xi32, #tpu.memory_space<vmem>> -> memref<80xi32, #tpu.memory_space<vmem>>
      %dma_wait3A_216 = arith.constant 0 : i32
      %dma_wait3A_217 = arith.constant 0 : i32
      %dma_wait3A_218 = tpu.memref_slice %arg2[%dma_wait3A_216, %dma_wait3A_217] : memref<10000x64xf32, #tpu.memory_space<hbm>> -> memref<10000x64xf32, #tpu.memory_space<hbm>>
      tpu.wait_indirect_dma semaphore(%arg13 : memref<!tpu.dma_semaphore, #tpu.memory_space<semaphore_mem>>) src(%dma_wait3A_218 : memref<10000x64xf32, #tpu.memory_space<hbm>>) dst(%dma_wait3A_212 : memref<80x64xf32, #tpu.memory_space<vmem>>)
      %add3A_219 = arith.constant 2 : i32
      %add3A_220 = arith.addi %mul3A_143, %add3A_219 : i32
      %run_scoped3A_221 = arith.constant 2 : i32
      "tpu.region"() ({
        %run_scoped3A_299 = tpu.sem_alloc : memref<!tpu.dma_semaphore, #tpu.memory_space<semaphore_mem>>
        %dma_start3A_300 = arith.constant 0 : i32
        %dma_start3A_301 = arith.constant 0 : i32
        %dma_start3A_302 = tpu.memref_slice %arg9[%run_scoped3A_221, %dma_start3A_300, %dma_start3A_301] : memref<5x80x64xf32, #tpu.memory_space<vmem>> -> memref<1x80x64xf32, #tpu.memory_space<vmem>>
        %dma_start3A_303 = tpu.memref_squeeze %dma_start3A_302 : memref<1x80x64xf32, #tpu.memory_space<vmem>> -> memref<80x64xf32, #tpu.memory_space<vmem>>
        %dma_start3A_304 = arith.constant 0 : i32
        %dma_start3A_305 = tpu.memref_slice %arg8[%add3A_220, %dma_start3A_304] : memref<125x80xi32, #tpu.memory_space<vmem>> -> memref<1x80xi32, #tpu.memory_space<vmem>>
        %dma_start3A_306 = tpu.memref_squeeze %dma_start3A_305 : memref<1x80xi32, #tpu.memory_space<vmem>> -> memref<80xi32, #tpu.memory_space<vmem>>
        %dma_start3A_307 = arith.constant 0 : i32
        %dma_start3A_308 = arith.constant 0 : i32
        %dma_start3A_309 = tpu.memref_slice %arg10[%dma_start3A_307, %dma_start3A_308] : memref<10000x64xf32, #tpu.memory_space<vmem_shared>> -> memref<10000x64xf32, #tpu.memory_space<vmem_shared>>
        tpu.enqueue_indirect_dma source(%dma_start3A_303 : memref<80x64xf32, #tpu.memory_space<vmem>>) target(%dma_start3A_309 : memref<10000x64xf32, #tpu.memory_space<vmem_shared>>) offsets(%dma_start3A_306 : memref<80xi32, #tpu.memory_space<vmem>>) semaphore(%run_scoped3A_299 : memref<!tpu.dma_semaphore, #tpu.memory_space<semaphore_mem>>) {add = true}
        %dma_wait3A_310 = arith.constant 0 : i32
        %dma_wait3A_311 = arith.constant 0 : i32
        %dma_wait3A_312 = tpu.memref_slice %arg9[%run_scoped3A_221, %dma_wait3A_310, %dma_wait3A_311] : memref<5x80x64xf32, #tpu.memory_space<vmem>> -> memref<1x80x64xf32, #tpu.memory_space<vmem>>
        %dma_wait3A_313 = tpu.memref_squeeze %dma_wait3A_312 : memref<1x80x64xf32, #tpu.memory_space<vmem>> -> memref<80x64xf32, #tpu.memory_space<vmem>>
        %dma_wait3A_314 = arith.constant 0 : i32
        %dma_wait3A_315 = tpu.memref_slice %arg8[%add3A_220, %dma_wait3A_314] : memref<125x80xi32, #tpu.memory_space<vmem>> -> memref<1x80xi32, #tpu.memory_space<vmem>>
        %dma_wait3A_316 = tpu.memref_squeeze %dma_wait3A_315 : memref<1x80xi32, #tpu.memory_space<vmem>> -> memref<80xi32, #tpu.memory_space<vmem>>
        %dma_wait3A_317 = arith.constant 0 : i32
        %dma_wait3A_318 = arith.constant 0 : i32
        %dma_wait3A_319 = tpu.memref_slice %arg10[%dma_wait3A_317, %dma_wait3A_318] : memref<10000x64xf32, #tpu.memory_space<vmem_shared>> -> memref<10000x64xf32, #tpu.memory_space<vmem_shared>>
        tpu.wait_indirect_dma semaphore(%run_scoped3A_299 : memref<!tpu.dma_semaphore, #tpu.memory_space<semaphore_mem>>) src(%dma_wait3A_313 : memref<80x64xf32, #tpu.memory_space<vmem>>) dst(%dma_wait3A_319 : memref<10000x64xf32, #tpu.memory_space<vmem_shared>>)
        tpu.yield
      }) : () -> ()
      %add3A_222 = arith.constant 2 : i32
      %add3A_223 = arith.addi %mul3A_143, %add3A_222 : i32
      %add3A_224 = arith.constant 5 : i32
      %add3A_225 = arith.addi %add3A_223, %add3A_224 : i32
      %dma_start3A_226 = arith.constant 2 : i32
      %dma_start3A_227 = arith.constant 0 : i32
      %dma_start3A_228 = arith.constant 0 : i32
      %dma_start3A_229 = tpu.memref_slice %arg9[%dma_start3A_226, %dma_start3A_227, %dma_start3A_228] : memref<5x80x64xf32, #tpu.memory_space<vmem>> -> memref<1x80x64xf32, #tpu.memory_space<vmem>>
      %dma_start3A_230 = tpu.memref_squeeze %dma_start3A_229 : memref<1x80x64xf32, #tpu.memory_space<vmem>> -> memref<80x64xf32, #tpu.memory_space<vmem>>
      %dma_start3A_231 = arith.constant 0 : i32
      %dma_start3A_232 = tpu.memref_slice %arg7[%add3A_225, %dma_start3A_231] : memref<125x80xi32, #tpu.memory_space<vmem>> -> memref<1x80xi32, #tpu.memory_space<vmem>>
      %dma_start3A_233 = tpu.memref_squeeze %dma_start3A_232 : memref<1x80xi32, #tpu.memory_space<vmem>> -> memref<80xi32, #tpu.memory_space<vmem>>
      %dma_start3A_234 = arith.constant 0 : i32
      %dma_start3A_235 = arith.constant 0 : i32
      %dma_start3A_236 = tpu.memref_slice %arg2[%dma_start3A_234, %dma_start3A_235] : memref<10000x64xf32, #tpu.memory_space<hbm>> -> memref<10000x64xf32, #tpu.memory_space<hbm>>
      tpu.enqueue_indirect_dma source(%dma_start3A_236 : memref<10000x64xf32, #tpu.memory_space<hbm>>) target(%dma_start3A_230 : memref<80x64xf32, #tpu.memory_space<vmem>>) offsets(%dma_start3A_233 : memref<80xi32, #tpu.memory_space<vmem>>) semaphore(%arg13 : memref<!tpu.dma_semaphore, #tpu.memory_space<semaphore_mem>>)
      %add3A_237 = arith.constant 3 : i32
      %add3A_238 = arith.addi %mul3A_143, %add3A_237 : i32
      %dma_wait3A_239 = arith.constant 3 : i32
      %dma_wait3A_240 = arith.constant 0 : i32
      %dma_wait3A_241 = arith.constant 0 : i32
      %dma_wait3A_242 = tpu.memref_slice %arg9[%dma_wait3A_239, %dma_wait3A_240, %dma_wait3A_241] : memref<5x80x64xf32, #tpu.memory_space<vmem>> -> memref<1x80x64xf32, #tpu.memory_space<vmem>>
      %dma_wait3A_243 = tpu.memref_squeeze %dma_wait3A_242 : memref<1x80x64xf32, #tpu.memory_space<vmem>> -> memref<80x64xf32, #tpu.memory_space<vmem>>
      %dma_wait3A_244 = arith.constant 0 : i32
      %dma_wait3A_245 = tpu.memref_slice %arg7[%add3A_238, %dma_wait3A_244] : memref<125x80xi32, #tpu.memory_space<vmem>> -> memref<1x80xi32, #tpu.memory_space<vmem>>
      %dma_wait3A_246 = tpu.memref_squeeze %dma_wait3A_245 : memref<1x80xi32, #tpu.memory_space<vmem>> -> memref<80xi32, #tpu.memory_space<vmem>>
      %dma_wait3A_247 = arith.constant 0 : i32
      %dma_wait3A_248 = arith.constant 0 : i32
      %dma_wait3A_249 = tpu.memref_slice %arg2[%dma_wait3A_247, %dma_wait3A_248] : memref<10000x64xf32, #tpu.memory_space<hbm>> -> memref<10000x64xf32, #tpu.memory_space<hbm>>
      tpu.wait_indirect_dma semaphore(%arg14 : memref<!tpu.dma_semaphore, #tpu.memory_space<semaphore_mem>>) src(%dma_wait3A_249 : memref<10000x64xf32, #tpu.memory_space<hbm>>) dst(%dma_wait3A_243 : memref<80x64xf32, #tpu.memory_space<vmem>>)
      %add3A_250 = arith.constant 3 : i32
      %add3A_251 = arith.addi %mul3A_143, %add3A_250 : i32
      %run_scoped3A_252 = arith.constant 3 : i32
      "tpu.region"() ({
        %run_scoped3A_299 = tpu.sem_alloc : memref<!tpu.dma_semaphore, #tpu.memory_space<semaphore_mem>>
        %dma_start3A_300 = arith.constant 0 : i32
        %dma_start3A_301 = arith.constant 0 : i32
        %dma_start3A_302 = tpu.memref_slice %arg9[%run_scoped3A_252, %dma_start3A_300, %dma_start3A_301] : memref<5x80x64xf32, #tpu.memory_space<vmem>> -> memref<1x80x64xf32, #tpu.memory_space<vmem>>
        %dma_start3A_303 = tpu.memref_squeeze %dma_start3A_302 : memref<1x80x64xf32, #tpu.memory_space<vmem>> -> memref<80x64xf32, #tpu.memory_space<vmem>>
        %dma_start3A_304 = arith.constant 0 : i32
        %dma_start3A_305 = tpu.memref_slice %arg8[%add3A_251, %dma_start3A_304] : memref<125x80xi32, #tpu.memory_space<vmem>> -> memref<1x80xi32, #tpu.memory_space<vmem>>
        %dma_start3A_306 = tpu.memref_squeeze %dma_start3A_305 : memref<1x80xi32, #tpu.memory_space<vmem>> -> memref<80xi32, #tpu.memory_space<vmem>>
        %dma_start3A_307 = arith.constant 0 : i32
        %dma_start3A_308 = arith.constant 0 : i32
        %dma_start3A_309 = tpu.memref_slice %arg10[%dma_start3A_307, %dma_start3A_308] : memref<10000x64xf32, #tpu.memory_space<vmem_shared>> -> memref<10000x64xf32, #tpu.memory_space<vmem_shared>>
        tpu.enqueue_indirect_dma source(%dma_start3A_303 : memref<80x64xf32, #tpu.memory_space<vmem>>) target(%dma_start3A_309 : memref<10000x64xf32, #tpu.memory_space<vmem_shared>>) offsets(%dma_start3A_306 : memref<80xi32, #tpu.memory_space<vmem>>) semaphore(%run_scoped3A_299 : memref<!tpu.dma_semaphore, #tpu.memory_space<semaphore_mem>>) {add = true}
        %dma_wait3A_310 = arith.constant 0 : i32
        %dma_wait3A_311 = arith.constant 0 : i32
        %dma_wait3A_312 = tpu.memref_slice %arg9[%run_scoped3A_252, %dma_wait3A_310, %dma_wait3A_311] : memref<5x80x64xf32, #tpu.memory_space<vmem>> -> memref<1x80x64xf32, #tpu.memory_space<vmem>>
        %dma_wait3A_313 = tpu.memref_squeeze %dma_wait3A_312 : memref<1x80x64xf32, #tpu.memory_space<vmem>> -> memref<80x64xf32, #tpu.memory_space<vmem>>
        %dma_wait3A_314 = arith.constant 0 : i32
        %dma_wait3A_315 = tpu.memref_slice %arg8[%add3A_251, %dma_wait3A_314] : memref<125x80xi32, #tpu.memory_space<vmem>> -> memref<1x80xi32, #tpu.memory_space<vmem>>
        %dma_wait3A_316 = tpu.memref_squeeze %dma_wait3A_315 : memref<1x80xi32, #tpu.memory_space<vmem>> -> memref<80xi32, #tpu.memory_space<vmem>>
        %dma_wait3A_317 = arith.constant 0 : i32
        %dma_wait3A_318 = arith.constant 0 : i32
        %dma_wait3A_319 = tpu.memref_slice %arg10[%dma_wait3A_317, %dma_wait3A_318] : memref<10000x64xf32, #tpu.memory_space<vmem_shared>> -> memref<10000x64xf32, #tpu.memory_space<vmem_shared>>
        tpu.wait_indirect_dma semaphore(%run_scoped3A_299 : memref<!tpu.dma_semaphore, #tpu.memory_space<semaphore_mem>>) src(%dma_wait3A_313 : memref<80x64xf32, #tpu.memory_space<vmem>>) dst(%dma_wait3A_319 : memref<10000x64xf32, #tpu.memory_space<vmem_shared>>)
        tpu.yield
      }) : () -> ()
      %add3A_253 = arith.constant 3 : i32
      %add3A_254 = arith.addi %mul3A_143, %add3A_253 : i32
      %add3A_255 = arith.constant 5 : i32
      %add3A_256 = arith.addi %add3A_254, %add3A_255 : i32
      %dma_start3A_257 = arith.constant 3 : i32
      %dma_start3A_258 = arith.constant 0 : i32
      %dma_start3A_259 = arith.constant 0 : i32
      %dma_start3A_260 = tpu.memref_slice %arg9[%dma_start3A_257, %dma_start3A_258, %dma_start3A_259] : memref<5x80x64xf32, #tpu.memory_space<vmem>> -> memref<1x80x64xf32, #tpu.memory_space<vmem>>
      %dma_start3A_261 = tpu.memref_squeeze %dma_start3A_260 : memref<1x80x64xf32, #tpu.memory_space<vmem>> -> memref<80x64xf32, #tpu.memory_space<vmem>>
      %dma_start3A_262 = arith.constant 0 : i32
      %dma_start3A_263 = tpu.memref_slice %arg7[%add3A_256, %dma_start3A_262] : memref<125x80xi32, #tpu.memory_space<vmem>> -> memref<1x80xi32, #tpu.memory_space<vmem>>
      %dma_start3A_264 = tpu.memref_squeeze %dma_start3A_263 : memref<1x80xi32, #tpu.memory_space<vmem>> -> memref<80xi32, #tpu.memory_space<vmem>>
      %dma_start3A_265 = arith.constant 0 : i32
      %dma_start3A_266 = arith.constant 0 : i32
      %dma_start3A_267 = tpu.memref_slice %arg2[%dma_start3A_265, %dma_start3A_266] : memref<10000x64xf32, #tpu.memory_space<hbm>> -> memref<10000x64xf32, #tpu.memory_space<hbm>>
      tpu.enqueue_indirect_dma source(%dma_start3A_267 : memref<10000x64xf32, #tpu.memory_space<hbm>>) target(%dma_start3A_261 : memref<80x64xf32, #tpu.memory_space<vmem>>) offsets(%dma_start3A_264 : memref<80xi32, #tpu.memory_space<vmem>>) semaphore(%arg14 : memref<!tpu.dma_semaphore, #tpu.memory_space<semaphore_mem>>)
      %add3A_268 = arith.constant 4 : i32
      %add3A_269 = arith.addi %mul3A_143, %add3A_268 : i32
      %dma_wait3A_270 = arith.constant 4 : i32
      %dma_wait3A_271 = arith.constant 0 : i32
      %dma_wait3A_272 = arith.constant 0 : i32
      %dma_wait3A_273 = tpu.memref_slice %arg9[%dma_wait3A_270, %dma_wait3A_271, %dma_wait3A_272] : memref<5x80x64xf32, #tpu.memory_space<vmem>> -> memref<1x80x64xf32, #tpu.memory_space<vmem>>
      %dma_wait3A_274 = tpu.memref_squeeze %dma_wait3A_273 : memref<1x80x64xf32, #tpu.memory_space<vmem>> -> memref<80x64xf32, #tpu.memory_space<vmem>>
      %dma_wait3A_275 = arith.constant 0 : i32
      %dma_wait3A_276 = tpu.memref_slice %arg7[%add3A_269, %dma_wait3A_275] : memref<125x80xi32, #tpu.memory_space<vmem>> -> memref<1x80xi32, #tpu.memory_space<vmem>>
      %dma_wait3A_277 = tpu.memref_squeeze %dma_wait3A_276 : memref<1x80xi32, #tpu.memory_space<vmem>> -> memref<80xi32, #tpu.memory_space<vmem>>
      %dma_wait3A_278 = arith.constant 0 : i32
      %dma_wait3A_279 = arith.constant 0 : i32
      %dma_wait3A_280 = tpu.memref_slice %arg2[%dma_wait3A_278, %dma_wait3A_279] : memref<10000x64xf32, #tpu.memory_space<hbm>> -> memref<10000x64xf32, #tpu.memory_space<hbm>>
      tpu.wait_indirect_dma semaphore(%arg15 : memref<!tpu.dma_semaphore, #tpu.memory_space<semaphore_mem>>) src(%dma_wait3A_280 : memref<10000x64xf32, #tpu.memory_space<hbm>>) dst(%dma_wait3A_274 : memref<80x64xf32, #tpu.memory_space<vmem>>)
      %add3A_281 = arith.constant 4 : i32
      %add3A_282 = arith.addi %mul3A_143, %add3A_281 : i32
      %run_scoped3A_283 = arith.constant 4 : i32
      "tpu.region"() ({
        %run_scoped3A_299 = tpu.sem_alloc : memref<!tpu.dma_semaphore, #tpu.memory_space<semaphore_mem>>
        %dma_start3A_300 = arith.constant 0 : i32
        %dma_start3A_301 = arith.constant 0 : i32
        %dma_start3A_302 = tpu.memref_slice %arg9[%run_scoped3A_283, %dma_start3A_300, %dma_start3A_301] : memref<5x80x64xf32, #tpu.memory_space<vmem>> -> memref<1x80x64xf32, #tpu.memory_space<vmem>>
        %dma_start3A_303 = tpu.memref_squeeze %dma_start3A_302 : memref<1x80x64xf32, #tpu.memory_space<vmem>> -> memref<80x64xf32, #tpu.memory_space<vmem>>
        %dma_start3A_304 = arith.constant 0 : i32
        %dma_start3A_305 = tpu.memref_slice %arg8[%add3A_282, %dma_start3A_304] : memref<125x80xi32, #tpu.memory_space<vmem>> -> memref<1x80xi32, #tpu.memory_space<vmem>>
        %dma_start3A_306 = tpu.memref_squeeze %dma_start3A_305 : memref<1x80xi32, #tpu.memory_space<vmem>> -> memref<80xi32, #tpu.memory_space<vmem>>
        %dma_start3A_307 = arith.constant 0 : i32
        %dma_start3A_308 = arith.constant 0 : i32
        %dma_start3A_309 = tpu.memref_slice %arg10[%dma_start3A_307, %dma_start3A_308] : memref<10000x64xf32, #tpu.memory_space<vmem_shared>> -> memref<10000x64xf32, #tpu.memory_space<vmem_shared>>
        tpu.enqueue_indirect_dma source(%dma_start3A_303 : memref<80x64xf32, #tpu.memory_space<vmem>>) target(%dma_start3A_309 : memref<10000x64xf32, #tpu.memory_space<vmem_shared>>) offsets(%dma_start3A_306 : memref<80xi32, #tpu.memory_space<vmem>>) semaphore(%run_scoped3A_299 : memref<!tpu.dma_semaphore, #tpu.memory_space<semaphore_mem>>) {add = true}
        %dma_wait3A_310 = arith.constant 0 : i32
        %dma_wait3A_311 = arith.constant 0 : i32
        %dma_wait3A_312 = tpu.memref_slice %arg9[%run_scoped3A_283, %dma_wait3A_310, %dma_wait3A_311] : memref<5x80x64xf32, #tpu.memory_space<vmem>> -> memref<1x80x64xf32, #tpu.memory_space<vmem>>
        %dma_wait3A_313 = tpu.memref_squeeze %dma_wait3A_312 : memref<1x80x64xf32, #tpu.memory_space<vmem>> -> memref<80x64xf32, #tpu.memory_space<vmem>>
        %dma_wait3A_314 = arith.constant 0 : i32
        %dma_wait3A_315 = tpu.memref_slice %arg8[%add3A_282, %dma_wait3A_314] : memref<125x80xi32, #tpu.memory_space<vmem>> -> memref<1x80xi32, #tpu.memory_space<vmem>>
        %dma_wait3A_316 = tpu.memref_squeeze %dma_wait3A_315 : memref<1x80xi32, #tpu.memory_space<vmem>> -> memref<80xi32, #tpu.memory_space<vmem>>
        %dma_wait3A_317 = arith.constant 0 : i32
        %dma_wait3A_318 = arith.constant 0 : i32
        %dma_wait3A_319 = tpu.memref_slice %arg10[%dma_wait3A_317, %dma_wait3A_318] : memref<10000x64xf32, #tpu.memory_space<vmem_shared>> -> memref<10000x64xf32, #tpu.memory_space<vmem_shared>>
        tpu.wait_indirect_dma semaphore(%run_scoped3A_299 : memref<!tpu.dma_semaphore, #tpu.memory_space<semaphore_mem>>) src(%dma_wait3A_313 : memref<80x64xf32, #tpu.memory_space<vmem>>) dst(%dma_wait3A_319 : memref<10000x64xf32, #tpu.memory_space<vmem_shared>>)
        tpu.yield
      }) : () -> ()
      %add3A_284 = arith.constant 4 : i32
      %add3A_285 = arith.addi %mul3A_143, %add3A_284 : i32
      %add3A_286 = arith.constant 5 : i32
      %add3A_287 = arith.addi %add3A_285, %add3A_286 : i32
      %dma_start3A_288 = arith.constant 4 : i32
      %dma_start3A_289 = arith.constant 0 : i32
      %dma_start3A_290 = arith.constant 0 : i32
      %dma_start3A_291 = tpu.memref_slice %arg9[%dma_start3A_288, %dma_start3A_289, %dma_start3A_290] : memref<5x80x64xf32, #tpu.memory_space<vmem>> -> memref<1x80x64xf32, #tpu.memory_space<vmem>>
      %dma_start3A_292 = tpu.memref_squeeze %dma_start3A_291 : memref<1x80x64xf32, #tpu.memory_space<vmem>> -> memref<80x64xf32, #tpu.memory_space<vmem>>
      %dma_start3A_293 = arith.constant 0 : i32
      %dma_start3A_294 = tpu.memref_slice %arg7[%add3A_287, %dma_start3A_293] : memref<125x80xi32, #tpu.memory_space<vmem>> -> memref<1x80xi32, #tpu.memory_space<vmem>>
      %dma_start3A_295 = tpu.memref_squeeze %dma_start3A_294 : memref<1x80xi32, #tpu.memory_space<vmem>> -> memref<80xi32, #tpu.memory_space<vmem>>
      %dma_start3A_296 = arith.constant 0 : i32
      %dma_start3A_297 = arith.constant 0 : i32
      %dma_start3A_298 = tpu.memref_slice %arg2[%dma_start3A_296, %dma_start3A_297] : memref<10000x64xf32, #tpu.memory_space<hbm>> -> memref<10000x64xf32, #tpu.memory_space<hbm>>
      tpu.enqueue_indirect_dma source(%dma_start3A_298 : memref<10000x64xf32, #tpu.memory_space<hbm>>) target(%dma_start3A_292 : memref<80x64xf32, #tpu.memory_space<vmem>>) offsets(%dma_start3A_295 : memref<80xi32, #tpu.memory_space<vmem>>) semaphore(%arg15 : memref<!tpu.dma_semaphore, #tpu.memory_space<semaphore_mem>>)
    }
    %scan3A_66 = arith.constant 24 : i32
    %dma_wait3A = arith.constant 120 : i32
    %dma_wait3A_67 = arith.constant 0 : i32
    %dma_wait3A_68 = arith.constant 0 : i32
    %dma_wait3A_69 = arith.constant 0 : i32
    %dma_wait3A_70 = tpu.memref_slice %arg9[%dma_wait3A_67, %dma_wait3A_68, %dma_wait3A_69] : memref<5x80x64xf32, #tpu.memory_space<vmem>> -> memref<1x80x64xf32, #tpu.memory_space<vmem>>
    %dma_wait3A_71 = tpu.memref_squeeze %dma_wait3A_70 : memref<1x80x64xf32, #tpu.memory_space<vmem>> -> memref<80x64xf32, #tpu.memory_space<vmem>>
    %dma_wait3A_72 = arith.constant 0 : i32
    %dma_wait3A_73 = tpu.memref_slice %arg7[%dma_wait3A, %dma_wait3A_72] : memref<125x80xi32, #tpu.memory_space<vmem>> -> memref<1x80xi32, #tpu.memory_space<vmem>>
    %dma_wait3A_74 = tpu.memref_squeeze %dma_wait3A_73 : memref<1x80xi32, #tpu.memory_space<vmem>> -> memref<80xi32, #tpu.memory_space<vmem>>
    %dma_wait3A_75 = arith.constant 0 : i32
    %dma_wait3A_76 = arith.constant 0 : i32
    %dma_wait3A_77 = tpu.memref_slice %arg2[%dma_wait3A_75, %dma_wait3A_76] : memref<10000x64xf32, #tpu.memory_space<hbm>> -> memref<10000x64xf32, #tpu.memory_space<hbm>>
    tpu.wait_indirect_dma semaphore(%arg11 : memref<!tpu.dma_semaphore, #tpu.memory_space<semaphore_mem>>) src(%dma_wait3A_77 : memref<10000x64xf32, #tpu.memory_space<hbm>>) dst(%dma_wait3A_71 : memref<80x64xf32, #tpu.memory_space<vmem>>)
    %run_scoped3A = arith.constant 0 : i32
    %run_scoped3A_78 = arith.constant 120 : i32
    "tpu.region"() ({
      %run_scoped3A_141 = tpu.sem_alloc : memref<!tpu.dma_semaphore, #tpu.memory_space<semaphore_mem>>
      %dma_start3A_142 = arith.constant 0 : i32
      %dma_start3A_143 = arith.constant 0 : i32
      %dma_start3A_144 = tpu.memref_slice %arg9[%run_scoped3A, %dma_start3A_142, %dma_start3A_143] : memref<5x80x64xf32, #tpu.memory_space<vmem>> -> memref<1x80x64xf32, #tpu.memory_space<vmem>>
      %dma_start3A_145 = tpu.memref_squeeze %dma_start3A_144 : memref<1x80x64xf32, #tpu.memory_space<vmem>> -> memref<80x64xf32, #tpu.memory_space<vmem>>
      %dma_start3A_146 = arith.constant 0 : i32
      %dma_start3A_147 = tpu.memref_slice %arg8[%run_scoped3A_78, %dma_start3A_146] : memref<125x80xi32, #tpu.memory_space<vmem>> -> memref<1x80xi32, #tpu.memory_space<vmem>>
      %dma_start3A_148 = tpu.memref_squeeze %dma_start3A_147 : memref<1x80xi32, #tpu.memory_space<vmem>> -> memref<80xi32, #tpu.memory_space<vmem>>
      %dma_start3A_149 = arith.constant 0 : i32
      %dma_start3A_150 = arith.constant 0 : i32
      %dma_start3A_151 = tpu.memref_slice %arg10[%dma_start3A_149, %dma_start3A_150] : memref<10000x64xf32, #tpu.memory_space<vmem_shared>> -> memref<10000x64xf32, #tpu.memory_space<vmem_shared>>
      tpu.enqueue_indirect_dma source(%dma_start3A_145 : memref<80x64xf32, #tpu.memory_space<vmem>>) target(%dma_start3A_151 : memref<10000x64xf32, #tpu.memory_space<vmem_shared>>) offsets(%dma_start3A_148 : memref<80xi32, #tpu.memory_space<vmem>>) semaphore(%run_scoped3A_141 : memref<!tpu.dma_semaphore, #tpu.memory_space<semaphore_mem>>) {add = true}
      %dma_wait3A_152 = arith.constant 0 : i32
      %dma_wait3A_153 = arith.constant 0 : i32
      %dma_wait3A_154 = tpu.memref_slice %arg9[%run_scoped3A, %dma_wait3A_152, %dma_wait3A_153] : memref<5x80x64xf32, #tpu.memory_space<vmem>> -> memref<1x80x64xf32, #tpu.memory_space<vmem>>
      %dma_wait3A_155 = tpu.memref_squeeze %dma_wait3A_154 : memref<1x80x64xf32, #tpu.memory_space<vmem>> -> memref<80x64xf32, #tpu.memory_space<vmem>>
      %dma_wait3A_156 = arith.constant 0 : i32
      %dma_wait3A_157 = tpu.memref_slice %arg8[%run_scoped3A_78, %dma_wait3A_156] : memref<125x80xi32, #tpu.memory_space<vmem>> -> memref<1x80xi32, #tpu.memory_space<vmem>>
      %dma_wait3A_158 = tpu.memref_squeeze %dma_wait3A_157 : memref<1x80xi32, #tpu.memory_space<vmem>> -> memref<80xi32, #tpu.memory_space<vmem>>
      %dma_wait3A_159 = arith.constant 0 : i32
      %dma_wait3A_160 = arith.constant 0 : i32
      %dma_wait3A_161 = tpu.memref_slice %arg10[%dma_wait3A_159, %dma_wait3A_160] : memref<10000x64xf32, #tpu.memory_space<vmem_shared>> -> memref<10000x64xf32, #tpu.memory_space<vmem_shared>>
      tpu.wait_indirect_dma semaphore(%run_scoped3A_141 : memref<!tpu.dma_semaphore, #tpu.memory_space<semaphore_mem>>) src(%dma_wait3A_155 : memref<80x64xf32, #tpu.memory_space<vmem>>) dst(%dma_wait3A_161 : memref<10000x64xf32, #tpu.memory_space<vmem_shared>>)
      tpu.yield
    }) : () -> ()
    %dma_wait3A_79 = arith.constant 121 : i32
    %dma_wait3A_80 = arith.constant 1 : i32
    %dma_wait3A_81 = arith.constant 0 : i32
    %dma_wait3A_82 = arith.constant 0 : i32
    %dma_wait3A_83 = tpu.memref_slice %arg9[%dma_wait3A_80, %dma_wait3A_81, %dma_wait3A_82] : memref<5x80x64xf32, #tpu.memory_space<vmem>> -> memref<1x80x64xf32, #tpu.memory_space<vmem>>
    %dma_wait3A_84 = tpu.memref_squeeze %dma_wait3A_83 : memref<1x80x64xf32, #tpu.memory_space<vmem>> -> memref<80x64xf32, #tpu.memory_space<vmem>>
    %dma_wait3A_85 = arith.constant 0 : i32
    %dma_wait3A_86 = tpu.memref_slice %arg7[%dma_wait3A_79, %dma_wait3A_85] : memref<125x80xi32, #tpu.memory_space<vmem>> -> memref<1x80xi32, #tpu.memory_space<vmem>>
    %dma_wait3A_87 = tpu.memref_squeeze %dma_wait3A_86 : memref<1x80xi32, #tpu.memory_space<vmem>> -> memref<80xi32, #tpu.memory_space<vmem>>
    %dma_wait3A_88 = arith.constant 0 : i32
    %dma_wait3A_89 = arith.constant 0 : i32
    %dma_wait3A_90 = tpu.memref_slice %arg2[%dma_wait3A_88, %dma_wait3A_89] : memref<10000x64xf32, #tpu.memory_space<hbm>> -> memref<10000x64xf32, #tpu.memory_space<hbm>>
    tpu.wait_indirect_dma semaphore(%arg12 : memref<!tpu.dma_semaphore, #tpu.memory_space<semaphore_mem>>) src(%dma_wait3A_90 : memref<10000x64xf32, #tpu.memory_space<hbm>>) dst(%dma_wait3A_84 : memref<80x64xf32, #tpu.memory_space<vmem>>)
    %run_scoped3A_91 = arith.constant 1 : i32
    %run_scoped3A_92 = arith.constant 121 : i32
    "tpu.region"() ({
      %run_scoped3A_141 = tpu.sem_alloc : memref<!tpu.dma_semaphore, #tpu.memory_space<semaphore_mem>>
      %dma_start3A_142 = arith.constant 0 : i32
      %dma_start3A_143 = arith.constant 0 : i32
      %dma_start3A_144 = tpu.memref_slice %arg9[%run_scoped3A_91, %dma_start3A_142, %dma_start3A_143] : memref<5x80x64xf32, #tpu.memory_space<vmem>> -> memref<1x80x64xf32, #tpu.memory_space<vmem>>
      %dma_start3A_145 = tpu.memref_squeeze %dma_start3A_144 : memref<1x80x64xf32, #tpu.memory_space<vmem>> -> memref<80x64xf32, #tpu.memory_space<vmem>>
      %dma_start3A_146 = arith.constant 0 : i32
      %dma_start3A_147 = tpu.memref_slice %arg8[%run_scoped3A_92, %dma_start3A_146] : memref<125x80xi32, #tpu.memory_space<vmem>> -> memref<1x80xi32, #tpu.memory_space<vmem>>
      %dma_start3A_148 = tpu.memref_squeeze %dma_start3A_147 : memref<1x80xi32, #tpu.memory_space<vmem>> -> memref<80xi32, #tpu.memory_space<vmem>>
      %dma_start3A_149 = arith.constant 0 : i32
      %dma_start3A_150 = arith.constant 0 : i32
      %dma_start3A_151 = tpu.memref_slice %arg10[%dma_start3A_149, %dma_start3A_150] : memref<10000x64xf32, #tpu.memory_space<vmem_shared>> -> memref<10000x64xf32, #tpu.memory_space<vmem_shared>>
      tpu.enqueue_indirect_dma source(%dma_start3A_145 : memref<80x64xf32, #tpu.memory_space<vmem>>) target(%dma_start3A_151 : memref<10000x64xf32, #tpu.memory_space<vmem_shared>>) offsets(%dma_start3A_148 : memref<80xi32, #tpu.memory_space<vmem>>) semaphore(%run_scoped3A_141 : memref<!tpu.dma_semaphore, #tpu.memory_space<semaphore_mem>>) {add = true}
      %dma_wait3A_152 = arith.constant 0 : i32
      %dma_wait3A_153 = arith.constant 0 : i32
      %dma_wait3A_154 = tpu.memref_slice %arg9[%run_scoped3A_91, %dma_wait3A_152, %dma_wait3A_153] : memref<5x80x64xf32, #tpu.memory_space<vmem>> -> memref<1x80x64xf32, #tpu.memory_space<vmem>>
      %dma_wait3A_155 = tpu.memref_squeeze %dma_wait3A_154 : memref<1x80x64xf32, #tpu.memory_space<vmem>> -> memref<80x64xf32, #tpu.memory_space<vmem>>
      %dma_wait3A_156 = arith.constant 0 : i32
      %dma_wait3A_157 = tpu.memref_slice %arg8[%run_scoped3A_92, %dma_wait3A_156] : memref<125x80xi32, #tpu.memory_space<vmem>> -> memref<1x80xi32, #tpu.memory_space<vmem>>
      %dma_wait3A_158 = tpu.memref_squeeze %dma_wait3A_157 : memref<1x80xi32, #tpu.memory_space<vmem>> -> memref<80xi32, #tpu.memory_space<vmem>>
      %dma_wait3A_159 = arith.constant 0 : i32
      %dma_wait3A_160 = arith.constant 0 : i32
      %dma_wait3A_161 = tpu.memref_slice %arg10[%dma_wait3A_159, %dma_wait3A_160] : memref<10000x64xf32, #tpu.memory_space<vmem_shared>> -> memref<10000x64xf32, #tpu.memory_space<vmem_shared>>
      tpu.wait_indirect_dma semaphore(%run_scoped3A_141 : memref<!tpu.dma_semaphore, #tpu.memory_space<semaphore_mem>>) src(%dma_wait3A_155 : memref<80x64xf32, #tpu.memory_space<vmem>>) dst(%dma_wait3A_161 : memref<10000x64xf32, #tpu.memory_space<vmem_shared>>)
      tpu.yield
    }) : () -> ()
    %dma_wait3A_93 = arith.constant 122 : i32
    %dma_wait3A_94 = arith.constant 2 : i32
    %dma_wait3A_95 = arith.constant 0 : i32
    %dma_wait3A_96 = arith.constant 0 : i32
    %dma_wait3A_97 = tpu.memref_slice %arg9[%dma_wait3A_94, %dma_wait3A_95, %dma_wait3A_96] : memref<5x80x64xf32, #tpu.memory_space<vmem>> -> memref<1x80x64xf32, #tpu.memory_space<vmem>>
    %dma_wait3A_98 = tpu.memref_squeeze %dma_wait3A_97 : memref<1x80x64xf32, #tpu.memory_space<vmem>> -> memref<80x64xf32, #tpu.memory_space<vmem>>
    %dma_wait3A_99 = arith.constant 0 : i32
    %dma_wait3A_100 = tpu.memref_slice %arg7[%dma_wait3A_93, %dma_wait3A_99] : memref<125x80xi32, #tpu.memory_space<vmem>> -> memref<1x80xi32, #tpu.memory_space<vmem>>
    %dma_wait3A_101 = tpu.memref_squeeze %dma_wait3A_100 : memref<1x80xi32, #tpu.memory_space<vmem>> -> memref<80xi32, #tpu.memory_space<vmem>>
    %dma_wait3A_102 = arith.constant 0 : i32
    %dma_wait3A_103 = arith.constant 0 : i32
    %dma_wait3A_104 = tpu.memref_slice %arg2[%dma_wait3A_102, %dma_wait3A_103] : memref<10000x64xf32, #tpu.memory_space<hbm>> -> memref<10000x64xf32, #tpu.memory_space<hbm>>
    tpu.wait_indirect_dma semaphore(%arg13 : memref<!tpu.dma_semaphore, #tpu.memory_space<semaphore_mem>>) src(%dma_wait3A_104 : memref<10000x64xf32, #tpu.memory_space<hbm>>) dst(%dma_wait3A_98 : memref<80x64xf32, #tpu.memory_space<vmem>>)
    %run_scoped3A_105 = arith.constant 2 : i32
    %run_scoped3A_106 = arith.constant 122 : i32
    "tpu.region"() ({
      %run_scoped3A_141 = tpu.sem_alloc : memref<!tpu.dma_semaphore, #tpu.memory_space<semaphore_mem>>
      %dma_start3A_142 = arith.constant 0 : i32
      %dma_start3A_143 = arith.constant 0 : i32
      %dma_start3A_144 = tpu.memref_slice %arg9[%run_scoped3A_105, %dma_start3A_142, %dma_start3A_143] : memref<5x80x64xf32, #tpu.memory_space<vmem>> -> memref<1x80x64xf32, #tpu.memory_space<vmem>>
      %dma_start3A_145 = tpu.memref_squeeze %dma_start3A_144 : memref<1x80x64xf32, #tpu.memory_space<vmem>> -> memref<80x64xf32, #tpu.memory_space<vmem>>
      %dma_start3A_146 = arith.constant 0 : i32
      %dma_start3A_147 = tpu.memref_slice %arg8[%run_scoped3A_106, %dma_start3A_146] : memref<125x80xi32, #tpu.memory_space<vmem>> -> memref<1x80xi32, #tpu.memory_space<vmem>>
      %dma_start3A_148 = tpu.memref_squeeze %dma_start3A_147 : memref<1x80xi32, #tpu.memory_space<vmem>> -> memref<80xi32, #tpu.memory_space<vmem>>
      %dma_start3A_149 = arith.constant 0 : i32
      %dma_start3A_150 = arith.constant 0 : i32
      %dma_start3A_151 = tpu.memref_slice %arg10[%dma_start3A_149, %dma_start3A_150] : memref<10000x64xf32, #tpu.memory_space<vmem_shared>> -> memref<10000x64xf32, #tpu.memory_space<vmem_shared>>
      tpu.enqueue_indirect_dma source(%dma_start3A_145 : memref<80x64xf32, #tpu.memory_space<vmem>>) target(%dma_start3A_151 : memref<10000x64xf32, #tpu.memory_space<vmem_shared>>) offsets(%dma_start3A_148 : memref<80xi32, #tpu.memory_space<vmem>>) semaphore(%run_scoped3A_141 : memref<!tpu.dma_semaphore, #tpu.memory_space<semaphore_mem>>) {add = true}
      %dma_wait3A_152 = arith.constant 0 : i32
      %dma_wait3A_153 = arith.constant 0 : i32
      %dma_wait3A_154 = tpu.memref_slice %arg9[%run_scoped3A_105, %dma_wait3A_152, %dma_wait3A_153] : memref<5x80x64xf32, #tpu.memory_space<vmem>> -> memref<1x80x64xf32, #tpu.memory_space<vmem>>
      %dma_wait3A_155 = tpu.memref_squeeze %dma_wait3A_154 : memref<1x80x64xf32, #tpu.memory_space<vmem>> -> memref<80x64xf32, #tpu.memory_space<vmem>>
      %dma_wait3A_156 = arith.constant 0 : i32
      %dma_wait3A_157 = tpu.memref_slice %arg8[%run_scoped3A_106, %dma_wait3A_156] : memref<125x80xi32, #tpu.memory_space<vmem>> -> memref<1x80xi32, #tpu.memory_space<vmem>>
      %dma_wait3A_158 = tpu.memref_squeeze %dma_wait3A_157 : memref<1x80xi32, #tpu.memory_space<vmem>> -> memref<80xi32, #tpu.memory_space<vmem>>
      %dma_wait3A_159 = arith.constant 0 : i32
      %dma_wait3A_160 = arith.constant 0 : i32
      %dma_wait3A_161 = tpu.memref_slice %arg10[%dma_wait3A_159, %dma_wait3A_160] : memref<10000x64xf32, #tpu.memory_space<vmem_shared>> -> memref<10000x64xf32, #tpu.memory_space<vmem_shared>>
      tpu.wait_indirect_dma semaphore(%run_scoped3A_141 : memref<!tpu.dma_semaphore, #tpu.memory_space<semaphore_mem>>) src(%dma_wait3A_155 : memref<80x64xf32, #tpu.memory_space<vmem>>) dst(%dma_wait3A_161 : memref<10000x64xf32, #tpu.memory_space<vmem_shared>>)
      tpu.yield
    }) : () -> ()
    %dma_wait3A_107 = arith.constant 123 : i32
    %dma_wait3A_108 = arith.constant 3 : i32
    %dma_wait3A_109 = arith.constant 0 : i32
    %dma_wait3A_110 = arith.constant 0 : i32
    %dma_wait3A_111 = tpu.memref_slice %arg9[%dma_wait3A_108, %dma_wait3A_109, %dma_wait3A_110] : memref<5x80x64xf32, #tpu.memory_space<vmem>> -> memref<1x80x64xf32, #tpu.memory_space<vmem>>
    %dma_wait3A_112 = tpu.memref_squeeze %dma_wait3A_111 : memref<1x80x64xf32, #tpu.memory_space<vmem>> -> memref<80x64xf32, #tpu.memory_space<vmem>>
    %dma_wait3A_113 = arith.constant 0 : i32
    %dma_wait3A_114 = tpu.memref_slice %arg7[%dma_wait3A_107, %dma_wait3A_113] : memref<125x80xi32, #tpu.memory_space<vmem>> -> memref<1x80xi32, #tpu.memory_space<vmem>>
    %dma_wait3A_115 = tpu.memref_squeeze %dma_wait3A_114 : memref<1x80xi32, #tpu.memory_space<vmem>> -> memref<80xi32, #tpu.memory_space<vmem>>
    %dma_wait3A_116 = arith.constant 0 : i32
    %dma_wait3A_117 = arith.constant 0 : i32
    %dma_wait3A_118 = tpu.memref_slice %arg2[%dma_wait3A_116, %dma_wait3A_117] : memref<10000x64xf32, #tpu.memory_space<hbm>> -> memref<10000x64xf32, #tpu.memory_space<hbm>>
    tpu.wait_indirect_dma semaphore(%arg14 : memref<!tpu.dma_semaphore, #tpu.memory_space<semaphore_mem>>) src(%dma_wait3A_118 : memref<10000x64xf32, #tpu.memory_space<hbm>>) dst(%dma_wait3A_112 : memref<80x64xf32, #tpu.memory_space<vmem>>)
    %run_scoped3A_119 = arith.constant 3 : i32
    %run_scoped3A_120 = arith.constant 123 : i32
    "tpu.region"() ({
      %run_scoped3A_141 = tpu.sem_alloc : memref<!tpu.dma_semaphore, #tpu.memory_space<semaphore_mem>>
      %dma_start3A_142 = arith.constant 0 : i32
      %dma_start3A_143 = arith.constant 0 : i32
      %dma_start3A_144 = tpu.memref_slice %arg9[%run_scoped3A_119, %dma_start3A_142, %dma_start3A_143] : memref<5x80x64xf32, #tpu.memory_space<vmem>> -> memref<1x80x64xf32, #tpu.memory_space<vmem>>
      %dma_start3A_145 = tpu.memref_squeeze %dma_start3A_144 : memref<1x80x64xf32, #tpu.memory_space<vmem>> -> memref<80x64xf32, #tpu.memory_space<vmem>>
      %dma_start3A_146 = arith.constant 0 : i32
      %dma_start3A_147 = tpu.memref_slice %arg8[%run_scoped3A_120, %dma_start3A_146] : memref<125x80xi32, #tpu.memory_space<vmem>> -> memref<1x80xi32, #tpu.memory_space<vmem>>
      %dma_start3A_148 = tpu.memref_squeeze %dma_start3A_147 : memref<1x80xi32, #tpu.memory_space<vmem>> -> memref<80xi32, #tpu.memory_space<vmem>>
      %dma_start3A_149 = arith.constant 0 : i32
      %dma_start3A_150 = arith.constant 0 : i32
      %dma_start3A_151 = tpu.memref_slice %arg10[%dma_start3A_149, %dma_start3A_150] : memref<10000x64xf32, #tpu.memory_space<vmem_shared>> -> memref<10000x64xf32, #tpu.memory_space<vmem_shared>>
      tpu.enqueue_indirect_dma source(%dma_start3A_145 : memref<80x64xf32, #tpu.memory_space<vmem>>) target(%dma_start3A_151 : memref<10000x64xf32, #tpu.memory_space<vmem_shared>>) offsets(%dma_start3A_148 : memref<80xi32, #tpu.memory_space<vmem>>) semaphore(%run_scoped3A_141 : memref<!tpu.dma_semaphore, #tpu.memory_space<semaphore_mem>>) {add = true}
      %dma_wait3A_152 = arith.constant 0 : i32
      %dma_wait3A_153 = arith.constant 0 : i32
      %dma_wait3A_154 = tpu.memref_slice %arg9[%run_scoped3A_119, %dma_wait3A_152, %dma_wait3A_153] : memref<5x80x64xf32, #tpu.memory_space<vmem>> -> memref<1x80x64xf32, #tpu.memory_space<vmem>>
      %dma_wait3A_155 = tpu.memref_squeeze %dma_wait3A_154 : memref<1x80x64xf32, #tpu.memory_space<vmem>> -> memref<80x64xf32, #tpu.memory_space<vmem>>
      %dma_wait3A_156 = arith.constant 0 : i32
      %dma_wait3A_157 = tpu.memref_slice %arg8[%run_scoped3A_120, %dma_wait3A_156] : memref<125x80xi32, #tpu.memory_space<vmem>> -> memref<1x80xi32, #tpu.memory_space<vmem>>
      %dma_wait3A_158 = tpu.memref_squeeze %dma_wait3A_157 : memref<1x80xi32, #tpu.memory_space<vmem>> -> memref<80xi32, #tpu.memory_space<vmem>>
      %dma_wait3A_159 = arith.constant 0 : i32
      %dma_wait3A_160 = arith.constant 0 : i32
      %dma_wait3A_161 = tpu.memref_slice %arg10[%dma_wait3A_159, %dma_wait3A_160] : memref<10000x64xf32, #tpu.memory_space<vmem_shared>> -> memref<10000x64xf32, #tpu.memory_space<vmem_shared>>
      tpu.wait_indirect_dma semaphore(%run_scoped3A_141 : memref<!tpu.dma_semaphore, #tpu.memory_space<semaphore_mem>>) src(%dma_wait3A_155 : memref<80x64xf32, #tpu.memory_space<vmem>>) dst(%dma_wait3A_161 : memref<10000x64xf32, #tpu.memory_space<vmem_shared>>)
      tpu.yield
    }) : () -> ()
    %dma_wait3A_121 = arith.constant 124 : i32
    %dma_wait3A_122 = arith.constant 4 : i32
    %dma_wait3A_123 = arith.constant 0 : i32
    %dma_wait3A_124 = arith.constant 0 : i32
    %dma_wait3A_125 = tpu.memref_slice %arg9[%dma_wait3A_122, %dma_wait3A_123, %dma_wait3A_124] : memref<5x80x64xf32, #tpu.memory_space<vmem>> -> memref<1x80x64xf32, #tpu.memory_space<vmem>>
    %dma_wait3A_126 = tpu.memref_squeeze %dma_wait3A_125 : memref<1x80x64xf32, #tpu.memory_space<vmem>> -> memref<80x64xf32, #tpu.memory_space<vmem>>
    %dma_wait3A_127 = arith.constant 0 : i32
    %dma_wait3A_128 = tpu.memref_slice %arg7[%dma_wait3A_121, %dma_wait3A_127] : memref<125x80xi32, #tpu.memory_space<vmem>> -> memref<1x80xi32, #tpu.memory_space<vmem>>
    %dma_wait3A_129 = tpu.memref_squeeze %dma_wait3A_128 : memref<1x80xi32, #tpu.memory_space<vmem>> -> memref<80xi32, #tpu.memory_space<vmem>>
    %dma_wait3A_130 = arith.constant 0 : i32
    %dma_wait3A_131 = arith.constant 0 : i32
    %dma_wait3A_132 = tpu.memref_slice %arg2[%dma_wait3A_130, %dma_wait3A_131] : memref<10000x64xf32, #tpu.memory_space<hbm>> -> memref<10000x64xf32, #tpu.memory_space<hbm>>
    tpu.wait_indirect_dma semaphore(%arg15 : memref<!tpu.dma_semaphore, #tpu.memory_space<semaphore_mem>>) src(%dma_wait3A_132 : memref<10000x64xf32, #tpu.memory_space<hbm>>) dst(%dma_wait3A_126 : memref<80x64xf32, #tpu.memory_space<vmem>>)
    %run_scoped3A_133 = arith.constant 4 : i32
    %run_scoped3A_134 = arith.constant 124 : i32
    "tpu.region"() ({
      %run_scoped3A_141 = tpu.sem_alloc : memref<!tpu.dma_semaphore, #tpu.memory_space<semaphore_mem>>
      %dma_start3A_142 = arith.constant 0 : i32
      %dma_start3A_143 = arith.constant 0 : i32
      %dma_start3A_144 = tpu.memref_slice %arg9[%run_scoped3A_133, %dma_start3A_142, %dma_start3A_143] : memref<5x80x64xf32, #tpu.memory_space<vmem>> -> memref<1x80x64xf32, #tpu.memory_space<vmem>>
      %dma_start3A_145 = tpu.memref_squeeze %dma_start3A_144 : memref<1x80x64xf32, #tpu.memory_space<vmem>> -> memref<80x64xf32, #tpu.memory_space<vmem>>
      %dma_start3A_146 = arith.constant 0 : i32
      %dma_start3A_147 = tpu.memref_slice %arg8[%run_scoped3A_134, %dma_start3A_146] : memref<125x80xi32, #tpu.memory_space<vmem>> -> memref<1x80xi32, #tpu.memory_space<vmem>>
      %dma_start3A_148 = tpu.memref_squeeze %dma_start3A_147 : memref<1x80xi32, #tpu.memory_space<vmem>> -> memref<80xi32, #tpu.memory_space<vmem>>
      %dma_start3A_149 = arith.constant 0 : i32
      %dma_start3A_150 = arith.constant 0 : i32
      %dma_start3A_151 = tpu.memref_slice %arg10[%dma_start3A_149, %dma_start3A_150] : memref<10000x64xf32, #tpu.memory_space<vmem_shared>> -> memref<10000x64xf32, #tpu.memory_space<vmem_shared>>
      tpu.enqueue_indirect_dma source(%dma_start3A_145 : memref<80x64xf32, #tpu.memory_space<vmem>>) target(%dma_start3A_151 : memref<10000x64xf32, #tpu.memory_space<vmem_shared>>) offsets(%dma_start3A_148 : memref<80xi32, #tpu.memory_space<vmem>>) semaphore(%run_scoped3A_141 : memref<!tpu.dma_semaphore, #tpu.memory_space<semaphore_mem>>) {add = true}
      %dma_wait3A_152 = arith.constant 0 : i32
      %dma_wait3A_153 = arith.constant 0 : i32
      %dma_wait3A_154 = tpu.memref_slice %arg9[%run_scoped3A_133, %dma_wait3A_152, %dma_wait3A_153] : memref<5x80x64xf32, #tpu.memory_space<vmem>> -> memref<1x80x64xf32, #tpu.memory_space<vmem>>
      %dma_wait3A_155 = tpu.memref_squeeze %dma_wait3A_154 : memref<1x80x64xf32, #tpu.memory_space<vmem>> -> memref<80x64xf32, #tpu.memory_space<vmem>>
      %dma_wait3A_156 = arith.constant 0 : i32
      %dma_wait3A_157 = tpu.memref_slice %arg8[%run_scoped3A_134, %dma_wait3A_156] : memref<125x80xi32, #tpu.memory_space<vmem>> -> memref<1x80xi32, #tpu.memory_space<vmem>>
      %dma_wait3A_158 = tpu.memref_squeeze %dma_wait3A_157 : memref<1x80xi32, #tpu.memory_space<vmem>> -> memref<80xi32, #tpu.memory_space<vmem>>
      %dma_wait3A_159 = arith.constant 0 : i32
      %dma_wait3A_160 = arith.constant 0 : i32
      %dma_wait3A_161 = tpu.memref_slice %arg10[%dma_wait3A_159, %dma_wait3A_160] : memref<10000x64xf32, #tpu.memory_space<vmem_shared>> -> memref<10000x64xf32, #tpu.memory_space<vmem_shared>>
      tpu.wait_indirect_dma semaphore(%run_scoped3A_141 : memref<!tpu.dma_semaphore, #tpu.memory_space<semaphore_mem>>) src(%dma_wait3A_155 : memref<80x64xf32, #tpu.memory_space<vmem>>) dst(%dma_wait3A_161 : memref<10000x64xf32, #tpu.memory_space<vmem_shared>>)
      tpu.yield
    }) : () -> ()
    %barrier3A_135 = arith.constant 0 : index
    tpu.barrier barrier_id(%barrier3A_135)
    %eq3A_136 = arith.constant 0 : i32
    %eq3A_137 = arith.cmpi eq, %arg1, %eq3A_136 : i32
    %convert_element_type3A_138 = arith.extui %eq3A_137 : i1 to i32
    %cond3A_139 = arith.constant 0 : i32
    %cond3A_140 = arith.cmpi ne, %convert_element_type3A_138, %cond3A_139 : i32
    scf.if %cond3A_140 {
      "tpu.region"() ({
        %run_scoped3A_141 = tpu.sem_alloc : memref<!tpu.dma_semaphore, #tpu.memory_space<semaphore_mem>>
        %dma_start3A_142 = arith.constant 0 : i32
        %dma_start3A_143 = arith.constant 0 : i32
        %dma_start3A_144 = tpu.memref_slice %arg6[%arg0, %dma_start3A_142, %dma_start3A_143] : memref<2x10000x64xf32, #tpu.memory_space<hbm>> -> memref<1x10000x64xf32, #tpu.memory_space<hbm>>
        %dma_start3A_145 = tpu.memref_squeeze %dma_start3A_144 : memref<1x10000x64xf32, #tpu.memory_space<hbm>> -> memref<10000x64xf32, #tpu.memory_space<hbm>>
        tpu.enqueue_dma source(%arg10 : memref<10000x64xf32, #tpu.memory_space<vmem_shared>>) target(%dma_start3A_145 : memref<10000x64xf32, #tpu.memory_space<hbm>>) target_semaphore(%run_scoped3A_141 : memref<!tpu.dma_semaphore, #tpu.memory_space<semaphore_mem>>)
        %dma_wait3A_146 = arith.constant 0 : i32
        %dma_wait3A_147 = arith.constant 0 : i32
        %dma_wait3A_148 = tpu.memref_slice %arg6[%arg0, %dma_wait3A_146, %dma_wait3A_147] : memref<2x10000x64xf32, #tpu.memory_space<hbm>> -> memref<1x10000x64xf32, #tpu.memory_space<hbm>>
        %dma_wait3A_149 = tpu.memref_squeeze %dma_wait3A_148 : memref<1x10000x64xf32, #tpu.memory_space<hbm>> -> memref<10000x64xf32, #tpu.memory_space<hbm>>
        tpu.wait_dma2 semaphore(%run_scoped3A_141 : memref<!tpu.dma_semaphore, #tpu.memory_space<semaphore_mem>>) src(%arg10 : memref<10000x64xf32, #tpu.memory_space<vmem_shared>>) dst(%dma_wait3A_149 : memref<10000x64xf32, #tpu.memory_space<hbm>>)
        tpu.yield
      }) : () -> ()
    } else {
    }
    return
  }
}

module attributes {stable_mosaic.version = 14 : i64} {
  func.func @_k1_body(%arg0: memref<2x10000x1xf32, #tpu.memory_space<vmem>>, %arg1: memref<10000x128xf32, #tpu.memory_space<vmem>>, %arg2: memref<128x64xf32, #tpu.memory_space<vmem>>, %arg3: memref<10000x64xf32, #tpu.memory_space<vmem>>, %arg4: memref<10000x1xf32, #tpu.memory_space<vmem>>) attributes {dimension_semantics = [], scalar_prefetch = 0 : i64, scratch_operands = 0 : i64, tpu.core_type = #tpu.core_type<tc>} {
    %get3A = arith.constant 0 : index
    %get3A_0 = arith.constant 0 : index
    %get3A_1 = arith.constant 0 : index
    %get3A_2 = vector.load %arg0[%get3A, %get3A_0, %get3A_1] : memref<2x10000x1xf32, #tpu.memory_space<vmem>>, vector<1x10000x1xf32>
    %get3A_3 = vector.shape_cast %get3A_2 : vector<1x10000x1xf32> to vector<10000x1xf32>
    %get3A_4 = arith.constant 1 : index
    %get3A_5 = arith.constant 0 : index
    %get3A_6 = arith.constant 0 : index
    %get3A_7 = vector.load %arg0[%get3A_4, %get3A_5, %get3A_6] : memref<2x10000x1xf32, #tpu.memory_space<vmem>>, vector<1x10000x1xf32>
    %get3A_8 = vector.shape_cast %get3A_7 : vector<1x10000x1xf32> to vector<10000x1xf32>
    %add3A = arith.addf %get3A_3, %get3A_8 : vector<10000x1xf32>
    %add3A_9 = arith.constant 1.000000e+00 : f32
    %add3A_10 = vector.broadcast %add3A_9 : f32 to vector<10000x1xf32>
    %add3A_11 = arith.addf %add3A, %add3A_10 : vector<10000x1xf32>
    %rsqrt3A = math.rsqrt %add3A_11 : vector<10000x1xf32>
    %get3A_12 = arith.constant 0 : index
    %get3A_13 = arith.constant 0 : index
    %get3A_14 = vector.load %arg1[%get3A_12, %get3A_13] : memref<10000x128xf32, #tpu.memory_space<vmem>>, vector<10000x128xf32>
    %get3A_15 = arith.constant 0 : index
    %get3A_16 = arith.constant 0 : index
    %get3A_17 = vector.load %arg2[%get3A_15, %get3A_16] : memref<128x64xf32, #tpu.memory_space<vmem>>, vector<128x64xf32>
    %dot_general3A = arith.constant dense<0.000000e+00> : vector<10000x64xf32>
    %dot_general3A_18 = tpu.matmul %get3A_14, %get3A_17, %dot_general3A {dimension_numbers = #tpu.dot_dimension_numbers<[1], [0], [0], [1], [0, 0, 1, 1], [], []>, transpose_lhs_hint = false} : vector<10000x128xf32>, vector<128x64xf32>, vector<10000x64xf32> -> vector<10000x64xf32>
    %mul3A = vector.broadcast %rsqrt3A : vector<10000x1xf32> to vector<10000x64xf32>
    %mul3A_19 = arith.mulf %dot_general3A_18, %mul3A : vector<10000x64xf32>
    %swap3A = arith.constant 0 : index
    %swap3A_20 = arith.constant 0 : index
    %swap3A_21 = vector.load %arg3[%swap3A, %swap3A_20] : memref<10000x64xf32, #tpu.memory_space<vmem>>, vector<10000x64xf32>
    tpu.vector_store %arg3[%swap3A, %swap3A_20], %mul3A_19 {strides = array<i32>} : memref<10000x64xf32, #tpu.memory_space<vmem>>, vector<10000x64xf32>,
    %swap3A_22 = arith.constant 0 : index
    %swap3A_23 = arith.constant 0 : index
    %swap3A_24 = vector.load %arg4[%swap3A_22, %swap3A_23] : memref<10000x1xf32, #tpu.memory_space<vmem>>, vector<10000x1xf32>
    tpu.vector_store %arg4[%swap3A_22, %swap3A_23], %rsqrt3A {strides = array<i32>} : memref<10000x1xf32, #tpu.memory_space<vmem>>, vector<10000x1xf32>,
    return
  }
}

module attributes {stable_mosaic.version = 14 : i64} {
  func.func @_k2_body(%arg0: memref<2x10000x64xf32, #tpu.memory_space<vmem>>, %arg1: memref<10000x64xf32, #tpu.memory_space<vmem>>, %arg2: memref<10000x1xf32, #tpu.memory_space<vmem>>, %arg3: memref<1x64xf32, #tpu.memory_space<vmem>>, %arg4: memref<64x64xf32, #tpu.memory_space<vmem>>, %arg5: memref<10000x64xf32, #tpu.memory_space<vmem>>) attributes {dimension_semantics = [], scalar_prefetch = 0 : i64, scratch_operands = 0 : i64, tpu.core_type = #tpu.core_type<tc>} {
    %get3A = arith.constant 0 : index
    %get3A_0 = arith.constant 0 : index
    %get3A_1 = arith.constant 0 : index
    %get3A_2 = vector.load %arg0[%get3A, %get3A_0, %get3A_1] : memref<2x10000x64xf32, #tpu.memory_space<vmem>>, vector<1x10000x64xf32>
    %get3A_3 = vector.shape_cast %get3A_2 : vector<1x10000x64xf32> to vector<10000x64xf32>
    %get3A_4 = arith.constant 1 : index
    %get3A_5 = arith.constant 0 : index
    %get3A_6 = arith.constant 0 : index
    %get3A_7 = vector.load %arg0[%get3A_4, %get3A_5, %get3A_6] : memref<2x10000x64xf32, #tpu.memory_space<vmem>>, vector<1x10000x64xf32>
    %get3A_8 = vector.shape_cast %get3A_7 : vector<1x10000x64xf32> to vector<10000x64xf32>
    %add3A = arith.addf %get3A_3, %get3A_8 : vector<10000x64xf32>
    %get3A_9 = arith.constant 0 : index
    %get3A_10 = arith.constant 0 : index
    %get3A_11 = vector.load %arg1[%get3A_9, %get3A_10] : memref<10000x64xf32, #tpu.memory_space<vmem>>, vector<10000x64xf32>
    %add3A_12 = arith.addf %add3A, %get3A_11 : vector<10000x64xf32>
    %get3A_13 = arith.constant 0 : index
    %get3A_14 = arith.constant 0 : index
    %get3A_15 = vector.load %arg2[%get3A_13, %get3A_14] : memref<10000x1xf32, #tpu.memory_space<vmem>>, vector<10000x1xf32>
    %mul3A = vector.broadcast %get3A_15 : vector<10000x1xf32> to vector<10000x64xf32>
    %mul3A_16 = arith.mulf %add3A_12, %mul3A : vector<10000x64xf32>
    %get3A_17 = arith.constant 0 : index
    %get3A_18 = arith.constant 0 : index
    %get3A_19 = vector.load %arg3[%get3A_17, %get3A_18] : memref<1x64xf32, #tpu.memory_space<vmem>>, vector<1x64xf32>
    %add3A_20 = vector.broadcast %get3A_19 : vector<1x64xf32> to vector<10000x64xf32>
    %add3A_21 = arith.addf %mul3A_16, %add3A_20 : vector<10000x64xf32>
    %max3A = arith.constant 0.000000e+00 : f32
    %max3A_22 = vector.broadcast %max3A : f32 to vector<10000x64xf32>
    %max3A_23 = arith.maximumf %add3A_21, %max3A_22 : vector<10000x64xf32>
    %get3A_24 = arith.constant 0 : index
    %get3A_25 = arith.constant 0 : index
    %get3A_26 = vector.load %arg4[%get3A_24, %get3A_25] : memref<64x64xf32, #tpu.memory_space<vmem>>, vector<64x64xf32>
    %dot_general3A = arith.constant dense<0.000000e+00> : vector<10000x64xf32>
    %dot_general3A_27 = tpu.matmul %max3A_23, %get3A_26, %dot_general3A {dimension_numbers = #tpu.dot_dimension_numbers<[1], [0], [0], [1], [0, 0, 1, 1], [], []>, transpose_lhs_hint = false} : vector<10000x64xf32>, vector<64x64xf32>, vector<10000x64xf32> -> vector<10000x64xf32>
    %get3A_28 = arith.constant 0 : index
    %get3A_29 = arith.constant 0 : index
    %get3A_30 = vector.load %arg2[%get3A_28, %get3A_29] : memref<10000x1xf32, #tpu.memory_space<vmem>>, vector<10000x1xf32>
    %mul3A_31 = vector.broadcast %get3A_30 : vector<10000x1xf32> to vector<10000x64xf32>
    %mul3A_32 = arith.mulf %dot_general3A_27, %mul3A_31 : vector<10000x64xf32>
    %swap3A = arith.constant 0 : index
    %swap3A_33 = arith.constant 0 : index
    %swap3A_34 = vector.load %arg5[%swap3A, %swap3A_33] : memref<10000x64xf32, #tpu.memory_space<vmem>>, vector<10000x64xf32>
    tpu.vector_store %arg5[%swap3A, %swap3A_33], %mul3A_32 {strides = array<i32>} : memref<10000x64xf32, #tpu.memory_space<vmem>>, vector<10000x64xf32>,
    return
  }
}

module attributes {stable_mosaic.version = 14 : i64} {
  func.func @_k3_body(%arg0: memref<2x10000x64xf32, #tpu.memory_space<vmem>>, %arg1: memref<10000x64xf32, #tpu.memory_space<vmem>>, %arg2: memref<10000x1xf32, #tpu.memory_space<vmem>>, %arg3: memref<1x64xf32, #tpu.memory_space<vmem>>, %arg4: memref<64x64xf32, #tpu.memory_space<vmem>>, %arg5: memref<1x64xf32, #tpu.memory_space<vmem>>, %arg6: memref<10000x64xf32, #tpu.memory_space<vmem>>) attributes {dimension_semantics = [], scalar_prefetch = 0 : i64, scratch_operands = 0 : i64, tpu.core_type = #tpu.core_type<tc>} {
    %get3A = arith.constant 0 : index
    %get3A_0 = arith.constant 0 : index
    %get3A_1 = arith.constant 0 : index
    %get3A_2 = vector.load %arg0[%get3A, %get3A_0, %get3A_1] : memref<2x10000x64xf32, #tpu.memory_space<vmem>>, vector<1x10000x64xf32>
    %get3A_3 = vector.shape_cast %get3A_2 : vector<1x10000x64xf32> to vector<10000x64xf32>
    %get3A_4 = arith.constant 1 : index
    %get3A_5 = arith.constant 0 : index
    %get3A_6 = arith.constant 0 : index
    %get3A_7 = vector.load %arg0[%get3A_4, %get3A_5, %get3A_6] : memref<2x10000x64xf32, #tpu.memory_space<vmem>>, vector<1x10000x64xf32>
    %get3A_8 = vector.shape_cast %get3A_7 : vector<1x10000x64xf32> to vector<10000x64xf32>
    %add3A = arith.addf %get3A_3, %get3A_8 : vector<10000x64xf32>
    %get3A_9 = arith.constant 0 : index
    %get3A_10 = arith.constant 0 : index
    %get3A_11 = vector.load %arg1[%get3A_9, %get3A_10] : memref<10000x64xf32, #tpu.memory_space<vmem>>, vector<10000x64xf32>
    %add3A_12 = arith.addf %add3A, %get3A_11 : vector<10000x64xf32>
    %get3A_13 = arith.constant 0 : index
    %get3A_14 = arith.constant 0 : index
    %get3A_15 = vector.load %arg2[%get3A_13, %get3A_14] : memref<10000x1xf32, #tpu.memory_space<vmem>>, vector<10000x1xf32>
    %mul3A = vector.broadcast %get3A_15 : vector<10000x1xf32> to vector<10000x64xf32>
    %mul3A_16 = arith.mulf %add3A_12, %mul3A : vector<10000x64xf32>
    %get3A_17 = arith.constant 0 : index
    %get3A_18 = arith.constant 0 : index
    %get3A_19 = vector.load %arg3[%get3A_17, %get3A_18] : memref<1x64xf32, #tpu.memory_space<vmem>>, vector<1x64xf32>
    %add3A_20 = vector.broadcast %get3A_19 : vector<1x64xf32> to vector<10000x64xf32>
    %add3A_21 = arith.addf %mul3A_16, %add3A_20 : vector<10000x64xf32>
    %max3A = arith.constant 0.000000e+00 : f32
    %max3A_22 = vector.broadcast %max3A : f32 to vector<10000x64xf32>
    %max3A_23 = arith.maximumf %add3A_21, %max3A_22 : vector<10000x64xf32>
    %get3A_24 = arith.constant 0 : index
    %get3A_25 = arith.constant 0 : index
    %get3A_26 = vector.load %arg4[%get3A_24, %get3A_25] : memref<64x64xf32, #tpu.memory_space<vmem>>, vector<64x64xf32>
    %dot_general3A = arith.constant dense<0.000000e+00> : vector<10000x64xf32>
    %dot_general3A_27 = tpu.matmul %max3A_23, %get3A_26, %dot_general3A {dimension_numbers = #tpu.dot_dimension_numbers<[1], [0], [0], [1], [0, 0, 1, 1], [], []>, transpose_lhs_hint = false} : vector<10000x64xf32>, vector<64x64xf32>, vector<10000x64xf32> -> vector<10000x64xf32>
    %get3A_28 = arith.constant 0 : index
    %get3A_29 = arith.constant 0 : index
    %get3A_30 = vector.load %arg5[%get3A_28, %get3A_29] : memref<1x64xf32, #tpu.memory_space<vmem>>, vector<1x64xf32>
    %add3A_31 = vector.broadcast %get3A_30 : vector<1x64xf32> to vector<10000x64xf32>
    %add3A_32 = arith.addf %dot_general3A_27, %add3A_31 : vector<10000x64xf32>
    %swap3A = arith.constant 0 : index
    %swap3A_33 = arith.constant 0 : index
    %swap3A_34 = vector.load %arg6[%swap3A, %swap3A_33] : memref<10000x64xf32, #tpu.memory_space<vmem>>, vector<10000x64xf32>
    tpu.vector_store %arg6[%swap3A, %swap3A_33], %add3A_32 {strides = array<i32>} : memref<10000x64xf32, #tpu.memory_space<vmem>>, vector<10000x64xf32>,
    return
  }
}

</mosaic_0001>

<sc_bundles>
// kernel: kernel.11.cloned.1.call-start
scs
__scs_entry_jumppad:
0x0: {  	(pc) =	sbr.rel $0x88, $3  }
0x1: {  	(tag) =	ssettag $0x0;
	lr =	simm.s32 $0x1  }
0x2: {  	[smem:$0x3F99] =	sst lr;
	_ =	strace $0xD0000000  }
0x3: {  	_ = 	snop  }
0x4: {  	_ = 	snop  }
0x5: {  	_ = 	snop  }
0x6: {  	_ = 	snop  }
0x7: {  	_ = 	snop  }
__scs_overlays_trampoline_lowered:
0x8: {  	[smem:$0x3FA8] =	sst s0  }
0x9: {  	[smem:$0x3FA9] =	sst s1  }
0xa: {  	[smem:$0x3FAA] =	sst s2  }
0xb: {  	[smem:$0x3FAB] =	sst s3  }
0xc: {  	[smem:$0x3FAC] =	sst s4  }
0xd: {  	[smem:$0x3FAD] =	sst s5  }
0xe: {  	[smem:$0x3FAE] =	sst s6  }
0xf: {  	[smem:$0x3FAF] =	sst s7  }
0x10: {  	[smem:$0x3FB0] =	sst s8  }
0x11: {  	[smem:$0x3FB1] =	sst s9;
	s0 =	simm.s32 @!p0 $0x0  }
0x12: {  	s1 =	sld [smem:$0x3F97];
	s0 =	simm.s32 @p0 $0x1  }
0x13: {  	[smem:$0x3FB2] =	sst s0;
	s0 =	simm.s32 @!p1 $0x0  }
0x14: {  	s2 =	sld [smem:$0x3F96];
	s0 =	simm.s32 @p1 $0x1  }
0x15: {  	[smem:$0x3FB3] =	sst s0;
	s0 =	simm.s32 @!p2 $0x0  }
0x16: {  	s3 =	sld [smem:$0x3FDB];
	s0 =	simm.s32 @p2 $0x1  }
0x17: {  	s4 =	simm.s32 $0x1BF5;
	[smem:$0x3FB5] =	sst s0  }
0x18: {  	s0 =	sld [smem:$0x3F98];
	_ =	swait.ge [sflag:s4], $0x0  }
0x19: {  	s7 =	sld [smem:$0x3F99]  }
0x1a: {  	s8 =	sadd.s32 $0xFFFFE003, lr  }
0x1b: {  	s9 =	sadd.s32 $0xFFFFFEF7, lr;
	s5 =	simm.s32 $0xFFFFFFFF;
	p2 =	slt.u32 s8, $0xFFFFF086  }
0x1c: {  	p1 =	slt.u32 s9, $0xF7A;
	s5 =	simm.s32 @!p2 $0x0  }
0x1d: {  	s5 =	simm.s32 @p1 $0x1;
	p0 =	seq.s32 s7, s2  }
0x1e: {  	s7 =	smul.u32 @!p0 $0xF7A, s2;
	p2 =	seq.s32 @!p0 s5, $0x0  }
0x1f: {  	s9 =	smul.u32 $0xF7A, s1;
	s8 =	simm.s32 @!p0 $0x1BF5;
	p2 =	por !p2, p0  }
0x20: {  	[sflag:s8] =	ssyncset.s32 @!p0 $0xFFFFF086;
	s6 =	sadd.s32 @!p0 s3, s7;
	s7 =	simm.s32 @!p0 $0x108  }
0x21: {  	s3 =	sadd.s32 s3, s9;
	s6 =	sadd.s32 @!p0 $0x88, s6;
	s7 =	simm.s32 @p2 $0x1082  }
0x22: {  	[simem:s7], [sflag:s8] =	dma.local @!p0 [hbm:s6], $0xF7A  }
0x23: {  	s9 =	sor.u32 $0xD0000000, s2;
	s6 =	simm.s32 $0x108;
	_ =	swait.ge @!p0 [sflag:s8], $0x0  }
0x24: {  	s3 =	sadd.s32 $0x88, s3;
	s6 =	simm.s32 @!p1 $0x1082;
	[sflag:s4] =	ssyncset.s32 $0xFFFFF086  }
0x25: {  	[simem:s6], [sflag:s4] =	dma.local [hbm:s3], $0xF7A  }
0x26: {  	[smem:$0x3F99] =	sst s1;
	(tag) =	ssettag s2;
	_ =	strace s9  }
0x27: {  	s1 =	sld [smem:$0x3FA9]  }
0x28: {  	s2 =	sld [smem:$0x3FAA]  }
0x29: {  	s4 =	sld [smem:$0x3FAC]  }
0x2a: {  	p0 =	seq.s32 s5, $0x0;
	s5 =	sld [smem:$0x3FAD]  }
0x2b: {  	s6 =	sld [smem:$0x3FAE]  }
0x2c: {  	s7 =	sld [smem:$0x3FAF]  }
0x2d: {  	s3 =	simm.s32 $0x108;
	s8 =	sld [smem:$0x3FB0]  }
0x2e: {  	s3 =	simm.s32 @!p0 $0x1082;
	s9 =	sld [smem:$0x3FB1]  }
0x2f: {  	lr =	sadd.s32 s0, s3;
	s0 =	sld [smem:$0x3FA8]  }
0x30: {  	s3 =	sld [smem:$0x3FAB]  }
0x31: {  	[smem:$0x3FB4] =	sst s10  }
0x32: {  	s10 =	sld [smem:$0x3FB2];
	_ =	sdelay $0x3  }
0x33: {  	p0 =	seq.s32 s10, $0x1;
	s10 =	sld [smem:$0x3FB4];
	_ =	sdelay $0x3  }
0x34: {  	[smem:$0x3FB4] =	sst s10  }
0x35: {  	s10 =	sld [smem:$0x3FB3];
	_ =	sdelay $0x3  }
0x36: {  	p1 =	seq.s32 s10, $0x1;
	s10 =	sld [smem:$0x3FB4];
	_ =	sdelay $0x3  }
0x37: {  	[smem:$0x3FB4] =	sst s10  }
0x38: {  	s10 =	sld [smem:$0x3FB5]  }
0x39: {  	_ = 	snop;
	(pc) =	sbr.ind lr, $3  }
0x3a: {  	_ = 	snop  }
0x3b: {  	_ = 	snop  }
0x3c: {  	p2 =	seq.s32 s10, $0x1;
	s10 =	sld [smem:$0x3FB4]  }
0x3d: {  	_ =	shalt  }
0x3e: {  	_ =	shalt  }
0x3f: {  	_ =	shalt  }
0x40: {  	_ =	shalt  }
0x41: {  	_ =	shalt  }
0x42: {  	_ =	shalt  }
0x43: {  	_ =	shalt  }
0x44: {  	_ =	shalt  }
0x45: {  	_ =	shalt  }
0x46: {  	_ =	shalt  }
0x47: {  	_ =	shalt  }
0x48: {  	_ =	shalt  }
0x49: {  	_ =	shalt  }
0x4a: {  	_ =	shalt  }
0x4b: {  	_ =	shalt  }
0x4c: {  	_ =	shalt  }
0x4d: {  	_ =	shalt  }
0x4e: {  	_ =	shalt  }
0x4f: {  	_ =	shalt  }
0x50: {  	_ =	shalt  }
0x51: {  	_ =	shalt  }
0x52: {  	_ =	shalt  }
0x53: {  	_ =	shalt  }
0x54: {  	_ =	shalt  }
0x55: {  	_ =	shalt  }
0x56: {  	_ =	shalt  }
0x57: {  	_ =	shalt  }
0x58: {  	_ =	shalt  }
0x59: {  	_ =	shalt  }
0x5a: {  	_ =	shalt  }
0x5b: {  	_ =	shalt  }
0x5c: {  	_ =	shalt  }
0x5d: {  	_ =	shalt  }
0x5e: {  	_ =	shalt  }
0x5f: {  	_ =	shalt  }
0x60: {  	_ =	shalt  }
0x61: {  	_ =	shalt  }
0x62: {  	_ =	shalt  }
0x63: {  	_ =	shalt  }
0x64: {  	_ =	shalt  }
0x65: {  	_ =	shalt  }
0x66: {  	_ =	shalt  }
0x67: {  	_ =	shalt  }
0x68: {  	_ =	shalt  }
0x69: {  	_ =	shalt  }
0x6a: {  	_ =	shalt  }
0x6b: {  	_ =	shalt  }
0x6c: {  	_ =	shalt  }
0x6d: {  	_ =	shalt  }
0x6e: {  	_ =	shalt  }
0x6f: {  	_ =	shalt  }
0x70: {  	_ =	shalt  }
0x71: {  	_ =	shalt  }
0x72: {  	_ =	shalt  }
0x73: {  	_ =	shalt  }
0x74: {  	_ =	shalt  }
0x75: {  	_ =	shalt  }
0x76: {  	_ =	shalt  }
0x77: {  	_ =	shalt  }
0x78: {  	_ =	shalt  }
0x79: {  	_ =	shalt  }
0x7a: {  	_ =	shalt  }
0x7b: {  	_ =	shalt  }
0x7c: {  	_ =	shalt  }
0x7d: {  	_ =	shalt  }
0x7e: {  	_ =	shalt  }
0x7f: {  	_ =	shalt  }
0x80: {  	_ =	shalt  }
0x81: {  	_ =	shalt  }
0x82: {  	_ =	shalt  }
0x83: {  	_ =	shalt  }
0x84: {  	_ =	shalt  }
0x85: {  	_ =	shalt  }
0x86: {  	_ =	shalt  }
0x87: {  	_ =	shalt  }
.Lfunc_end0:
.L_simem_size_0:
called_computation.1_lowered:
.L_overlay_start_0:
0x88: {  	s2 =	sld [smem:$0x3FD9]  }
0x89: {  	s3 =	sld [smem:$0x3FFE];
	_ =	sdelay $0x1  }
0x8a: {  	s1 =	srdreg.scid  }
0x8b: {  	s0 =	sand.u32 $0x1, s1  }
0x8c: {  	s17 =	sshll.u32 s0, $0xA;
	s2 =	sadd.s32 s3, s2  }
0x8d: {  	s2 =	sadd.s32 s2, s17  }
0x8e: {  	[smem:$0x3FC0] =	sst s2  }
0x8f: {  	_ = 	snop  }
0x90: {  	s2 =	sld [smem:$0x3FD0];
	(tm) =	ssettm $0x1  }
0x91: {  	s18 =	sld [smem:$0x3FFB];
	_ =	sdelay $0x3  }
0x92: {  	_ =	strace s18  }
0x93: {  	s3 =	sld [smem:$0x3FFC];
	_ =	sdelay $0x3  }
0x94: {  	_ =	strace s3  }
0x95: {  	s3 =	sld [smem:$0x3FFD];
	_ =	sdelay $0x3  }
0x96: {  	_ =	strace s3  }
0x97: {  	_ =	strace $0x8FFFFFFF  }
0x98: {  	s19 =	sld [smem:$0x3FDB];
	_ =	sdelay $0x1  }
0x99: {  	s4 =	simm.s32 $_scs_section_size  }
0x9a: {  	s5 =	simm.s32 $_size__tile_overlayer_lowered;
	s6 =	simm.s32 $_tile_overlayer_lowered  }
0x9b: {  	s22 =	simm.s32 $0x1BFF;
	s21 =	sshll.u32 s6, $0x1;
	s3 =	sadd.s32 s4, s19  }
0x9c: {  	s7 =	simm.s32 $0x0;
	s20 =	sshll.u32 s5, $0x1;
	s5 =	sadd.s32 s21, s3  }
0x9d: {  	[timem:s7], [sflag:s22] =	dma.local [hbm:s5], s20  }
0x9e: {  	_ =	swait.ge [sflag:s22], s20  }
0x9f: {  	s4 =	ssub.s32 $0x0, s20;
	[sflag:s22] =	ssyncset.done $0x0  }
0xa0: {  	[sflag:s22] =	ssyncadd.s32 s4;
	_ =	sdelay $0x1  }
0xa1: {  	s23 =	simm.s32 $0x1B8B  }
0xa2: {  	_ =	swait.ge [sflag:s23], $0x1  }
0xa3: {  	[sflag:s23] =	ssyncset.done $0x0  }
0xa4: {  	s25 =	simm.s32 $0x1B8E;
	s24 =	sld [smem:$0x3FFE];
	[sflag:s23] =	ssyncadd.s32 $0xFFFFFFFF  }
0xa5: {  	s26 =	simm.s32 $execute0_lowered;
	[smem:$0x3FD2] =	sst s25  }
0xa6: {  	s5 =	sshll.u32 s26, $0x1;
	_ =	strace $0x80000049;
	[dreg:$0x1] =	wrdreg $0xFFFFFFFF  }
0xa7: {  	s28 =	simm.s32 $_size_execute0_lowered;
	s3 =	sadd.s32 s3, s5;
	[dreg:$0x0] =	wrdreg $0x0  }
0xa8: {  	s5 =	sshll.u32 s28, $0x1;
	[dreg:$0x2] =	wrdreg s3  }
0xa9: {  	[dreg:$0x3] =	wrdreg s5  }
0xaa: {  	[dreg:$0x4] =	wrdreg $0xC0  }
0xab: {  	_ =	task [dreg:s7], $0x5FFFF  }
0xac: {  	[dreg:$0x1] =	wrdreg $0xFFFFFFFF  }
0xad: {  	[dreg:$0x0] =	wrdreg $0x60  }
0xae: {  	[dreg:$0x2] =	wrdreg s2  }
0xaf: {  	[dreg:$0x3] =	wrdreg s24  }
0xb0: {  	[dreg:$0x4] =	wrdreg $0xB2200  }
0xb1: {  	[dreg:$0x5] =	wrdreg $0x9  }
0xb2: {  	_ =	task.clear_ibuf [dreg:s7], $0x6FFFF;
	_ =	strace $0x90000049  }
0xb3: {  	s29 =	simm.s32 $0x9;
	_ =	strace $0x8000004B  }
0xb4: {  	_ =	swait.ge [sflag:s29], $0x1  }
0xb5: {  	[sflag:s29] =	ssyncadd.s32 $0xFFFFFFFF  }
0xb6: {  	_ =	strace $0x9000004B  }
0xb7: {  	_ =	sfence  }
0xb8: {  	s30 =	sld [smem:$0x0];
	_ =	sdelay $0x2  }
0xb9: {  	s31 =	sshll.u32 s1, $0xD;
	s1 =	sshrl.u32 s1, $0x2  }
0xba: {  	s3 =	sand.u32 $0x4000, s31;
	s1 =	sadd.s32 s1, s30  }
0xbb: {  	s0 =	sor.u32 s3, s0;
	s1 =	sshll.u32 s1, $0x11  }
0xbc: {  	s0 =	sor.u32 s1, s0  }
0xbd: {  	s0 =	sadd.s32 $0x8F2B, s0  }
0xbe: {  	[sflag:s0] =	ssyncadd.remote.s32 $0x1  }
0xbf: {  	_ =	sfence.sel $0xFFFF  }
0xc0: {  	[dreg:$0x0] =	wrdreg $0xFFFFFFFF;
	(pc) =	sbr.abs _section_cstart, $3  }
0xc1: {  	[dreg:$0x1] =	wrdreg $0xFFFFFFFF  }
0xc2: {  	_ =	task.clear_ibuf [dreg:s7], $0x2FFFF;
	_ =	strace $0x9FFFFFFF  }
0xc3: {  	(tm) =	ssettm $0x7FFFFFFF  }
tec
execute0_lowered:
.L_overlay_start_1:
0x0: {  	(tag) =	ssettag $0x1  }
0x1: {  	s0 =	rddreg [dreg:$0x0]  }
0x2: {  	s1 =	srdreg.scid;
	s5 =	rddreg [dreg:$0x1]  }
0x3: {  	s2 =	rddreg [dreg:$0x2];
	s8 =	stileid.u32  }
0x4: {  	s3 =	simm.s32 $0x0;
	s12 =	simm.s32 $0x50;
	s13 =	simm.s32 $0x4E20  }
0x5: {  	s14 =	simm.s32 $0x6220;
	s16 =	simm.s32 $0x7620;
	s18 =	simm.s32 $0x8A20  }
0x6: {  	s19 =	simm.s32 $0x140;
	s20 =	simm.s32 $0x9E20;
	s21 =	simm.s32 $0x1  }
0x7: {  	s22 =	simm.s32 $0x2;
	s23 =	simm.s32 $0x3;
	s24 =	simm.s32 $0x4  }
0x8: {  	s25 =	simm.s32 $0x5;
	s26 =	simm.s32 $0x4C90;
	s28 =	simm.s32 $0x4CE0  }
0x9: {  	s29 =	simm.s32 $0x4D30;
	s30 =	simm.s32 $0x4D80;
	s1 =	sand.u32 $0x1, s1  }
0xa: {  	s31 =	simm.s32 $0x4DD0;
	[smem:$0x7FF] =	sst s3;
	s4 =	sshll.u32 s1, $0x4  }
0xb: {  	s6 =	smul.u32 $0x13880, s1;
	s1 =	ssub.s32 $0x2, s1;
	s4 =	sor.u32 s8, s4  }
0xc: {  	p0 =	sne.s32 s8, $0x0;
	s9 =	sshrl.u32 s1, $0x1;
	s4 =	smul.u32 $0x4E2, s4  }
0xd: {  	_ =	strace $0x8000004A;
	s10 =	sadd.s32 s6, s5;
	s1 =	ssub.s32 s1, s9  }
0xe: {  	s9 =	sshrl.u32 @!p0 s2, $0x3;
	s8 =	smax.u32 s1, $0x1;
	s7 =	sadd.s32 s4, s5  }
0xf: {  	s1 =	simm.s32 $0x0;
	s4 =	sadd.s32 $0x15600, s5;
	s5 =	sadd.s32 $0x1A00, s7  }
0x10: {  	s6 =	sadd.s32 $0xB800, s7;
	s7 =	sadd.s32 $0x29000, s10;
	s10 =	simm.s32 $0x6  }
.LBB2_1:
0x11: {  	s11 =	simm.s32 @!p0 $0x1C06  }
0x12: {  	[spmem:s9], [sflag:s11] =	dma.local @!p0 [hbm:s4], $0x13880  }
0x13: {  	s11 =	simm.s32 @!p0 $0x6  }
0x14: {  	_ =	swait.ge @!p0 [sflag:s11], $0x13880  }
0x15: {  	[sflag:s11] =	ssyncset.done @!p0 $0x0  }
0x16: {  	[sflag:s11] =	ssyncadd.s32 @!p0 $0xFFFEC780  }
0x17: {  	[tilespmem:s3], [sflag:$0x6] =	stream.linear.gather [hbm4b:s5+s3], $0x2710, $0x38;
	[tilespmem:$0x14E60] =	vst v63  }
0x18: {  	_ =	swait.ge [sflag:s10], $0x2710  }
0x19: {  	[sflag:s10] =	ssyncset.done $0x0  }
0x1a: {  	s15 =	simm.s32 $0x2710;
	[sflag:s10] =	ssyncadd.s32 $0xFFFFD8F0  }
0x1b: {  	[tilespmem:s15], [sflag:$0x6] =	stream.linear.gather [hbm4b:s6+s3], $0x2710, $0x38;
	[tilespmem:$0x14E60] =	vst v63  }
0x1c: {  	_ =	swait.ge [sflag:s10], $0x2710  }
0x1d: {  	[sflag:s10] =	ssyncset.done $0x0  }
0x1e: {  	[sflag:s10] =	ssyncadd.s32 $0xFFFFD8F0  }
0x1f: {  	[bflag:$0x0] =	sbarrier.arrive $0xFFFF  }
0x20: {  	[tilespmem:s13], [sflag:$0x1] =	stream.indirect.gather [hbm4b:s0+s12], $0x40, s3, s12, $0xb8;
	[tilespmem:$0x14E60] =	vst v63  }
0x21: {  	_ = 	snop  }
0x22: {  	[tilespmem:s14], [sflag:$0x2] =	stream.indirect.gather [hbm4b:s0+s12], $0x40, s12, s12, $0xb8;
	[tilespmem:$0x14E60] =	vst v63  }
0x23: {  	s17 =	simm.s32 $0xA0  }
0x24: {  	[tilespmem:s16], [sflag:$0x3] =	stream.indirect.gather [hbm4b:s0+s12], $0x40, s17, s12, $0xb8;
	[tilespmem:$0x14E60] =	vst v63  }
0x25: {  	s15 =	simm.s32 $0xF0  }
0x26: {  	[tilespmem:s18], [sflag:$0x4] =	stream.indirect.gather [hbm4b:s0+s12], $0x40, s15, s12, $0xb8;
	[tilespmem:$0x14E60] =	vst v63  }
0x27: {  	_ = 	snop  }
0x28: {  	[tilespmem:s20], [sflag:$0x5] =	stream.indirect.gather [hbm4b:s0+s12], $0x40, s19, s12, $0xb8;
	[tilespmem:$0x14E60] =	vst v63  }
0x29: {  	_ =	swait.ge [sflag:s21], $0x1400  }
0x2a: {  	[sflag:s21] =	ssyncset.done $0x0  }
0x2b: {  	s17 =	simm.s32 $0x2710;
	[sflag:s21] =	ssyncadd.s32 $0xFFFFEC00  }
0x2c: {  	[spmem:s2] =	stream.indirect.scatter.add.f32 [tilespmem:s13], [sflag:$0x6], $0x40, s17, s12, $0xb8;
	[tilespmem:$0x14E60] =	vst v63  }
0x2d: {  	_ =	swait.ge [sflag:s10], $0x1400  }
0x2e: {  	[sflag:s10] =	ssyncset.done $0x0  }
0x2f: {  	s15 =	simm.s32 $0x190;
	[sflag:s10] =	ssyncadd.s32 $0xFFFFEC00  }
0x30: {  	[tilespmem:s13], [sflag:$0x1] =	stream.indirect.gather [hbm4b:s0+s12], $0x40, s15, s12, $0xb8;
	[tilespmem:$0x14E60] =	vst v63  }
0x31: {  	_ =	swait.ge [sflag:s22], $0x1400  }
0x32: {  	[sflag:s22] =	ssyncset.done $0x0  }
0x33: {  	s17 =	simm.s32 $0x2760;
	[sflag:s22] =	ssyncadd.s32 $0xFFFFEC00  }
0x34: {  	[spmem:s2] =	stream.indirect.scatter.add.f32 [tilespmem:s14], [sflag:$0x6], $0x40, s17, s12, $0xb8;
	[tilespmem:$0x14E60] =	vst v63  }
0x35: {  	_ =	swait.ge [sflag:s10], $0x1400  }
0x36: {  	[sflag:s10] =	ssyncset.done $0x0  }
0x37: {  	s15 =	simm.s32 $0x1E0;
	[sflag:s10] =	ssyncadd.s32 $0xFFFFEC00  }
0x38: {  	[tilespmem:s14], [sflag:$0x2] =	stream.indirect.gather [hbm4b:s0+s12], $0x40, s15, s12, $0xb8;
	[tilespmem:$0x14E60] =	vst v63  }
0x39: {  	_ =	swait.ge [sflag:s23], $0x1400  }
0x3a: {  	[sflag:s23] =	ssyncset.done $0x0  }
0x3b: {  	s17 =	simm.s32 $0x27B0;
	[sflag:s23] =	ssyncadd.s32 $0xFFFFEC00  }
0x3c: {  	[spmem:s2] =	stream.indirect.scatter.add.f32 [tilespmem:s16], [sflag:$0x6], $0x40, s17, s12, $0xb8;
	[tilespmem:$0x14E60] =	vst v63  }
0x3d: {  	_ =	swait.ge [sflag:s10], $0x1400  }
0x3e: {  	[sflag:s10] =	ssyncset.done $0x0  }
0x3f: {  	s15 =	simm.s32 $0x230;
	[sflag:s10] =	ssyncadd.s32 $0xFFFFEC00  }
0x40: {  	[tilespmem:s16], [sflag:$0x3] =	stream.indirect.gather [hbm4b:s0+s12], $0x40, s15, s12, $0xb8;
	[tilespmem:$0x14E60] =	vst v63  }
0x41: {  	_ =	swait.ge [sflag:s24], $0x1400  }
0x42: {  	[sflag:s24] =	ssyncset.done $0x0  }
0x43: {  	s17 =	simm.s32 $0x2800;
	[sflag:s24] =	ssyncadd.s32 $0xFFFFEC00  }
0x44: {  	[spmem:s2] =	stream.indirect.scatter.add.f32 [tilespmem:s18], [sflag:$0x6], $0x40, s17, s12, $0xb8;
	[tilespmem:$0x14E60] =	vst v63  }
0x45: {  	_ =	swait.ge [sflag:s10], $0x1400  }
0x46: {  	[sflag:s10] =	ssyncset.done $0x0  }
0x47: {  	s15 =	simm.s32 $0x280;
	[sflag:s10] =	ssyncadd.s32 $0xFFFFEC00  }
0x48: {  	[tilespmem:s18], [sflag:$0x4] =	stream.indirect.gather [hbm4b:s0+s12], $0x40, s15, s12, $0xb8;
	[tilespmem:$0x14E60] =	vst v63  }
0x49: {  	_ =	swait.ge [sflag:s25], $0x1400  }
0x4a: {  	[sflag:s25] =	ssyncset.done $0x0  }
0x4b: {  	s17 =	simm.s32 $0x2850;
	[sflag:s25] =	ssyncadd.s32 $0xFFFFEC00  }
0x4c: {  	[spmem:s2] =	stream.indirect.scatter.add.f32 [tilespmem:s20], [sflag:$0x6], $0x40, s17, s12, $0xb8;
	[tilespmem:$0x14E60] =	vst v63  }
0x4d: {  	_ =	swait.ge [sflag:s10], $0x1400  }
0x4e: {  	[sflag:s10] =	ssyncset.done $0x0  }
0x4f: {  	s11 =	simm.s32 $0x640;
	s15 =	simm.s32 $0x2D0;
	[sflag:s10] =	ssyncadd.s32 $0xFFFFEC00  }
.LBB2_2:
0x50: {  	[tilespmem:s20], [sflag:$0x5] =	stream.indirect.gather [hbm4b:s0+s12], $0x40, s15, s12, $0xb8;
	[tilespmem:$0x14E60] =	vst v63  }
0x51: {  	s15 =	smov.u32 s11  }
0x52: {  	p1 =	sne.s32 s11, $0x8FC0;
	s11 =	sadd.s32 $0x640, s11;
	_ =	swait.ge [sflag:s21], $0x1400  }
0x53: {  	s15 =	sshra.s32 s15, $0x2;
	[sflag:s21] =	ssyncset.done $0x0  }
0x54: {  	s17 =	sadd.s32 $0x2710, s15;
	[sflag:s21] =	ssyncadd.s32 $0xFFFFEC00  }
0x55: {  	[spmem:s2] =	stream.indirect.scatter.add.f32 [tilespmem:s13], [sflag:$0x6], $0x40, s17, s12, $0xb8;
	[tilespmem:$0x14E60] =	vst v63  }
0x56: {  	_ =	swait.ge [sflag:s10], $0x1400  }
0x57: {  	[sflag:s10] =	ssyncset.done $0x0  }
0x58: {  	s17 =	sadd.s32 $0x190, s15;
	[sflag:s10] =	ssyncadd.s32 $0xFFFFEC00  }
0x59: {  	[tilespmem:s13], [sflag:$0x1] =	stream.indirect.gather [hbm4b:s0+s12], $0x40, s17, s12, $0xb8;
	[tilespmem:$0x14E60] =	vst v63  }
0x5a: {  	_ =	swait.ge [sflag:s22], $0x1400  }
0x5b: {  	[sflag:s22] =	ssyncset.done $0x0  }
0x5c: {  	s17 =	sadd.s32 $0x2760, s15;
	[sflag:s22] =	ssyncadd.s32 $0xFFFFEC00  }
0x5d: {  	[spmem:s2] =	stream.indirect.scatter.add.f32 [tilespmem:s14], [sflag:$0x6], $0x40, s17, s12, $0xb8;
	[tilespmem:$0x14E60] =	vst v63  }
0x5e: {  	_ =	swait.ge [sflag:s10], $0x1400  }
0x5f: {  	[sflag:s10] =	ssyncset.done $0x0  }
0x60: {  	s17 =	sadd.s32 $0x1E0, s15;
	[sflag:s10] =	ssyncadd.s32 $0xFFFFEC00  }
0x61: {  	[tilespmem:s14], [sflag:$0x2] =	stream.indirect.gather [hbm4b:s0+s12], $0x40, s17, s12, $0xb8;
	[tilespmem:$0x14E60] =	vst v63  }
0x62: {  	_ =	swait.ge [sflag:s23], $0x1400  }
0x63: {  	[sflag:s23] =	ssyncset.done $0x0  }
0x64: {  	s17 =	sadd.s32 $0x27B0, s15;
	[sflag:s23] =	ssyncadd.s32 $0xFFFFEC00  }
0x65: {  	[spmem:s2] =	stream.indirect.scatter.add.f32 [tilespmem:s16], [sflag:$0x6], $0x40, s17, s12, $0xb8;
	[tilespmem:$0x14E60] =	vst v63  }
0x66: {  	_ =	swait.ge [sflag:s10], $0x1400  }
0x67: {  	[sflag:s10] =	ssyncset.done $0x0  }
0x68: {  	s17 =	sadd.s32 $0x230, s15;
	[sflag:s10] =	ssyncadd.s32 $0xFFFFEC00  }
0x69: {  	[tilespmem:s16], [sflag:$0x3] =	stream.indirect.gather [hbm4b:s0+s12], $0x40, s17, s12, $0xb8;
	[tilespmem:$0x14E60] =	vst v63  }
0x6a: {  	_ =	swait.ge [sflag:s24], $0x1400  }
0x6b: {  	[sflag:s24] =	ssyncset.done $0x0  }
0x6c: {  	s17 =	sadd.s32 $0x2800, s15;
	[sflag:s24] =	ssyncadd.s32 $0xFFFFEC00  }
0x6d: {  	[spmem:s2] =	stream.indirect.scatter.add.f32 [tilespmem:s18], [sflag:$0x6], $0x40, s17, s12, $0xb8;
	[tilespmem:$0x14E60] =	vst v63  }
0x6e: {  	_ =	swait.ge [sflag:s10], $0x1400  }
0x6f: {  	[sflag:s10] =	ssyncset.done $0x0  }
0x70: {  	s17 =	sadd.s32 $0x280, s15;
	[sflag:s10] =	ssyncadd.s32 $0xFFFFEC00  }
0x71: {  	[tilespmem:s18], [sflag:$0x4] =	stream.indirect.gather [hbm4b:s0+s12], $0x40, s17, s12, $0xb8;
	[tilespmem:$0x14E60] =	vst v63  }
0x72: {  	_ =	swait.ge [sflag:s25], $0x1400  }
0x73: {  	[sflag:s25] =	ssyncset.done $0x0  }
.Ltmp0:
0x74: {  	s17 =	sadd.s32 $0x2850, s15;
	[sflag:s25] =	ssyncadd.s32 $0xFFFFEC00;
	(pc) =	sbr.rel @p1 .LBB2_2-.Ltmp0, $4  }
0x75: {  	[spmem:s2] =	stream.indirect.scatter.add.f32 [tilespmem:s20], [sflag:$0x6], $0x40, s17, s12, $0xb8;
	[tilespmem:$0x14E60] =	vst v63  }
0x76: {  	_ =	swait.ge [sflag:s10], $0x1400  }
0x77: {  	[sflag:s10] =	ssyncset.done $0x0  }
0x78: {  	s15 =	sadd.s32 $0x2D0, s15;
	[sflag:s10] =	ssyncadd.s32 $0xFFFFEC00  }
0x79: {  	[tilespmem:s20], [sflag:$0x5] =	stream.indirect.gather [hbm4b:s0+s12], $0x40, s15, s12, $0xb8;
	[tilespmem:$0x14E60] =	vst v63  }
0x7a: {  	_ =	swait.ge [sflag:s21], $0x1400  }
0x7b: {  	[sflag:s21] =	ssyncset.done $0x0  }
0x7c: {  	[sflag:s21] =	ssyncadd.s32 $0xFFFFEC00  }
0x7d: {  	[spmem:s2] =	stream.indirect.scatter.add.f32 [tilespmem:s13], [sflag:$0x6], $0x40, s26, s12, $0xb8;
	[tilespmem:$0x14E60] =	vst v63  }
0x7e: {  	_ =	swait.ge [sflag:s10], $0x1400  }
0x7f: {  	[sflag:s10] =	ssyncset.done $0x0  }
0x80: {  	[sflag:s10] =	ssyncadd.s32 $0xFFFFEC00  }
0x81: {  	_ =	swait.ge [sflag:s22], $0x1400  }
0x82: {  	[sflag:s22] =	ssyncset.done $0x0  }
0x83: {  	[sflag:s22] =	ssyncadd.s32 $0xFFFFEC00  }
0x84: {  	[spmem:s2] =	stream.indirect.scatter.add.f32 [tilespmem:s14], [sflag:$0x6], $0x40, s28, s12, $0xb8;
	[tilespmem:$0x14E60] =	vst v63  }
0x85: {  	_ =	swait.ge [sflag:s10], $0x1400  }
0x86: {  	[sflag:s10] =	ssyncset.done $0x0  }
0x87: {  	[sflag:s10] =	ssyncadd.s32 $0xFFFFEC00  }
0x88: {  	_ =	swait.ge [sflag:s23], $0x1400  }
0x89: {  	[sflag:s23] =	ssyncset.done $0x0  }
0x8a: {  	[sflag:s23] =	ssyncadd.s32 $0xFFFFEC00  }
0x8b: {  	[spmem:s2] =	stream.indirect.scatter.add.f32 [tilespmem:s16], [sflag:$0x6], $0x40, s29, s12, $0xb8;
	[tilespmem:$0x14E60] =	vst v63  }
0x8c: {  	_ =	swait.ge [sflag:s10], $0x1400  }
0x8d: {  	[sflag:s10] =	ssyncset.done $0x0  }
0x8e: {  	[sflag:s10] =	ssyncadd.s32 $0xFFFFEC00  }
0x8f: {  	_ =	swait.ge [sflag:s24], $0x1400  }
0x90: {  	[sflag:s24] =	ssyncset.done $0x0  }
0x91: {  	[sflag:s24] =	ssyncadd.s32 $0xFFFFEC00  }
0x92: {  	[spmem:s2] =	stream.indirect.scatter.add.f32 [tilespmem:s18], [sflag:$0x6], $0x40, s30, s12, $0xb8;
	[tilespmem:$0x14E60] =	vst v63  }
0x93: {  	_ =	swait.ge [sflag:s10], $0x1400  }
0x94: {  	[sflag:s10] =	ssyncset.done $0x0  }
0x95: {  	[sflag:s10] =	ssyncadd.s32 $0xFFFFEC00  }
0x96: {  	_ =	swait.ge [sflag:s25], $0x1400  }
0x97: {  	[sflag:s25] =	ssyncset.done $0x0  }
0x98: {  	[sflag:s25] =	ssyncadd.s32 $0xFFFFEC00  }
0x99: {  	[spmem:s2] =	stream.indirect.scatter.add.f32 [tilespmem:s20], [sflag:$0x6], $0x40, s31, s12, $0xb8;
	[tilespmem:$0x14E60] =	vst v63  }
0x9a: {  	_ =	swait.ge [sflag:s10], $0x1400  }
0x9b: {  	[sflag:s10] =	ssyncset.done $0x0  }
0x9c: {  	s1 =	sadd.s32 $0x1, s1;
	[sflag:s10] =	ssyncadd.s32 $0xFFFFEC00  }
0x9d: {  	s11 =	simm.s32 @!p0 $0x1C06;
	p1 =	sne.s32 s1, s8;
	[bflag:$0x0] =	sbarrier.arrive $0xFFFF  }
0x9e: {  	[hbm:s7], [sflag:s11] =	dma.local @!p0 [spmem:s9], $0x13880  }
.Ltmp1:
0x9f: {  	_ = 	snop;
	(pc) =	sbr.rel @p1 .LBB2_1-.Ltmp1, $4  }
0xa0: {  	s11 =	simm.s32 @!p0 $0x6  }
0xa1: {  	_ =	swait.ge @!p0 [sflag:s11], $0x13880  }
0xa2: {  	[sflag:s11] =	ssyncset.done @!p0 $0x0  }
0xa3: {  	[sflag:s11] =	ssyncadd.s32 @!p0 $0xFFFEC780  }
0xa4: {  	_ =	sfence.sel $0x180000  }
0xa5: {  	[bflag:$0x0] =	sbarrier.arrive $0xFFFF  }
0xa6: {  	_ =	strace $0x9000004A  }
0xa7: {  	[bflag:$0x2] =	sbarrier.arrive $0xFFFF  }
0xa8: {  	s0 =	rddreg [dreg:$0x3]  }
0xa9: {  	s0 =	sadd.s32 @!p0 $0x100000, s0  }
0xaa: {  	[sflag:s0] =	ssyncadd.tile.s32 @!p0 $0x1;
	_ =	shalt  }
.Lfunc_end2:
_tile_overlayer_lowered:
.L_overlay_start_2:
0xab: {  	(tag) =	ssettag $0x2  }
0xac: {  	s0 =	rddreg [dreg:$0x0];
	s2 =	stileid.u32  }
0xad: {  	s1 =	rddreg [dreg:$0x1];
	p0 =	sne.s32 s2, $0x0  }
0xae: {  	s3 =	rddreg [dreg:$0x2];
	[bflag:$0x3] =	sbarrier.arrive $0xFFFF;
	s2 =	simm.s32 @!p0 $0x1C06  }
0xaf: {  	[timem:s3], [sflag:s2] =	dma.local @!p0 [hbm:s0], s1  }
0xb0: {  	s0 =	simm.s32 @!p0 $0x6  }
0xb1: {  	_ =	swait.ge @!p0 [sflag:s0], s1  }
0xb2: {  	s1 =	ssub.s32 @!p0 $0x0, s1;
	[sflag:s0] =	ssyncset.done @!p0 $0x0  }
0xb3: {  	[sflag:s0] =	ssyncadd.s32 @!p0 s1  }
0xb4: {  	[bflag:$0x3] =	sbarrier.arrive $0xFFFF  }
0xb5: {  	_ =	shalt  }

// kernel: kernel.14.cloned.1.call-start
scs
__scs_entry_jumppad:
0x0: {  	(pc) =	sbr.rel $0x88, $3  }
0x1: {  	(tag) =	ssettag $0x0;
	lr =	simm.s32 $0x1  }
0x2: {  	[smem:$0x3F99] =	sst lr;
	_ =	strace $0xD0000000  }
0x3: {  	_ = 	snop  }
0x4: {  	_ = 	snop  }
0x5: {  	_ = 	snop  }
0x6: {  	_ = 	snop  }
0x7: {  	_ = 	snop  }
__scs_overlays_trampoline_lowered:
0x8: {  	[smem:$0x3FA8] =	sst s0  }
0x9: {  	[smem:$0x3FA9] =	sst s1  }
0xa: {  	[smem:$0x3FAA] =	sst s2  }
0xb: {  	[smem:$0x3FAB] =	sst s3  }
0xc: {  	[smem:$0x3FAC] =	sst s4  }
0xd: {  	[smem:$0x3FAD] =	sst s5  }
0xe: {  	[smem:$0x3FAE] =	sst s6  }
0xf: {  	[smem:$0x3FAF] =	sst s7  }
0x10: {  	[smem:$0x3FB0] =	sst s8  }
0x11: {  	[smem:$0x3FB1] =	sst s9;
	s0 =	simm.s32 @!p0 $0x0  }
0x12: {  	s1 =	sld [smem:$0x3F97];
	s0 =	simm.s32 @p0 $0x1  }
0x13: {  	[smem:$0x3FB2] =	sst s0;
	s0 =	simm.s32 @!p1 $0x0  }
0x14: {  	s2 =	sld [smem:$0x3F96];
	s0 =	simm.s32 @p1 $0x1  }
0x15: {  	[smem:$0x3FB3] =	sst s0;
	s0 =	simm.s32 @!p2 $0x0  }
0x16: {  	s3 =	sld [smem:$0x3FDB];
	s0 =	simm.s32 @p2 $0x1  }
0x17: {  	s4 =	simm.s32 $0x1BF5;
	[smem:$0x3FB5] =	sst s0  }
0x18: {  	s0 =	sld [smem:$0x3F98];
	_ =	swait.ge [sflag:s4], $0x0  }
0x19: {  	s7 =	sld [smem:$0x3F99]  }
0x1a: {  	s8 =	sadd.s32 $0xFFFFE003, lr  }
0x1b: {  	s9 =	sadd.s32 $0xFFFFFEF7, lr;
	s5 =	simm.s32 $0xFFFFFFFF;
	p2 =	slt.u32 s8, $0xFFFFF086  }
0x1c: {  	p1 =	slt.u32 s9, $0xF7A;
	s5 =	simm.s32 @!p2 $0x0  }
0x1d: {  	s5 =	simm.s32 @p1 $0x1;
	p0 =	seq.s32 s7, s2  }
0x1e: {  	s7 =	smul.u32 @!p0 $0xF7A, s2;
	p2 =	seq.s32 @!p0 s5, $0x0  }
0x1f: {  	s9 =	smul.u32 $0xF7A, s1;
	s8 =	simm.s32 @!p0 $0x1BF5;
	p2 =	por !p2, p0  }
0x20: {  	[sflag:s8] =	ssyncset.s32 @!p0 $0xFFFFF086;
	s6 =	sadd.s32 @!p0 s3, s7;
	s7 =	simm.s32 @!p0 $0x108  }
0x21: {  	s3 =	sadd.s32 s3, s9;
	s6 =	sadd.s32 @!p0 $0x88, s6;
	s7 =	simm.s32 @p2 $0x1082  }
0x22: {  	[simem:s7], [sflag:s8] =	dma.local @!p0 [hbm:s6], $0xF7A  }
0x23: {  	s9 =	sor.u32 $0xD0000000, s2;
	s6 =	simm.s32 $0x108;
	_ =	swait.ge @!p0 [sflag:s8], $0x0  }
0x24: {  	s3 =	sadd.s32 $0x88, s3;
	s6 =	simm.s32 @!p1 $0x1082;
	[sflag:s4] =	ssyncset.s32 $0xFFFFF086  }
0x25: {  	[simem:s6], [sflag:s4] =	dma.local [hbm:s3], $0xF7A  }
0x26: {  	[smem:$0x3F99] =	sst s1;
	(tag) =	ssettag s2;
	_ =	strace s9  }
0x27: {  	s1 =	sld [smem:$0x3FA9]  }
0x28: {  	s2 =	sld [smem:$0x3FAA]  }
0x29: {  	s4 =	sld [smem:$0x3FAC]  }
0x2a: {  	p0 =	seq.s32 s5, $0x0;
	s5 =	sld [smem:$0x3FAD]  }
0x2b: {  	s6 =	sld [smem:$0x3FAE]  }
0x2c: {  	s7 =	sld [smem:$0x3FAF]  }
0x2d: {  	s3 =	simm.s32 $0x108;
	s8 =	sld [smem:$0x3FB0]  }
0x2e: {  	s3 =	simm.s32 @!p0 $0x1082;
	s9 =	sld [smem:$0x3FB1]  }
0x2f: {  	lr =	sadd.s32 s0, s3;
	s0 =	sld [smem:$0x3FA8]  }
0x30: {  	s3 =	sld [smem:$0x3FAB]  }
0x31: {  	[smem:$0x3FB4] =	sst s10  }
0x32: {  	s10 =	sld [smem:$0x3FB2];
	_ =	sdelay $0x3  }
0x33: {  	p0 =	seq.s32 s10, $0x1;
	s10 =	sld [smem:$0x3FB4];
	_ =	sdelay $0x3  }
0x34: {  	[smem:$0x3FB4] =	sst s10  }
0x35: {  	s10 =	sld [smem:$0x3FB3];
	_ =	sdelay $0x3  }
0x36: {  	p1 =	seq.s32 s10, $0x1;
	s10 =	sld [smem:$0x3FB4];
	_ =	sdelay $0x3  }
0x37: {  	[smem:$0x3FB4] =	sst s10  }
0x38: {  	s10 =	sld [smem:$0x3FB5]  }
0x39: {  	_ = 	snop;
	(pc) =	sbr.ind lr, $3  }
0x3a: {  	_ = 	snop  }
0x3b: {  	_ = 	snop  }
0x3c: {  	p2 =	seq.s32 s10, $0x1;
	s10 =	sld [smem:$0x3FB4]  }
0x3d: {  	_ =	shalt  }
0x3e: {  	_ =	shalt  }
0x3f: {  	_ =	shalt  }
0x40: {  	_ =	shalt  }
0x41: {  	_ =	shalt  }
0x42: {  	_ =	shalt  }
0x43: {  	_ =	shalt  }
0x44: {  	_ =	shalt  }
0x45: {  	_ =	shalt  }
0x46: {  	_ =	shalt  }
0x47: {  	_ =	shalt  }
0x48: {  	_ =	shalt  }
0x49: {  	_ =	shalt  }
0x4a: {  	_ =	shalt  }
0x4b: {  	_ =	shalt  }
0x4c: {  	_ =	shalt  }
0x4d: {  	_ =	shalt  }
0x4e: {  	_ =	shalt  }
0x4f: {  	_ =	shalt  }
0x50: {  	_ =	shalt  }
0x51: {  	_ =	shalt  }
0x52: {  	_ =	shalt  }
0x53: {  	_ =	shalt  }
0x54: {  	_ =	shalt  }
0x55: {  	_ =	shalt  }
0x56: {  	_ =	shalt  }
0x57: {  	_ =	shalt  }
0x58: {  	_ =	shalt  }
0x59: {  	_ =	shalt  }
0x5a: {  	_ =	shalt  }
0x5b: {  	_ =	shalt  }
0x5c: {  	_ =	shalt  }
0x5d: {  	_ =	shalt  }
0x5e: {  	_ =	shalt  }
0x5f: {  	_ =	shalt  }
0x60: {  	_ =	shalt  }
0x61: {  	_ =	shalt  }
0x62: {  	_ =	shalt  }
0x63: {  	_ =	shalt  }
0x64: {  	_ =	shalt  }
0x65: {  	_ =	shalt  }
0x66: {  	_ =	shalt  }
0x67: {  	_ =	shalt  }
0x68: {  	_ =	shalt  }
0x69: {  	_ =	shalt  }
0x6a: {  	_ =	shalt  }
0x6b: {  	_ =	shalt  }
0x6c: {  	_ =	shalt  }
0x6d: {  	_ =	shalt  }
0x6e: {  	_ =	shalt  }
0x6f: {  	_ =	shalt  }
0x70: {  	_ =	shalt  }
0x71: {  	_ =	shalt  }
0x72: {  	_ =	shalt  }
0x73: {  	_ =	shalt  }
0x74: {  	_ =	shalt  }
0x75: {  	_ =	shalt  }
0x76: {  	_ =	shalt  }
0x77: {  	_ =	shalt  }
0x78: {  	_ =	shalt  }
0x79: {  	_ =	shalt  }
0x7a: {  	_ =	shalt  }
0x7b: {  	_ =	shalt  }
0x7c: {  	_ =	shalt  }
0x7d: {  	_ =	shalt  }
0x7e: {  	_ =	shalt  }
0x7f: {  	_ =	shalt  }
0x80: {  	_ =	shalt  }
0x81: {  	_ =	shalt  }
0x82: {  	_ =	shalt  }
0x83: {  	_ =	shalt  }
0x84: {  	_ =	shalt  }
0x85: {  	_ =	shalt  }
0x86: {  	_ =	shalt  }
0x87: {  	_ =	shalt  }
.Lfunc_end0:
.L_simem_size_0:
called_computation.2_lowered:
.L_overlay_start_0:
0x88: {  	s2 =	sld [smem:$0x3FD9]  }
0x89: {  	s3 =	sld [smem:$0x3FFE];
	_ =	sdelay $0x1  }
0x8a: {  	s1 =	srdreg.scid  }
0x8b: {  	s0 =	sand.u32 $0x1, s1  }
0x8c: {  	s17 =	sshll.u32 s0, $0xA;
	s2 =	sadd.s32 s3, s2  }
0x8d: {  	s2 =	sadd.s32 s2, s17  }
0x8e: {  	[smem:$0x3FC0] =	sst s2  }
0x8f: {  	_ = 	snop  }
0x90: {  	s2 =	sld [smem:$0x3FD0];
	(tm) =	ssettm $0x1  }
0x91: {  	s18 =	sld [smem:$0x3FFB];
	_ =	sdelay $0x3  }
0x92: {  	_ =	strace s18  }
0x93: {  	s3 =	sld [smem:$0x3FFC];
	_ =	sdelay $0x3  }
0x94: {  	_ =	strace s3  }
0x95: {  	s3 =	sld [smem:$0x3FFD];
	_ =	sdelay $0x3  }
0x96: {  	_ =	strace s3  }
0x97: {  	_ =	strace $0x8FFFFFFF  }
0x98: {  	s19 =	sld [smem:$0x3FDB];
	_ =	sdelay $0x1  }
0x99: {  	s4 =	simm.s32 $_scs_section_size  }
0x9a: {  	s5 =	simm.s32 $_size__tile_overlayer_lowered;
	s6 =	simm.s32 $_tile_overlayer_lowered  }
0x9b: {  	s22 =	simm.s32 $0x1BFF;
	s21 =	sshll.u32 s6, $0x1;
	s3 =	sadd.s32 s4, s19  }
0x9c: {  	s7 =	simm.s32 $0x0;
	s20 =	sshll.u32 s5, $0x1;
	s5 =	sadd.s32 s21, s3  }
0x9d: {  	[timem:s7], [sflag:s22] =	dma.local [hbm:s5], s20  }
0x9e: {  	_ =	swait.ge [sflag:s22], s20  }
0x9f: {  	s4 =	ssub.s32 $0x0, s20;
	[sflag:s22] =	ssyncset.done $0x0  }
0xa0: {  	[sflag:s22] =	ssyncadd.s32 s4;
	_ =	sdelay $0x1  }
0xa1: {  	s23 =	simm.s32 $0x1B8B  }
0xa2: {  	_ =	swait.ge [sflag:s23], $0x1  }
0xa3: {  	[sflag:s23] =	ssyncset.done $0x0  }
0xa4: {  	s25 =	simm.s32 $0x1B8E;
	s24 =	sld [smem:$0x3FFE];
	[sflag:s23] =	ssyncadd.s32 $0xFFFFFFFF  }
0xa5: {  	s26 =	simm.s32 $execute0_lowered;
	[smem:$0x3FD2] =	sst s25  }
0xa6: {  	s5 =	sshll.u32 s26, $0x1;
	_ =	strace $0x8000004C;
	[dreg:$0x1] =	wrdreg $0xFFFFFFFF  }
0xa7: {  	s28 =	simm.s32 $_size_execute0_lowered;
	s3 =	sadd.s32 s3, s5;
	[dreg:$0x0] =	wrdreg $0x0  }
0xa8: {  	s5 =	sshll.u32 s28, $0x1;
	[dreg:$0x2] =	wrdreg s3  }
0xa9: {  	[dreg:$0x3] =	wrdreg s5  }
0xaa: {  	[dreg:$0x4] =	wrdreg $0xC0  }
0xab: {  	_ =	task [dreg:s7], $0x5FFFF  }
0xac: {  	[dreg:$0x1] =	wrdreg $0xFFFFFFFF  }
0xad: {  	[dreg:$0x0] =	wrdreg $0x60  }
0xae: {  	[dreg:$0x2] =	wrdreg s2  }
0xaf: {  	[dreg:$0x3] =	wrdreg s24  }
0xb0: {  	[dreg:$0x4] =	wrdreg $0xB2200  }
0xb1: {  	[dreg:$0x5] =	wrdreg $0x9  }
0xb2: {  	_ =	task.clear_ibuf [dreg:s7], $0x6FFFF;
	_ =	strace $0x9000004C  }
0xb3: {  	s29 =	simm.s32 $0x9;
	_ =	strace $0x8000004E  }
0xb4: {  	_ =	swait.ge [sflag:s29], $0x1  }
0xb5: {  	[sflag:s29] =	ssyncadd.s32 $0xFFFFFFFF  }
0xb6: {  	_ =	strace $0x9000004E  }
0xb7: {  	_ =	sfence  }
0xb8: {  	s30 =	sld [smem:$0x0];
	_ =	sdelay $0x2  }
0xb9: {  	s31 =	sshll.u32 s1, $0xD;
	s1 =	sshrl.u32 s1, $0x2  }
0xba: {  	s3 =	sand.u32 $0x4000, s31;
	s1 =	sadd.s32 s1, s30  }
0xbb: {  	s0 =	sor.u32 s3, s0;
	s1 =	sshll.u32 s1, $0x11  }
0xbc: {  	s0 =	sor.u32 s1, s0  }
0xbd: {  	s0 =	sadd.s32 $0x8F2B, s0  }
0xbe: {  	[sflag:s0] =	ssyncadd.remote.s32 $0x1  }
0xbf: {  	_ =	sfence.sel $0xFFFF  }
0xc0: {  	[dreg:$0x0] =	wrdreg $0xFFFFFFFF;
	(pc) =	sbr.abs _section_cstart, $3  }
0xc1: {  	[dreg:$0x1] =	wrdreg $0xFFFFFFFF  }
0xc2: {  	_ =	task.clear_ibuf [dreg:s7], $0x2FFFF;
	_ =	strace $0x9FFFFFFF  }
0xc3: {  	(tm) =	ssettm $0x7FFFFFFF  }
tec
execute0_lowered:
.L_overlay_start_1:
0x0: {  	(tag) =	ssettag $0x1  }
0x1: {  	s0 =	rddreg [dreg:$0x0]  }
0x2: {  	s1 =	srdreg.scid;
	s5 =	rddreg [dreg:$0x1]  }
0x3: {  	s2 =	rddreg [dreg:$0x2];
	s8 =	stileid.u32  }
0x4: {  	s3 =	simm.s32 $0x0;
	s12 =	simm.s32 $0x50;
	s13 =	simm.s32 $0x4E20  }
0x5: {  	s14 =	simm.s32 $0x6220;
	s16 =	simm.s32 $0x7620;
	s18 =	simm.s32 $0x8A20  }
0x6: {  	s19 =	simm.s32 $0x140;
	s20 =	simm.s32 $0x9E20;
	s21 =	simm.s32 $0x1  }
0x7: {  	s22 =	simm.s32 $0x2;
	s23 =	simm.s32 $0x3;
	s24 =	simm.s32 $0x4  }
0x8: {  	s25 =	simm.s32 $0x5;
	s26 =	simm.s32 $0x4C90;
	s28 =	simm.s32 $0x4CE0  }
0x9: {  	s29 =	simm.s32 $0x4D30;
	s30 =	simm.s32 $0x4D80;
	s1 =	sand.u32 $0x1, s1  }
0xa: {  	s31 =	simm.s32 $0x4DD0;
	[smem:$0x7FF] =	sst s3;
	s4 =	sshll.u32 s1, $0x4  }
0xb: {  	s6 =	smul.u32 $0x13880, s1;
	s1 =	ssub.s32 $0x2, s1;
	s4 =	sor.u32 s8, s4  }
0xc: {  	p0 =	sne.s32 s8, $0x0;
	s9 =	sshrl.u32 s1, $0x1;
	s4 =	smul.u32 $0x4E2, s4  }
0xd: {  	_ =	strace $0x8000004D;
	s10 =	sadd.s32 s6, s5;
	s1 =	ssub.s32 s1, s9  }
0xe: {  	s9 =	sshrl.u32 @!p0 s2, $0x3;
	s8 =	smax.u32 s1, $0x1;
	s7 =	sadd.s32 s4, s5  }
0xf: {  	s1 =	simm.s32 $0x0;
	s4 =	sadd.s32 $0x15600, s5;
	s5 =	sadd.s32 $0x1A00, s7  }
0x10: {  	s6 =	sadd.s32 $0xB800, s7;
	s7 =	sadd.s32 $0x29000, s10;
	s10 =	simm.s32 $0x6  }
.LBB2_1:
0x11: {  	s11 =	simm.s32 @!p0 $0x1C06  }
0x12: {  	[spmem:s9], [sflag:s11] =	dma.local @!p0 [hbm:s4], $0x13880  }
0x13: {  	s11 =	simm.s32 @!p0 $0x6  }
0x14: {  	_ =	swait.ge @!p0 [sflag:s11], $0x13880  }
0x15: {  	[sflag:s11] =	ssyncset.done @!p0 $0x0  }
0x16: {  	[sflag:s11] =	ssyncadd.s32 @!p0 $0xFFFEC780  }
0x17: {  	[tilespmem:s3], [sflag:$0x6] =	stream.linear.gather [hbm4b:s5+s3], $0x2710, $0x38;
	[tilespmem:$0x14E60] =	vst v63  }
0x18: {  	_ =	swait.ge [sflag:s10], $0x2710  }
0x19: {  	[sflag:s10] =	ssyncset.done $0x0  }
0x1a: {  	s15 =	simm.s32 $0x2710;
	[sflag:s10] =	ssyncadd.s32 $0xFFFFD8F0  }
0x1b: {  	[tilespmem:s15], [sflag:$0x6] =	stream.linear.gather [hbm4b:s6+s3], $0x2710, $0x38;
	[tilespmem:$0x14E60] =	vst v63  }
0x1c: {  	_ =	swait.ge [sflag:s10], $0x2710  }
0x1d: {  	[sflag:s10] =	ssyncset.done $0x0  }
0x1e: {  	[sflag:s10] =	ssyncadd.s32 $0xFFFFD8F0  }
0x1f: {  	[bflag:$0x0] =	sbarrier.arrive $0xFFFF  }
0x20: {  	[tilespmem:s13], [sflag:$0x1] =	stream.indirect.gather [hbm4b:s0+s12], $0x40, s3, s12, $0xb8;
	[tilespmem:$0x14E60] =	vst v63  }
0x21: {  	_ = 	snop  }
0x22: {  	[tilespmem:s14], [sflag:$0x2] =	stream.indirect.gather [hbm4b:s0+s12], $0x40, s12, s12, $0xb8;
	[tilespmem:$0x14E60] =	vst v63  }
0x23: {  	s17 =	simm.s32 $0xA0  }
0x24: {  	[tilespmem:s16], [sflag:$0x3] =	stream.indirect.gather [hbm4b:s0+s12], $0x40, s17, s12, $0xb8;
	[tilespmem:$0x14E60] =	vst v63  }
0x25: {  	s15 =	simm.s32 $0xF0  }
0x26: {  	[tilespmem:s18], [sflag:$0x4] =	stream.indirect.gather [hbm4b:s0+s12], $0x40, s15, s12, $0xb8;
	[tilespmem:$0x14E60] =	vst v63  }
0x27: {  	_ = 	snop  }
0x28: {  	[tilespmem:s20], [sflag:$0x5] =	stream.indirect.gather [hbm4b:s0+s12], $0x40, s19, s12, $0xb8;
	[tilespmem:$0x14E60] =	vst v63  }
0x29: {  	_ =	swait.ge [sflag:s21], $0x1400  }
0x2a: {  	[sflag:s21] =	ssyncset.done $0x0  }
0x2b: {  	s17 =	simm.s32 $0x2710;
	[sflag:s21] =	ssyncadd.s32 $0xFFFFEC00  }
0x2c: {  	[spmem:s2] =	stream.indirect.scatter.add.f32 [tilespmem:s13], [sflag:$0x6], $0x40, s17, s12, $0xb8;
	[tilespmem:$0x14E60] =	vst v63  }
0x2d: {  	_ =	swait.ge [sflag:s10], $0x1400  }
0x2e: {  	[sflag:s10] =	ssyncset.done $0x0  }
0x2f: {  	s15 =	simm.s32 $0x190;
	[sflag:s10] =	ssyncadd.s32 $0xFFFFEC00  }
0x30: {  	[tilespmem:s13], [sflag:$0x1] =	stream.indirect.gather [hbm4b:s0+s12], $0x40, s15, s12, $0xb8;
	[tilespmem:$0x14E60] =	vst v63  }
0x31: {  	_ =	swait.ge [sflag:s22], $0x1400  }
0x32: {  	[sflag:s22] =	ssyncset.done $0x0  }
0x33: {  	s17 =	simm.s32 $0x2760;
	[sflag:s22] =	ssyncadd.s32 $0xFFFFEC00  }
0x34: {  	[spmem:s2] =	stream.indirect.scatter.add.f32 [tilespmem:s14], [sflag:$0x6], $0x40, s17, s12, $0xb8;
	[tilespmem:$0x14E60] =	vst v63  }
0x35: {  	_ =	swait.ge [sflag:s10], $0x1400  }
0x36: {  	[sflag:s10] =	ssyncset.done $0x0  }
0x37: {  	s15 =	simm.s32 $0x1E0;
	[sflag:s10] =	ssyncadd.s32 $0xFFFFEC00  }
0x38: {  	[tilespmem:s14], [sflag:$0x2] =	stream.indirect.gather [hbm4b:s0+s12], $0x40, s15, s12, $0xb8;
	[tilespmem:$0x14E60] =	vst v63  }
0x39: {  	_ =	swait.ge [sflag:s23], $0x1400  }
0x3a: {  	[sflag:s23] =	ssyncset.done $0x0  }
0x3b: {  	s17 =	simm.s32 $0x27B0;
	[sflag:s23] =	ssyncadd.s32 $0xFFFFEC00  }
0x3c: {  	[spmem:s2] =	stream.indirect.scatter.add.f32 [tilespmem:s16], [sflag:$0x6], $0x40, s17, s12, $0xb8;
	[tilespmem:$0x14E60] =	vst v63  }
0x3d: {  	_ =	swait.ge [sflag:s10], $0x1400  }
0x3e: {  	[sflag:s10] =	ssyncset.done $0x0  }
0x3f: {  	s15 =	simm.s32 $0x230;
	[sflag:s10] =	ssyncadd.s32 $0xFFFFEC00  }
0x40: {  	[tilespmem:s16], [sflag:$0x3] =	stream.indirect.gather [hbm4b:s0+s12], $0x40, s15, s12, $0xb8;
	[tilespmem:$0x14E60] =	vst v63  }
0x41: {  	_ =	swait.ge [sflag:s24], $0x1400  }
0x42: {  	[sflag:s24] =	ssyncset.done $0x0  }
0x43: {  	s17 =	simm.s32 $0x2800;
	[sflag:s24] =	ssyncadd.s32 $0xFFFFEC00  }
0x44: {  	[spmem:s2] =	stream.indirect.scatter.add.f32 [tilespmem:s18], [sflag:$0x6], $0x40, s17, s12, $0xb8;
	[tilespmem:$0x14E60] =	vst v63  }
0x45: {  	_ =	swait.ge [sflag:s10], $0x1400  }
0x46: {  	[sflag:s10] =	ssyncset.done $0x0  }
0x47: {  	s15 =	simm.s32 $0x280;
	[sflag:s10] =	ssyncadd.s32 $0xFFFFEC00  }
0x48: {  	[tilespmem:s18], [sflag:$0x4] =	stream.indirect.gather [hbm4b:s0+s12], $0x40, s15, s12, $0xb8;
	[tilespmem:$0x14E60] =	vst v63  }
0x49: {  	_ =	swait.ge [sflag:s25], $0x1400  }
0x4a: {  	[sflag:s25] =	ssyncset.done $0x0  }
0x4b: {  	s17 =	simm.s32 $0x2850;
	[sflag:s25] =	ssyncadd.s32 $0xFFFFEC00  }
0x4c: {  	[spmem:s2] =	stream.indirect.scatter.add.f32 [tilespmem:s20], [sflag:$0x6], $0x40, s17, s12, $0xb8;
	[tilespmem:$0x14E60] =	vst v63  }
0x4d: {  	_ =	swait.ge [sflag:s10], $0x1400  }
0x4e: {  	[sflag:s10] =	ssyncset.done $0x0  }
0x4f: {  	s11 =	simm.s32 $0x640;
	s15 =	simm.s32 $0x2D0;
	[sflag:s10] =	ssyncadd.s32 $0xFFFFEC00  }
.LBB2_2:
0x50: {  	[tilespmem:s20], [sflag:$0x5] =	stream.indirect.gather [hbm4b:s0+s12], $0x40, s15, s12, $0xb8;
	[tilespmem:$0x14E60] =	vst v63  }
0x51: {  	s15 =	smov.u32 s11  }
0x52: {  	p1 =	sne.s32 s11, $0x8FC0;
	s11 =	sadd.s32 $0x640, s11;
	_ =	swait.ge [sflag:s21], $0x1400  }
0x53: {  	s15 =	sshra.s32 s15, $0x2;
	[sflag:s21] =	ssyncset.done $0x0  }
0x54: {  	s17 =	sadd.s32 $0x2710, s15;
	[sflag:s21] =	ssyncadd.s32 $0xFFFFEC00  }
0x55: {  	[spmem:s2] =	stream.indirect.scatter.add.f32 [tilespmem:s13], [sflag:$0x6], $0x40, s17, s12, $0xb8;
	[tilespmem:$0x14E60] =	vst v63  }
0x56: {  	_ =	swait.ge [sflag:s10], $0x1400  }
0x57: {  	[sflag:s10] =	ssyncset.done $0x0  }
0x58: {  	s17 =	sadd.s32 $0x190, s15;
	[sflag:s10] =	ssyncadd.s32 $0xFFFFEC00  }
0x59: {  	[tilespmem:s13], [sflag:$0x1] =	stream.indirect.gather [hbm4b:s0+s12], $0x40, s17, s12, $0xb8;
	[tilespmem:$0x14E60] =	vst v63  }
0x5a: {  	_ =	swait.ge [sflag:s22], $0x1400  }
0x5b: {  	[sflag:s22] =	ssyncset.done $0x0  }
0x5c: {  	s17 =	sadd.s32 $0x2760, s15;
	[sflag:s22] =	ssyncadd.s32 $0xFFFFEC00  }
0x5d: {  	[spmem:s2] =	stream.indirect.scatter.add.f32 [tilespmem:s14], [sflag:$0x6], $0x40, s17, s12, $0xb8;
	[tilespmem:$0x14E60] =	vst v63  }
0x5e: {  	_ =	swait.ge [sflag:s10], $0x1400  }
0x5f: {  	[sflag:s10] =	ssyncset.done $0x0  }
0x60: {  	s17 =	sadd.s32 $0x1E0, s15;
	[sflag:s10] =	ssyncadd.s32 $0xFFFFEC00  }
0x61: {  	[tilespmem:s14], [sflag:$0x2] =	stream.indirect.gather [hbm4b:s0+s12], $0x40, s17, s12, $0xb8;
	[tilespmem:$0x14E60] =	vst v63  }
0x62: {  	_ =	swait.ge [sflag:s23], $0x1400  }
0x63: {  	[sflag:s23] =	ssyncset.done $0x0  }
0x64: {  	s17 =	sadd.s32 $0x27B0, s15;
	[sflag:s23] =	ssyncadd.s32 $0xFFFFEC00  }
0x65: {  	[spmem:s2] =	stream.indirect.scatter.add.f32 [tilespmem:s16], [sflag:$0x6], $0x40, s17, s12, $0xb8;
	[tilespmem:$0x14E60] =	vst v63  }
0x66: {  	_ =	swait.ge [sflag:s10], $0x1400  }
0x67: {  	[sflag:s10] =	ssyncset.done $0x0  }
0x68: {  	s17 =	sadd.s32 $0x230, s15;
	[sflag:s10] =	ssyncadd.s32 $0xFFFFEC00  }
0x69: {  	[tilespmem:s16], [sflag:$0x3] =	stream.indirect.gather [hbm4b:s0+s12], $0x40, s17, s12, $0xb8;
	[tilespmem:$0x14E60] =	vst v63  }
0x6a: {  	_ =	swait.ge [sflag:s24], $0x1400  }
0x6b: {  	[sflag:s24] =	ssyncset.done $0x0  }
0x6c: {  	s17 =	sadd.s32 $0x2800, s15;
	[sflag:s24] =	ssyncadd.s32 $0xFFFFEC00  }
0x6d: {  	[spmem:s2] =	stream.indirect.scatter.add.f32 [tilespmem:s18], [sflag:$0x6], $0x40, s17, s12, $0xb8;
	[tilespmem:$0x14E60] =	vst v63  }
0x6e: {  	_ =	swait.ge [sflag:s10], $0x1400  }
0x6f: {  	[sflag:s10] =	ssyncset.done $0x0  }
0x70: {  	s17 =	sadd.s32 $0x280, s15;
	[sflag:s10] =	ssyncadd.s32 $0xFFFFEC00  }
0x71: {  	[tilespmem:s18], [sflag:$0x4] =	stream.indirect.gather [hbm4b:s0+s12], $0x40, s17, s12, $0xb8;
	[tilespmem:$0x14E60] =	vst v63  }
0x72: {  	_ =	swait.ge [sflag:s25], $0x1400  }
0x73: {  	[sflag:s25] =	ssyncset.done $0x0  }
.Ltmp0:
0x74: {  	s17 =	sadd.s32 $0x2850, s15;
	[sflag:s25] =	ssyncadd.s32 $0xFFFFEC00;
	(pc) =	sbr.rel @p1 .LBB2_2-.Ltmp0, $4  }
0x75: {  	[spmem:s2] =	stream.indirect.scatter.add.f32 [tilespmem:s20], [sflag:$0x6], $0x40, s17, s12, $0xb8;
	[tilespmem:$0x14E60] =	vst v63  }
0x76: {  	_ =	swait.ge [sflag:s10], $0x1400  }
0x77: {  	[sflag:s10] =	ssyncset.done $0x0  }
0x78: {  	s15 =	sadd.s32 $0x2D0, s15;
	[sflag:s10] =	ssyncadd.s32 $0xFFFFEC00  }
0x79: {  	[tilespmem:s20], [sflag:$0x5] =	stream.indirect.gather [hbm4b:s0+s12], $0x40, s15, s12, $0xb8;
	[tilespmem:$0x14E60] =	vst v63  }
0x7a: {  	_ =	swait.ge [sflag:s21], $0x1400  }
0x7b: {  	[sflag:s21] =	ssyncset.done $0x0  }
0x7c: {  	[sflag:s21] =	ssyncadd.s32 $0xFFFFEC00  }
0x7d: {  	[spmem:s2] =	stream.indirect.scatter.add.f32 [tilespmem:s13], [sflag:$0x6], $0x40, s26, s12, $0xb8;
	[tilespmem:$0x14E60] =	vst v63  }
0x7e: {  	_ =	swait.ge [sflag:s10], $0x1400  }
0x7f: {  	[sflag:s10] =	ssyncset.done $0x0  }
0x80: {  	[sflag:s10] =	ssyncadd.s32 $0xFFFFEC00  }
0x81: {  	_ =	swait.ge [sflag:s22], $0x1400  }
0x82: {  	[sflag:s22] =	ssyncset.done $0x0  }
0x83: {  	[sflag:s22] =	ssyncadd.s32 $0xFFFFEC00  }
0x84: {  	[spmem:s2] =	stream.indirect.scatter.add.f32 [tilespmem:s14], [sflag:$0x6], $0x40, s28, s12, $0xb8;
	[tilespmem:$0x14E60] =	vst v63  }
0x85: {  	_ =	swait.ge [sflag:s10], $0x1400  }
0x86: {  	[sflag:s10] =	ssyncset.done $0x0  }
0x87: {  	[sflag:s10] =	ssyncadd.s32 $0xFFFFEC00  }
0x88: {  	_ =	swait.ge [sflag:s23], $0x1400  }
0x89: {  	[sflag:s23] =	ssyncset.done $0x0  }
0x8a: {  	[sflag:s23] =	ssyncadd.s32 $0xFFFFEC00  }
0x8b: {  	[spmem:s2] =	stream.indirect.scatter.add.f32 [tilespmem:s16], [sflag:$0x6], $0x40, s29, s12, $0xb8;
	[tilespmem:$0x14E60] =	vst v63  }
0x8c: {  	_ =	swait.ge [sflag:s10], $0x1400  }
0x8d: {  	[sflag:s10] =	ssyncset.done $0x0  }
0x8e: {  	[sflag:s10] =	ssyncadd.s32 $0xFFFFEC00  }
0x8f: {  	_ =	swait.ge [sflag:s24], $0x1400  }
0x90: {  	[sflag:s24] =	ssyncset.done $0x0  }
0x91: {  	[sflag:s24] =	ssyncadd.s32 $0xFFFFEC00  }
0x92: {  	[spmem:s2] =	stream.indirect.scatter.add.f32 [tilespmem:s18], [sflag:$0x6], $0x40, s30, s12, $0xb8;
	[tilespmem:$0x14E60] =	vst v63  }
0x93: {  	_ =	swait.ge [sflag:s10], $0x1400  }
0x94: {  	[sflag:s10] =	ssyncset.done $0x0  }
0x95: {  	[sflag:s10] =	ssyncadd.s32 $0xFFFFEC00  }
0x96: {  	_ =	swait.ge [sflag:s25], $0x1400  }
0x97: {  	[sflag:s25] =	ssyncset.done $0x0  }
0x98: {  	[sflag:s25] =	ssyncadd.s32 $0xFFFFEC00  }
0x99: {  	[spmem:s2] =	stream.indirect.scatter.add.f32 [tilespmem:s20], [sflag:$0x6], $0x40, s31, s12, $0xb8;
	[tilespmem:$0x14E60] =	vst v63  }
0x9a: {  	_ =	swait.ge [sflag:s10], $0x1400  }
0x9b: {  	[sflag:s10] =	ssyncset.done $0x0  }
0x9c: {  	s1 =	sadd.s32 $0x1, s1;
	[sflag:s10] =	ssyncadd.s32 $0xFFFFEC00  }
0x9d: {  	s11 =	simm.s32 @!p0 $0x1C06;
	p1 =	sne.s32 s1, s8;
	[bflag:$0x0] =	sbarrier.arrive $0xFFFF  }
0x9e: {  	[hbm:s7], [sflag:s11] =	dma.local @!p0 [spmem:s9], $0x13880  }
.Ltmp1:
0x9f: {  	_ = 	snop;
	(pc) =	sbr.rel @p1 .LBB2_1-.Ltmp1, $4  }
0xa0: {  	s11 =	simm.s32 @!p0 $0x6  }
0xa1: {  	_ =	swait.ge @!p0 [sflag:s11], $0x13880  }
0xa2: {  	[sflag:s11] =	ssyncset.done @!p0 $0x0  }
0xa3: {  	[sflag:s11] =	ssyncadd.s32 @!p0 $0xFFFEC780  }
0xa4: {  	_ =	sfence.sel $0x180000  }
0xa5: {  	[bflag:$0x0] =	sbarrier.arrive $0xFFFF  }
0xa6: {  	_ =	strace $0x9000004D  }
0xa7: {  	[bflag:$0x2] =	sbarrier.arrive $0xFFFF  }
0xa8: {  	s0 =	rddreg [dreg:$0x3]  }
0xa9: {  	s0 =	sadd.s32 @!p0 $0x100000, s0  }
0xaa: {  	[sflag:s0] =	ssyncadd.tile.s32 @!p0 $0x1;
	_ =	shalt  }
.Lfunc_end2:
_tile_overlayer_lowered:
.L_overlay_start_2:
0xab: {  	(tag) =	ssettag $0x2  }
0xac: {  	s0 =	rddreg [dreg:$0x0];
	s2 =	stileid.u32  }
0xad: {  	s1 =	rddreg [dreg:$0x1];
	p0 =	sne.s32 s2, $0x0  }
0xae: {  	s3 =	rddreg [dreg:$0x2];
	[bflag:$0x3] =	sbarrier.arrive $0xFFFF;
	s2 =	simm.s32 @!p0 $0x1C06  }
0xaf: {  	[timem:s3], [sflag:s2] =	dma.local @!p0 [hbm:s0], s1  }
0xb0: {  	s0 =	simm.s32 @!p0 $0x6  }
0xb1: {  	_ =	swait.ge @!p0 [sflag:s0], s1  }
0xb2: {  	s1 =	ssub.s32 @!p0 $0x0, s1;
	[sflag:s0] =	ssyncset.done @!p0 $0x0  }
0xb3: {  	[sflag:s0] =	ssyncadd.s32 @!p0 s1  }
0xb4: {  	[bflag:$0x3] =	sbarrier.arrive $0xFFFF  }
0xb5: {  	_ =	shalt  }

// kernel: kernel.8.cloned.1.call-start
scs
__scs_entry_jumppad:
0x0: {  	(pc) =	sbr.rel $0x88, $3  }
0x1: {  	(tag) =	ssettag $0x0;
	lr =	simm.s32 $0x1  }
0x2: {  	[smem:$0x3F99] =	sst lr;
	_ =	strace $0xD0000000  }
0x3: {  	_ = 	snop  }
0x4: {  	_ = 	snop  }
0x5: {  	_ = 	snop  }
0x6: {  	_ = 	snop  }
0x7: {  	_ = 	snop  }
__scs_overlays_trampoline_lowered:
0x8: {  	[smem:$0x3FA8] =	sst s0  }
0x9: {  	[smem:$0x3FA9] =	sst s1  }
0xa: {  	[smem:$0x3FAA] =	sst s2  }
0xb: {  	[smem:$0x3FAB] =	sst s3  }
0xc: {  	[smem:$0x3FAC] =	sst s4  }
0xd: {  	[smem:$0x3FAD] =	sst s5  }
0xe: {  	[smem:$0x3FAE] =	sst s6  }
0xf: {  	[smem:$0x3FAF] =	sst s7  }
0x10: {  	[smem:$0x3FB0] =	sst s8  }
0x11: {  	[smem:$0x3FB1] =	sst s9;
	s0 =	simm.s32 @!p0 $0x0  }
0x12: {  	s1 =	sld [smem:$0x3F97];
	s0 =	simm.s32 @p0 $0x1  }
0x13: {  	[smem:$0x3FB2] =	sst s0;
	s0 =	simm.s32 @!p1 $0x0  }
0x14: {  	s2 =	sld [smem:$0x3F96];
	s0 =	simm.s32 @p1 $0x1  }
0x15: {  	[smem:$0x3FB3] =	sst s0;
	s0 =	simm.s32 @!p2 $0x0  }
0x16: {  	s3 =	sld [smem:$0x3FDB];
	s0 =	simm.s32 @p2 $0x1  }
0x17: {  	s4 =	simm.s32 $0x1BF5;
	[smem:$0x3FB5] =	sst s0  }
0x18: {  	s0 =	sld [smem:$0x3F98];
	_ =	swait.ge [sflag:s4], $0x0  }
0x19: {  	s7 =	sld [smem:$0x3F99]  }
0x1a: {  	s8 =	sadd.s32 $0xFFFFE003, lr  }
0x1b: {  	s9 =	sadd.s32 $0xFFFFFEF7, lr;
	s5 =	simm.s32 $0xFFFFFFFF;
	p2 =	slt.u32 s8, $0xFFFFF086  }
0x1c: {  	p1 =	slt.u32 s9, $0xF7A;
	s5 =	simm.s32 @!p2 $0x0  }
0x1d: {  	s5 =	simm.s32 @p1 $0x1;
	p0 =	seq.s32 s7, s2  }
0x1e: {  	s7 =	smul.u32 @!p0 $0xF7A, s2;
	p2 =	seq.s32 @!p0 s5, $0x0  }
0x1f: {  	s9 =	smul.u32 $0xF7A, s1;
	s8 =	simm.s32 @!p0 $0x1BF5;
	p2 =	por !p2, p0  }
0x20: {  	[sflag:s8] =	ssyncset.s32 @!p0 $0xFFFFF086;
	s6 =	sadd.s32 @!p0 s3, s7;
	s7 =	simm.s32 @!p0 $0x108  }
0x21: {  	s3 =	sadd.s32 s3, s9;
	s6 =	sadd.s32 @!p0 $0x88, s6;
	s7 =	simm.s32 @p2 $0x1082  }
0x22: {  	[simem:s7], [sflag:s8] =	dma.local @!p0 [hbm:s6], $0xF7A  }
0x23: {  	s9 =	sor.u32 $0xD0000000, s2;
	s6 =	simm.s32 $0x108;
	_ =	swait.ge @!p0 [sflag:s8], $0x0  }
0x24: {  	s3 =	sadd.s32 $0x88, s3;
	s6 =	simm.s32 @!p1 $0x1082;
	[sflag:s4] =	ssyncset.s32 $0xFFFFF086  }
0x25: {  	[simem:s6], [sflag:s4] =	dma.local [hbm:s3], $0xF7A  }
0x26: {  	[smem:$0x3F99] =	sst s1;
	(tag) =	ssettag s2;
	_ =	strace s9  }
0x27: {  	s1 =	sld [smem:$0x3FA9]  }
0x28: {  	s2 =	sld [smem:$0x3FAA]  }
0x29: {  	s4 =	sld [smem:$0x3FAC]  }
0x2a: {  	p0 =	seq.s32 s5, $0x0;
	s5 =	sld [smem:$0x3FAD]  }
0x2b: {  	s6 =	sld [smem:$0x3FAE]  }
0x2c: {  	s7 =	sld [smem:$0x3FAF]  }
0x2d: {  	s3 =	simm.s32 $0x108;
	s8 =	sld [smem:$0x3FB0]  }
0x2e: {  	s3 =	simm.s32 @!p0 $0x1082;
	s9 =	sld [smem:$0x3FB1]  }
0x2f: {  	lr =	sadd.s32 s0, s3;
	s0 =	sld [smem:$0x3FA8]  }
0x30: {  	s3 =	sld [smem:$0x3FAB]  }
0x31: {  	[smem:$0x3FB4] =	sst s10  }
0x32: {  	s10 =	sld [smem:$0x3FB2];
	_ =	sdelay $0x3  }
0x33: {  	p0 =	seq.s32 s10, $0x1;
	s10 =	sld [smem:$0x3FB4];
	_ =	sdelay $0x3  }
0x34: {  	[smem:$0x3FB4] =	sst s10  }
0x35: {  	s10 =	sld [smem:$0x3FB3];
	_ =	sdelay $0x3  }
0x36: {  	p1 =	seq.s32 s10, $0x1;
	s10 =	sld [smem:$0x3FB4];
	_ =	sdelay $0x3  }
0x37: {  	[smem:$0x3FB4] =	sst s10  }
0x38: {  	s10 =	sld [smem:$0x3FB5]  }
0x39: {  	_ = 	snop;
	(pc) =	sbr.ind lr, $3  }
0x3a: {  	_ = 	snop  }
0x3b: {  	_ = 	snop  }
0x3c: {  	p2 =	seq.s32 s10, $0x1;
	s10 =	sld [smem:$0x3FB4]  }
0x3d: {  	_ =	shalt  }
0x3e: {  	_ =	shalt  }
0x3f: {  	_ =	shalt  }
0x40: {  	_ =	shalt  }
0x41: {  	_ =	shalt  }
0x42: {  	_ =	shalt  }
0x43: {  	_ =	shalt  }
0x44: {  	_ =	shalt  }
0x45: {  	_ =	shalt  }
0x46: {  	_ =	shalt  }
0x47: {  	_ =	shalt  }
0x48: {  	_ =	shalt  }
0x49: {  	_ =	shalt  }
0x4a: {  	_ =	shalt  }
0x4b: {  	_ =	shalt  }
0x4c: {  	_ =	shalt  }
0x4d: {  	_ =	shalt  }
0x4e: {  	_ =	shalt  }
0x4f: {  	_ =	shalt  }
0x50: {  	_ =	shalt  }
0x51: {  	_ =	shalt  }
0x52: {  	_ =	shalt  }
0x53: {  	_ =	shalt  }
0x54: {  	_ =	shalt  }
0x55: {  	_ =	shalt  }
0x56: {  	_ =	shalt  }
0x57: {  	_ =	shalt  }
0x58: {  	_ =	shalt  }
0x59: {  	_ =	shalt  }
0x5a: {  	_ =	shalt  }
0x5b: {  	_ =	shalt  }
0x5c: {  	_ =	shalt  }
0x5d: {  	_ =	shalt  }
0x5e: {  	_ =	shalt  }
0x5f: {  	_ =	shalt  }
0x60: {  	_ =	shalt  }
0x61: {  	_ =	shalt  }
0x62: {  	_ =	shalt  }
0x63: {  	_ =	shalt  }
0x64: {  	_ =	shalt  }
0x65: {  	_ =	shalt  }
0x66: {  	_ =	shalt  }
0x67: {  	_ =	shalt  }
0x68: {  	_ =	shalt  }
0x69: {  	_ =	shalt  }
0x6a: {  	_ =	shalt  }
0x6b: {  	_ =	shalt  }
0x6c: {  	_ =	shalt  }
0x6d: {  	_ =	shalt  }
0x6e: {  	_ =	shalt  }
0x6f: {  	_ =	shalt  }
0x70: {  	_ =	shalt  }
0x71: {  	_ =	shalt  }
0x72: {  	_ =	shalt  }
0x73: {  	_ =	shalt  }
0x74: {  	_ =	shalt  }
0x75: {  	_ =	shalt  }
0x76: {  	_ =	shalt  }
0x77: {  	_ =	shalt  }
0x78: {  	_ =	shalt  }
0x79: {  	_ =	shalt  }
0x7a: {  	_ =	shalt  }
0x7b: {  	_ =	shalt  }
0x7c: {  	_ =	shalt  }
0x7d: {  	_ =	shalt  }
0x7e: {  	_ =	shalt  }
0x7f: {  	_ =	shalt  }
0x80: {  	_ =	shalt  }
0x81: {  	_ =	shalt  }
0x82: {  	_ =	shalt  }
0x83: {  	_ =	shalt  }
0x84: {  	_ =	shalt  }
0x85: {  	_ =	shalt  }
0x86: {  	_ =	shalt  }
0x87: {  	_ =	shalt  }
.Lfunc_end0:
.L_simem_size_0:
called_computation_lowered:
.L_overlay_start_0:
0x88: {  	s2 =	sld [smem:$0x3FD9]  }
0x89: {  	s3 =	sld [smem:$0x3FFE];
	_ =	sdelay $0x1  }
0x8a: {  	s1 =	srdreg.scid  }
0x8b: {  	s0 =	sand.u32 $0x1, s1  }
0x8c: {  	s17 =	sshll.u32 s0, $0xA;
	s2 =	sadd.s32 s3, s2  }
0x8d: {  	s2 =	sadd.s32 s2, s17  }
0x8e: {  	[smem:$0x3FC0] =	sst s2  }
0x8f: {  	_ = 	snop  }
0x90: {  	s2 =	sld [smem:$0x3FD0];
	(tm) =	ssettm $0x1  }
0x91: {  	s18 =	sld [smem:$0x3FFB];
	_ =	sdelay $0x3  }
0x92: {  	_ =	strace s18  }
0x93: {  	s3 =	sld [smem:$0x3FFC];
	_ =	sdelay $0x3  }
0x94: {  	_ =	strace s3  }
0x95: {  	s3 =	sld [smem:$0x3FFD];
	_ =	sdelay $0x3  }
0x96: {  	_ =	strace s3  }
0x97: {  	_ =	strace $0x8FFFFFFF  }
0x98: {  	s19 =	sld [smem:$0x3FDB];
	_ =	sdelay $0x1  }
0x99: {  	s4 =	simm.s32 $_scs_section_size  }
0x9a: {  	s5 =	simm.s32 $_size__tile_overlayer_lowered;
	s6 =	simm.s32 $_tile_overlayer_lowered  }
0x9b: {  	s22 =	simm.s32 $0x1BFF;
	s21 =	sshll.u32 s6, $0x1;
	s3 =	sadd.s32 s4, s19  }
0x9c: {  	s7 =	simm.s32 $0x0;
	s20 =	sshll.u32 s5, $0x1;
	s5 =	sadd.s32 s21, s3  }
0x9d: {  	[timem:s7], [sflag:s22] =	dma.local [hbm:s5], s20  }
0x9e: {  	_ =	swait.ge [sflag:s22], s20  }
0x9f: {  	s4 =	ssub.s32 $0x0, s20;
	[sflag:s22] =	ssyncset.done $0x0  }
0xa0: {  	[sflag:s22] =	ssyncadd.s32 s4;
	_ =	sdelay $0x1  }
0xa1: {  	s23 =	simm.s32 $0x1B8B  }
0xa2: {  	_ =	swait.ge [sflag:s23], $0x1  }
0xa3: {  	[sflag:s23] =	ssyncset.done $0x0  }
0xa4: {  	s25 =	simm.s32 $0x1B8E;
	s24 =	sld [smem:$0x3FFE];
	[sflag:s23] =	ssyncadd.s32 $0xFFFFFFFF  }
0xa5: {  	s26 =	simm.s32 $execute0_lowered;
	[smem:$0x3FD2] =	sst s25  }
0xa6: {  	s5 =	sshll.u32 s26, $0x1;
	_ =	strace $0x80000046;
	[dreg:$0x1] =	wrdreg $0xFFFFFFFF  }
0xa7: {  	s28 =	simm.s32 $_size_execute0_lowered;
	s3 =	sadd.s32 s3, s5;
	[dreg:$0x0] =	wrdreg $0x0  }
0xa8: {  	s5 =	sshll.u32 s28, $0x1;
	[dreg:$0x2] =	wrdreg s3  }
0xa9: {  	[dreg:$0x3] =	wrdreg s5  }
0xaa: {  	[dreg:$0x4] =	wrdreg $0xC0  }
0xab: {  	_ =	task [dreg:s7], $0x5FFFF  }
0xac: {  	[dreg:$0x1] =	wrdreg $0xFFFFFFFF  }
0xad: {  	[dreg:$0x0] =	wrdreg $0x60  }
0xae: {  	[dreg:$0x2] =	wrdreg s24  }
0xaf: {  	[dreg:$0x3] =	wrdreg s2  }
0xb0: {  	[dreg:$0x4] =	wrdreg $0x27600  }
0xb1: {  	[dreg:$0x5] =	wrdreg $0x9  }
0xb2: {  	_ =	task.clear_ibuf [dreg:s7], $0x6FFFF;
	_ =	strace $0x90000046  }
0xb3: {  	s29 =	simm.s32 $0x9;
	_ =	strace $0x80000048  }
0xb4: {  	_ =	swait.ge [sflag:s29], $0x1  }
0xb5: {  	[sflag:s29] =	ssyncadd.s32 $0xFFFFFFFF  }
0xb6: {  	_ =	strace $0x90000048  }
0xb7: {  	_ =	sfence  }
0xb8: {  	s30 =	sld [smem:$0x0];
	_ =	sdelay $0x2  }
0xb9: {  	s31 =	sshll.u32 s1, $0xD;
	s1 =	sshrl.u32 s1, $0x2  }
0xba: {  	s3 =	sand.u32 $0x4000, s31;
	s1 =	sadd.s32 s1, s30  }
0xbb: {  	s0 =	sor.u32 s3, s0;
	s1 =	sshll.u32 s1, $0x11  }
0xbc: {  	s0 =	sor.u32 s1, s0  }
0xbd: {  	s0 =	sadd.s32 $0x8F2B, s0  }
0xbe: {  	[sflag:s0] =	ssyncadd.remote.s32 $0x1  }
0xbf: {  	_ =	sfence.sel $0xFFFF  }
0xc0: {  	[dreg:$0x0] =	wrdreg $0xFFFFFFFF;
	(pc) =	sbr.abs _section_cstart, $3  }
0xc1: {  	[dreg:$0x1] =	wrdreg $0xFFFFFFFF  }
0xc2: {  	_ =	task.clear_ibuf [dreg:s7], $0x2FFFF;
	_ =	strace $0x9FFFFFFF  }
0xc3: {  	(tm) =	ssettm $0x7FFFFFFF  }
tec
execute0_lowered:
.L_overlay_start_1:
0x0: {  	(tag) =	ssettag $0x1  }
0x1: {  	s3 =	rddreg [dreg:$0x0]  }
0x2: {  	s5 =	rddreg [dreg:$0x1]  }
0x3: {  	s0 =	srdreg.scid;
	s1 =	rddreg [dreg:$0x2]  }
0x4: {  	s6 =	stileid.u32;
	s2 =	simm.s32 $0x0;
	s11 =	simm.s32 $0xA0  }
0x5: {  	s12 =	simm.s32 $0xF0;
	s4 =	sand.u32 $0x1, s0;
	s0 =	rddreg [dreg:$0x3]  }
0x6: {  	s13 =	simm.s32 $0x1;
	s14 =	simm.s32 $0x0;
	[smem:$0x7FF] =	sst s2  }
0x7: {  	p0 =	sne.s32 s6, $0x0;
	s7 =	sshll.u32 s4, $0x4;
	s8 =	ssub.s32 $0x2, s4  }
0x8: {  	s10 =	smul.u32 $0x4E2, s4;
	s7 =	sor.u32 s6, s7;
	s9 =	sshrl.u32 s8, $0x1  }
0x9: {  	_ =	strace $0x80000047;
	s7 =	smul.u32 $0x4E2, s7;
	s31 =	ssub.s32 s8, s9  }
0xa: {  	s5 =	sadd.s32 s5, s10;
	s8 =	simm.s32 $0x2;
	s9 =	simm.s32 $0x50  }
0xb: {  	s10 =	simm.s32 $0x2710;
	s6 =	smax.u32 s31, $0x1;
	s30 =	sadd.s32 s7, s3  }
0xc: {  	v0 =	vimm.f32 $1.000000000e+00;
	s3 =	sadd.s32 $0x15600, s3;
	s7 =	sshrl.u32 @!p0 s1, $0x3;
	s4 =	sadd.s32 $0xB800, s30  }
.LBB2_1:
0xd: {  	[tilespmem:$0x2710] =	vst v0  }
0xe: {  	[tilespmem:$0x2720] =	vst v0  }
0xf: {  	[tilespmem:$0x2730] =	vst v0  }
0x10: {  	[tilespmem:$0x2740] =	vst v0  }
0x11: {  	[tilespmem:$0x2750] =	vst v0;
	s15 =	simm.s32 @!p0 $0x1C02  }
0x12: {  	[spmem:s7], [sflag:s15] =	dma.local @!p0 [hbm:s3], $0x4E2  }
0x13: {  	s15 =	simm.s32 @!p0 $0x2  }
0x14: {  	_ =	swait.ge @!p0 [sflag:s15], $0x4E2  }
0x15: {  	[sflag:s15] =	ssyncset.done @!p0 $0x0  }
0x16: {  	[sflag:s15] =	ssyncadd.s32 @!p0 $0xFFFFFB1E  }
0x17: {  	[tilespmem:s2], [sflag:$0x2] =	stream.linear.gather [hbm4b:s4+s2], $0x2710, $0x38;
	[tilespmem:$0x29D8] =	vst v63  }
0x18: {  	_ =	swait.ge [sflag:s8], $0x2710  }
0x19: {  	[sflag:s8] =	ssyncset.done $0x0  }
0x1a: {  	[sflag:s8] =	ssyncadd.s32 $0xFFFFD8F0  }
0x1b: {  	[bflag:$0x0] =	sbarrier.arrive $0xFFFF  }
0x1c: {  	[spmem:s1] =	stream.indirect.scatter.add.f32 [tilespmem:s10], [sflag:$0x1], $0x1, s2, s9, $0xb8;
	[tilespmem:$0x29D8] =	vst v63  }
0x1d: {  	_ = 	snop  }
0x1e: {  	[spmem:s1] =	stream.indirect.scatter.add.f32 [tilespmem:s10], [sflag:$0x1], $0x1, s9, s9, $0xb8;
	[tilespmem:$0x29D8] =	vst v63  }
0x1f: {  	_ = 	snop  }
0x20: {  	[spmem:s1] =	stream.indirect.scatter.add.f32 [tilespmem:s10], [sflag:$0x1], $0x1, s11, s9, $0xb8;
	[tilespmem:$0x29D8] =	vst v63  }
0x21: {  	_ = 	snop  }
0x22: {  	[spmem:s1] =	stream.indirect.scatter.add.f32 [tilespmem:s10], [sflag:$0x1], $0x1, s12, s9, $0xb8;
	[tilespmem:$0x29D8] =	vst v63  }
0x23: {  	s31 =	simm.s32 $0x140  }
0x24: {  	[spmem:s1] =	stream.indirect.scatter.add.f32 [tilespmem:s10], [sflag:$0x1], $0x1, s31, s9, $0xb8;
	[tilespmem:$0x29D8] =	vst v63  }
0x25: {  	_ =	swait.ge [sflag:s13], $0x50  }
0x26: {  	s15 =	simm.s32 $0x640;
	[sflag:s13] =	ssyncset.done $0x0  }
.LBB2_2:
0x27: {  	s16 =	sshra.s32 s15, $0x2;
	[sflag:s13] =	ssyncadd.s32 $0xFFFFFFB0;
	p1 =	sne.s32 s15, $0x9B00  }
0x28: {  	[spmem:s1] =	stream.indirect.scatter.add.f32 [tilespmem:s10], [sflag:$0x1], $0x1, s16, s9, $0xb8;
	[tilespmem:$0x29D8] =	vst v63  }
.Ltmp0:
0x29: {  	_ = 	snop;
	(pc) =	sbr.rel @p1 .LBB2_2-.Ltmp0, $4  }
0x2a: {  	_ = 	snop  }
0x2b: {  	s15 =	sadd.s32 $0x140, s15  }
0x2c: {  	_ =	swait.ge [sflag:s13], $0x50  }
0x2d: {  	[sflag:s13] =	ssyncset.done $0x0  }
0x2e: {  	[sflag:s13] =	ssyncadd.s32 $0xFFFFFFB0  }
0x2f: {  	_ =	swait.ge [sflag:s13], $0x50  }
0x30: {  	[sflag:s13] =	ssyncset.done $0x0  }
0x31: {  	[sflag:s13] =	ssyncadd.s32 $0xFFFFFFB0  }
0x32: {  	_ =	swait.ge [sflag:s13], $0x50  }
0x33: {  	[sflag:s13] =	ssyncset.done $0x0  }
0x34: {  	[sflag:s13] =	ssyncadd.s32 $0xFFFFFFB0  }
0x35: {  	_ =	swait.ge [sflag:s13], $0x50  }
0x36: {  	[sflag:s13] =	ssyncset.done $0x0  }
0x37: {  	[sflag:s13] =	ssyncadd.s32 $0xFFFFFFB0  }
0x38: {  	_ =	swait.ge [sflag:s13], $0x50  }
0x39: {  	[sflag:s13] =	ssyncset.done $0x0  }
0x3a: {  	s14 =	sadd.s32 $0x1, s14;
	[sflag:s13] =	ssyncadd.s32 $0xFFFFFFB0  }
0x3b: {  	s15 =	simm.s32 @!p0 $0x1C02;
	p1 =	sne.s32 s14, s6;
	[bflag:$0x0] =	sbarrier.arrive $0xFFFF  }
0x3c: {  	[hbm:s5], [sflag:s15] =	dma.local @!p0 [spmem:s7], $0x4E2  }
.Ltmp1:
0x3d: {  	_ = 	snop;
	(pc) =	sbr.rel @p1 .LBB2_1-.Ltmp1, $4  }
0x3e: {  	s15 =	simm.s32 @!p0 $0x2  }
0x3f: {  	_ =	swait.ge @!p0 [sflag:s15], $0x4E2  }
0x40: {  	[sflag:s15] =	ssyncset.done @!p0 $0x0  }
0x41: {  	[sflag:s15] =	ssyncadd.s32 @!p0 $0xFFFFFB1E  }
0x42: {  	_ =	sfence.sel $0x180000  }
0x43: {  	[bflag:$0x0] =	sbarrier.arrive $0xFFFF  }
0x44: {  	_ =	strace $0x90000047  }
0x45: {  	s0 =	sadd.s32 @!p0 $0x100000, s0;
	[bflag:$0x2] =	sbarrier.arrive $0xFFFF  }
0x46: {  	[sflag:s0] =	ssyncadd.tile.s32 @!p0 $0x1;
	_ =	shalt  }
.Lfunc_end2:
_tile_overlayer_lowered:
.L_overlay_start_2:
0x47: {  	(tag) =	ssettag $0x2  }
0x48: {  	s0 =	rddreg [dreg:$0x0];
	s2 =	stileid.u32  }
0x49: {  	s1 =	rddreg [dreg:$0x1];
	p0 =	sne.s32 s2, $0x0  }
0x4a: {  	s3 =	rddreg [dreg:$0x2];
	[bflag:$0x3] =	sbarrier.arrive $0xFFFF;
	s2 =	simm.s32 @!p0 $0x1C02  }
0x4b: {  	[timem:s3], [sflag:s2] =	dma.local @!p0 [hbm:s0], s1  }
0x4c: {  	s0 =	simm.s32 @!p0 $0x2  }
0x4d: {  	_ =	swait.ge @!p0 [sflag:s0], s1  }
0x4e: {  	s1 =	ssub.s32 @!p0 $0x0, s1;
	[sflag:s0] =	ssyncset.done @!p0 $0x0  }
0x4f: {  	[sflag:s0] =	ssyncadd.s32 @!p0 s1  }
0x50: {  	[bflag:$0x3] =	sbarrier.arrive $0xFFFF  }
0x51: {  	_ =	shalt  }

</sc_bundles>
